<compile_context>
chip_gen: v7x
topology: tpu7x:2x2x1
jax: 0.10.2.dev20260603
libtpu: 0.0.44.dev20260713+nightly
codegen_flags: <defaults>
</compile_context>

<pallas_src>
import functools

import jax
import jax.numpy as jnp
from jax import lax
from jax.experimental import pallas as pl
from jax.experimental.pallas import tpu as pltpu
from jax.experimental.pallas import tpu_sc as plsc

RANK = 32
BATCH = 16384

_INFO = plsc.get_sparse_core_info()
_NC = _INFO.num_cores
_NS = _INFO.num_subcores
_NW = _NC * _NS
_BPW = BATCH // _NW
_CH = 64


def _gather_rows(tab_hbm, idx_v, buf_v, out, base, sem):
    def chunk(c, carry):
        for k in range(_CH // 16):
            v = idx_v[pl.ds(c * _CH + k * 16, 16)]
            for l in range(16):
                pltpu.async_copy(tab_hbm.at[pl.ds(v[l], 1)],
                                 buf_v.at[pl.ds(k * 16 + l, 1)], sem)
        pltpu.make_async_copy(tab_hbm.at[pl.ds(0, _CH)], buf_v, sem).wait()
        pltpu.sync_copy(buf_v, out.at[pl.ds(base + c * _CH, _CH)])
        return carry

    lax.fori_loop(0, _BPW // _CH, chunk, 0)


def _sc_gather_ti_body(tidx_hbm, cidx_hbm, tt_hbm, it_hbm, out_t, out_i,
                       ti_v, ci_v, tr_v, ir_v, sem):
    wid = lax.axis_index("s") * _NC + lax.axis_index("c")
    base = wid * _BPW
    sl = pl.ds(base, _BPW)
    pltpu.sync_copy(tidx_hbm.at[sl], ti_v)
    pltpu.sync_copy(cidx_hbm.at[sl], ci_v)
    _gather_rows(tt_hbm, ti_v, tr_v, out_t, base, sem)
    _gather_rows(it_hbm, ci_v, ir_v, out_i, base, sem)


def _sc_gather_u_body(ridx_hbm, ut_hbm, out_u, ri_v, *rest):
    bufs, sems = rest[:_BPW // _CH], rest[_BPW // _CH:]
    wid = lax.axis_index("s") * _NC + lax.axis_index("c")
    base = wid * _BPW
    pltpu.sync_copy(ridx_hbm.at[pl.ds(base, _BPW)], ri_v)
    for c in range(_BPW // _CH):
        for k in range(_CH // 16):
            v = ri_v[pl.ds(c * _CH + k * 16, 16)]
            for l in range(16):
                pltpu.async_copy(ut_hbm.at[pl.ds(v[l], 1)],
                                 bufs[c].at[pl.ds(k * 16 + l, 1)], sems[c])
    for c in range(_BPW // _CH):
        pltpu.make_async_copy(ut_hbm.at[pl.ds(0, _CH)], bufs[c], sems[c]).wait()
        pltpu.sync_copy(bufs[c], out_u.at[pl.ds(base + c * _CH, _CH)])


_EMB = jax.ShapeDtypeStruct((BATCH, RANK), jnp.float32)
_MESH = dict(core_axis_name="c", subcore_axis_name="s")


@jax.jit
def _sc_gather_ti(tIdx, cIdx, time_table, item_table):
    f = functools.partial(
        pl.kernel,
        mesh=plsc.VectorSubcoreMesh(**_MESH),
        out_type=(_EMB, _EMB),
        scratch_types=[
            pltpu.VMEM((_BPW,), jnp.int32),
            pltpu.VMEM((_BPW,), jnp.int32),
            pltpu.VMEM((_CH, RANK), jnp.float32),
            pltpu.VMEM((_CH, RANK), jnp.float32),
            pltpu.SemaphoreType.DMA,
        ],
    )(_sc_gather_ti_body)
    return f(tIdx, cIdx, time_table, item_table)


@jax.jit
def _sc_gather_u(rIdx, user_table):
    f = functools.partial(
        pl.kernel,
        mesh=plsc.VectorSubcoreMesh(**_MESH),
        out_type=_EMB,
        scratch_types=(
            [pltpu.VMEM((_BPW,), jnp.int32)]
            + [pltpu.VMEM((_CH, RANK), jnp.float32)] * (_BPW // _CH)
            + [pltpu.SemaphoreType.DMA] * (_BPW // _CH)
        ),
    )(_sc_gather_u_body)
    return f(rIdx, user_table)


def _tc_body(et_ref, eu_ref, ei_ref, wt_ref, wu_ref, wi_ref,
             bt_ref, bu_ref, bi_ref, o_ref):
    t = jnp.dot(et_ref[...], wt_ref[...], preferred_element_type=jnp.float32) + bt_ref[...]
    u = jnp.dot(eu_ref[...], wu_ref[...], preferred_element_type=jnp.float32) + bu_ref[...]
    i = jnp.dot(ei_ref[...], wi_ref[...], preferred_element_type=jnp.float32) + bi_ref[...]
    o_ref[...] = jnp.sum(t * u * i, axis=-1)


_TC_BLOCK = 2048


@jax.jit
def _tc_combine(et, eu, ei, WtT, WuT, WiT, bt, bu, bi):
    grid = BATCH // _TC_BLOCK
    emb_spec = pl.BlockSpec((_TC_BLOCK, RANK), lambda i: (i, 0))
    w_spec = pl.BlockSpec((RANK, RANK), lambda i: (0, 0))
    b_spec = pl.BlockSpec((1, RANK), lambda i: (0, 0))
    return pl.pallas_call(
        _tc_body,
        grid=(grid,),
        in_specs=[emb_spec, emb_spec, emb_spec, w_spec, w_spec, w_spec,
                  b_spec, b_spec, b_spec],
        out_specs=pl.BlockSpec((_TC_BLOCK,), lambda i: (i,)),
        out_shape=jax.ShapeDtypeStruct((BATCH,), jnp.float32),
    )(et, eu, ei, WtT, WuT, WiT, bt, bu, bi)


def kernel(tIdx, rIdx, cIdx, time_table, user_table, item_table,
           Wt, bt, Wu, bu, Wi, bi):
    et, ei = _sc_gather_ti(tIdx, cIdx, time_table, item_table)
    eu = _sc_gather_u(rIdx, user_table)
    return _tc_combine(et, eu, ei, Wt.T, Wu.T, Wi.T,
                       bt.reshape(1, RANK), bu.reshape(1, RANK),
                       bi.reshape(1, RANK))

# --- scband reference (transcript-rebuilt; emitter-appended) ---
"""Pipeline reference for scband-neural-cp-17798344474941 (READ-ONLY COPY).

The authoritative reference and input builder live on the scoring server;
editing this copy changes nothing except your own understanding.
"""

import jax, jax.numpy as jnp
import numpy as np

NUM_TIMES = 1000
NUM_USERS = 1000000
NUM_ITEMS = 100000
RANK = 32
BATCH = 16384


def setup_inputs(seed: int = 0) -> dict:
    key = jax.random.key(seed)
    ks = jax.random.split(key, 12)
    tIdx = jax.random.randint(ks[0], (BATCH,), 0, NUM_TIMES, dtype=jnp.int64 if jax.config.jax_enable_x64 else jnp.int32)
    rIdx = jax.random.randint(ks[1], (BATCH,), 0, NUM_USERS, dtype=jnp.int64 if jax.config.jax_enable_x64 else jnp.int32)
    cIdx = jax.random.randint(ks[2], (BATCH,), 0, NUM_ITEMS, dtype=jnp.int64 if jax.config.jax_enable_x64 else jnp.int32)
    time_table = jax.random.normal(ks[3], (NUM_TIMES, RANK), dtype=jnp.float32)
    user_table = jax.random.normal(ks[4], (NUM_USERS, RANK), dtype=jnp.float32)
    item_table = jax.random.normal(ks[5], (NUM_ITEMS, RANK), dtype=jnp.float32)
    lim = 1.0 / np.sqrt(RANK)
    Wt = jax.random.uniform(ks[6], (RANK, RANK), minval=-lim, maxval=lim, dtype=jnp.float32)
    bt = jax.random.uniform(ks[7], (RANK,), minval=-lim, maxval=lim, dtype=jnp.float32)
    Wu = jax.random.uniform(ks[8], (RANK, RANK), minval=-lim, maxval=lim, dtype=jnp.float32)
    bu = jax.random.uniform(ks[9], (RANK,), minval=-lim, maxval=lim, dtype=jnp.float32)
    Wi = jax.random.uniform(ks[10], (RANK, RANK), minval=-lim, maxval=lim, dtype=jnp.float32)
    bi = jax.random.uniform(ks[11], (RANK,), minval=-lim, maxval=lim, dtype=jnp.float32)
    return {
        'tIdx': tIdx, 'rIdx': rIdx, 'cIdx': cIdx,
        'time_table': time_table, 'user_table': user_table, 'item_table': item_table,
        'Wt': Wt, 'bt': bt, 'Wu': Wu, 'bu': bu, 'Wi': Wi, 'bi': bi,
    }


def reference(tIdx, rIdx, cIdx, time_table, user_table, item_table, Wt, bt, Wu, bu, Wi, bi):
    time_embeds = jnp.take(time_table, tIdx, axis=0)
    user_embeds = jnp.take(user_table, rIdx, axis=0)
    item_embeds = jnp.take(item_table, cIdx, axis=0)
    time_embeds = time_embeds @ Wt.T + bt
    user_embeds = user_embeds @ Wu.T + bu
    item_embeds = item_embeds @ Wi.T + bi
    x = jnp.sum(time_embeds * user_embeds * item_embeds, axis=-1)
    return x.reshape(-1)

if __name__ == "__main__":
    import jax
    _d = setup_inputs()
    print(jax.jit(kernel)(*tuple(_d.values())))

</pallas_src>

<mosaic_0001>
#map = affine_map<(d0, d1) -> (0)>
#map1 = affine_map<(d0, d1) -> (0, 0)>
module attributes {stable_mosaic.version = 14 : i64} {
  func.func @_sc_gather_ti_body(%arg0: i32, %arg1: i32, %arg2: memref<16384xi32, #tpu.memory_space<hbm>>, %arg3: memref<16384xi32, #tpu.memory_space<hbm>>, %arg4: memref<1000x32xf32, #tpu.memory_space<hbm>>, %arg5: memref<100000x32xf32, #tpu.memory_space<hbm>>, %arg6: memref<16384x32xf32, #tpu.memory_space<hbm>>, %arg7: memref<16384x32xf32, #tpu.memory_space<hbm>>, %arg8: memref<512xi32, #tpu.memory_space<vmem>>, %arg9: memref<512xi32, #tpu.memory_space<vmem>>, %arg10: memref<64x32xf32, #tpu.memory_space<vmem>>, %arg11: memref<64x32xf32, #tpu.memory_space<vmem>>, %arg12: memref<!tpu.dma_semaphore, #tpu.memory_space<semaphore_mem>>) attributes {dimension_semantics = [#tpu.dimension_semantics<core_parallel>, #tpu.dimension_semantics<subcore_parallel>], iteration_bounds = array<i64: 2, 16>, scalar_prefetch = 0 : i64, scratch_operands = 5 : i64, tpu.core_type = #tpu.core_type<sc_vector_subcore>, window_params = [{transform_indices = #map}, {transform_indices = #map}, {transform_indices = #map1}, {transform_indices = #map1}, {transform_indices = #map1}, {transform_indices = #map1}]} {
    %mul3A = arith.constant 2 : i32
    %mul3A_0 = arith.muli %arg1, %mul3A : i32
    %add3A = arith.addi %mul3A_0, %arg0 : i32
    %mul3A_1 = arith.constant 512 : i32
    %mul3A_2 = arith.muli %add3A, %mul3A_1 : i32
    "tpu.region"() ({
      %run_scoped3A = tpu.sem_alloc : memref<!tpu.dma_semaphore, #tpu.memory_space<semaphore_mem>>
      %dma_start3A = tpu.memref_slice %arg2[%mul3A_2] : memref<16384xi32, #tpu.memory_space<hbm>> -> memref<512xi32, #tpu.memory_space<hbm>>
      %dma_start3A_14 = tpu.memref_slice %arg2[%mul3A_2] : memref<16384xi32, #tpu.memory_space<hbm>> -> memref<512xi32, #tpu.memory_space<hbm>>
      tpu.enqueue_dma source(%dma_start3A_14 : memref<512xi32, #tpu.memory_space<hbm>>) target(%arg8 : memref<512xi32, #tpu.memory_space<vmem>>) target_semaphore(%run_scoped3A : memref<!tpu.dma_semaphore, #tpu.memory_space<semaphore_mem>>)
      %dma_wait3A = tpu.memref_slice %arg2[%mul3A_2] : memref<16384xi32, #tpu.memory_space<hbm>> -> memref<512xi32, #tpu.memory_space<hbm>>
      %dma_wait3A_15 = tpu.memref_slice %arg2[%mul3A_2] : memref<16384xi32, #tpu.memory_space<hbm>> -> memref<512xi32, #tpu.memory_space<hbm>>
      tpu.wait_dma2 semaphore(%run_scoped3A : memref<!tpu.dma_semaphore, #tpu.memory_space<semaphore_mem>>) src(%dma_wait3A_15 : memref<512xi32, #tpu.memory_space<hbm>>) dst(%arg8 : memref<512xi32, #tpu.memory_space<vmem>>)
      tpu.yield
    }) : () -> ()
    "tpu.region"() ({
      %run_scoped3A = tpu.sem_alloc : memref<!tpu.dma_semaphore, #tpu.memory_space<semaphore_mem>>
      %dma_start3A = tpu.memref_slice %arg3[%mul3A_2] : memref<16384xi32, #tpu.memory_space<hbm>> -> memref<512xi32, #tpu.memory_space<hbm>>
      %dma_start3A_14 = tpu.memref_slice %arg3[%mul3A_2] : memref<16384xi32, #tpu.memory_space<hbm>> -> memref<512xi32, #tpu.memory_space<hbm>>
      tpu.enqueue_dma source(%dma_start3A_14 : memref<512xi32, #tpu.memory_space<hbm>>) target(%arg9 : memref<512xi32, #tpu.memory_space<vmem>>) target_semaphore(%run_scoped3A : memref<!tpu.dma_semaphore, #tpu.memory_space<semaphore_mem>>)
      %dma_wait3A = tpu.memref_slice %arg3[%mul3A_2] : memref<16384xi32, #tpu.memory_space<hbm>> -> memref<512xi32, #tpu.memory_space<hbm>>
      %dma_wait3A_15 = tpu.memref_slice %arg3[%mul3A_2] : memref<16384xi32, #tpu.memory_space<hbm>> -> memref<512xi32, #tpu.memory_space<hbm>>
      tpu.wait_dma2 semaphore(%run_scoped3A : memref<!tpu.dma_semaphore, #tpu.memory_space<semaphore_mem>>) src(%dma_wait3A_15 : memref<512xi32, #tpu.memory_space<hbm>>) dst(%arg9 : memref<512xi32, #tpu.memory_space<vmem>>)
      tpu.yield
    }) : () -> ()
    %scan3A = arith.constant 0 : i32
    %scan3A_3 = arith.constant 0 : i32
    %scan3A_4 = arith.constant 8 : i32
    %scan3A_5 = arith.addi %scan3A_3, %scan3A_4 : i32
    %scan3A_6 = arith.constant 1 : i32
    scf.for %scan3A_14 = %scan3A_3 to %scan3A_5 step %scan3A_6  : i32 {
      %mul3A_15 = arith.constant 64 : i32
      %mul3A_16 = arith.muli %scan3A_14, %mul3A_15 : i32
      %add3A_17 = arith.constant 0 : i32
      %add3A_18 = arith.addi %mul3A_16, %add3A_17 : i32
      %get3A = arith.index_cast %add3A_18 : i32 to index
      %get3A_19 = tpu.vector_load %arg8[%get3A] {strides = array<i32>} : memref<512xi32, #tpu.memory_space<vmem>>, vector<16xi32>,
      %get3A_20 = vector.shape_cast %get3A_19 : vector<16xi32> to vector<16xi32>
      %slice3A = vector.extract_strided_slice %get3A_20 {offsets = [0], sizes = [1], strides = [1]} : vector<16xi32> to vector<1xi32>
      %squeeze3A = vector.extract %slice3A[0] : i32 from vector<1xi32>
      %dma_start3A = arith.constant 0 : i32
      %dma_start3A_21 = arith.constant 0 : i32
      %dma_start3A_22 = tpu.memref_slice %arg10[%dma_start3A, %dma_start3A_21] : memref<64x32xf32, #tpu.memory_space<vmem>> -> memref<1x32xf32, #tpu.memory_space<vmem>>
      %dma_start3A_23 = arith.constant 0 : i32
      %dma_start3A_24 = tpu.memref_slice %arg4[%squeeze3A, %dma_start3A_23] : memref<1000x32xf32, #tpu.memory_space<hbm>> -> memref<1x32xf32, #tpu.memory_space<hbm>>
      %dma_start3A_25 = arith.constant 0 : i32
      %dma_start3A_26 = arith.constant 0 : i32
      %dma_start3A_27 = tpu.memref_slice %arg10[%dma_start3A_25, %dma_start3A_26] : memref<64x32xf32, #tpu.memory_space<vmem>> -> memref<1x32xf32, #tpu.memory_space<vmem>>
      %dma_start3A_28 = arith.constant 0 : i32
      %dma_start3A_29 = tpu.memref_slice %arg4[%squeeze3A, %dma_start3A_28] : memref<1000x32xf32, #tpu.memory_space<hbm>> -> memref<1x32xf32, #tpu.memory_space<hbm>>
      tpu.enqueue_dma source(%dma_start3A_29 : memref<1x32xf32, #tpu.memory_space<hbm>>) target(%dma_start3A_27 : memref<1x32xf32, #tpu.memory_space<vmem>>) target_semaphore(%arg12 : memref<!tpu.dma_semaphore, #tpu.memory_space<semaphore_mem>>)
      %slice3A_30 = vector.extract_strided_slice %get3A_20 {offsets = [1], sizes = [1], strides = [1]} : vector<16xi32> to vector<1xi32>
      %squeeze3A_31 = vector.extract %slice3A_30[0] : i32 from vector<1xi32>
      %dma_start3A_32 = arith.constant 1 : i32
      %dma_start3A_33 = arith.constant 0 : i32
      %dma_start3A_34 = tpu.memref_slice %arg10[%dma_start3A_32, %dma_start3A_33] : memref<64x32xf32, #tpu.memory_space<vmem>> -> memref<1x32xf32, #tpu.memory_space<vmem>>
      %dma_start3A_35 = arith.constant 0 : i32
      %dma_start3A_36 = tpu.memref_slice %arg4[%squeeze3A_31, %dma_start3A_35] : memref<1000x32xf32, #tpu.memory_space<hbm>> -> memref<1x32xf32, #tpu.memory_space<hbm>>
      %dma_start3A_37 = arith.constant 1 : i32
      %dma_start3A_38 = arith.constant 0 : i32
      %dma_start3A_39 = tpu.memref_slice %arg10[%dma_start3A_37, %dma_start3A_38] : memref<64x32xf32, #tpu.memory_space<vmem>> -> memref<1x32xf32, #tpu.memory_space<vmem>>
      %dma_start3A_40 = arith.constant 0 : i32
      %dma_start3A_41 = tpu.memref_slice %arg4[%squeeze3A_31, %dma_start3A_40] : memref<1000x32xf32, #tpu.memory_space<hbm>> -> memref<1x32xf32, #tpu.memory_space<hbm>>
      tpu.enqueue_dma source(%dma_start3A_41 : memref<1x32xf32, #tpu.memory_space<hbm>>) target(%dma_start3A_39 : memref<1x32xf32, #tpu.memory_space<vmem>>) target_semaphore(%arg12 : memref<!tpu.dma_semaphore, #tpu.memory_space<semaphore_mem>>)
      %slice3A_42 = vector.extract_strided_slice %get3A_20 {offsets = [2], sizes = [1], strides = [1]} : vector<16xi32> to vector<1xi32>
      %squeeze3A_43 = vector.extract %slice3A_42[0] : i32 from vector<1xi32>
      %dma_start3A_44 = arith.constant 2 : i32
      %dma_start3A_45 = arith.constant 0 : i32
      %dma_start3A_46 = tpu.memref_slice %arg10[%dma_start3A_44, %dma_start3A_45] : memref<64x32xf32, #tpu.memory_space<vmem>> -> memref<1x32xf32, #tpu.memory_space<vmem>>
      %dma_start3A_47 = arith.constant 0 : i32
      %dma_start3A_48 = tpu.memref_slice %arg4[%squeeze3A_43, %dma_start3A_47] : memref<1000x32xf32, #tpu.memory_space<hbm>> -> memref<1x32xf32, #tpu.memory_space<hbm>>
      %dma_start3A_49 = arith.constant 2 : i32
      %dma_start3A_50 = arith.constant 0 : i32
      %dma_start3A_51 = tpu.memref_slice %arg10[%dma_start3A_49, %dma_start3A_50] : memref<64x32xf32, #tpu.memory_space<vmem>> -> memref<1x32xf32, #tpu.memory_space<vmem>>
      %dma_start3A_52 = arith.constant 0 : i32
      %dma_start3A_53 = tpu.memref_slice %arg4[%squeeze3A_43, %dma_start3A_52] : memref<1000x32xf32, #tpu.memory_space<hbm>> -> memref<1x32xf32, #tpu.memory_space<hbm>>
      tpu.enqueue_dma source(%dma_start3A_53 : memref<1x32xf32, #tpu.memory_space<hbm>>) target(%dma_start3A_51 : memref<1x32xf32, #tpu.memory_space<vmem>>) target_semaphore(%arg12 : memref<!tpu.dma_semaphore, #tpu.memory_space<semaphore_mem>>)
      %slice3A_54 = vector.extract_strided_slice %get3A_20 {offsets = [3], sizes = [1], strides = [1]} : vector<16xi32> to vector<1xi32>
      %squeeze3A_55 = vector.extract %slice3A_54[0] : i32 from vector<1xi32>
      %dma_start3A_56 = arith.constant 3 : i32
      %dma_start3A_57 = arith.constant 0 : i32
      %dma_start3A_58 = tpu.memref_slice %arg10[%dma_start3A_56, %dma_start3A_57] : memref<64x32xf32, #tpu.memory_space<vmem>> -> memref<1x32xf32, #tpu.memory_space<vmem>>
      %dma_start3A_59 = arith.constant 0 : i32
      %dma_start3A_60 = tpu.memref_slice %arg4[%squeeze3A_55, %dma_start3A_59] : memref<1000x32xf32, #tpu.memory_space<hbm>> -> memref<1x32xf32, #tpu.memory_space<hbm>>
      %dma_start3A_61 = arith.constant 3 : i32
      %dma_start3A_62 = arith.constant 0 : i32
      %dma_start3A_63 = tpu.memref_slice %arg10[%dma_start3A_61, %dma_start3A_62] : memref<64x32xf32, #tpu.memory_space<vmem>> -> memref<1x32xf32, #tpu.memory_space<vmem>>
      %dma_start3A_64 = arith.constant 0 : i32
      %dma_start3A_65 = tpu.memref_slice %arg4[%squeeze3A_55, %dma_start3A_64] : memref<1000x32xf32, #tpu.memory_space<hbm>> -> memref<1x32xf32, #tpu.memory_space<hbm>>
      tpu.enqueue_dma source(%dma_start3A_65 : memref<1x32xf32, #tpu.memory_space<hbm>>) target(%dma_start3A_63 : memref<1x32xf32, #tpu.memory_space<vmem>>) target_semaphore(%arg12 : memref<!tpu.dma_semaphore, #tpu.memory_space<semaphore_mem>>)
      %slice3A_66 = vector.extract_strided_slice %get3A_20 {offsets = [4], sizes = [1], strides = [1]} : vector<16xi32> to vector<1xi32>
      %squeeze3A_67 = vector.extract %slice3A_66[0] : i32 from vector<1xi32>
      %dma_start3A_68 = arith.constant 4 : i32
      %dma_start3A_69 = arith.constant 0 : i32
      %dma_start3A_70 = tpu.memref_slice %arg10[%dma_start3A_68, %dma_start3A_69] : memref<64x32xf32, #tpu.memory_space<vmem>> -> memref<1x32xf32, #tpu.memory_space<vmem>>
      %dma_start3A_71 = arith.constant 0 : i32
      %dma_start3A_72 = tpu.memref_slice %arg4[%squeeze3A_67, %dma_start3A_71] : memref<1000x32xf32, #tpu.memory_space<hbm>> -> memref<1x32xf32, #tpu.memory_space<hbm>>
      %dma_start3A_73 = arith.constant 4 : i32
      %dma_start3A_74 = arith.constant 0 : i32
      %dma_start3A_75 = tpu.memref_slice %arg10[%dma_start3A_73, %dma_start3A_74] : memref<64x32xf32, #tpu.memory_space<vmem>> -> memref<1x32xf32, #tpu.memory_space<vmem>>
      %dma_start3A_76 = arith.constant 0 : i32
      %dma_start3A_77 = tpu.memref_slice %arg4[%squeeze3A_67, %dma_start3A_76] : memref<1000x32xf32, #tpu.memory_space<hbm>> -> memref<1x32xf32, #tpu.memory_space<hbm>>
      tpu.enqueue_dma source(%dma_start3A_77 : memref<1x32xf32, #tpu.memory_space<hbm>>) target(%dma_start3A_75 : memref<1x32xf32, #tpu.memory_space<vmem>>) target_semaphore(%arg12 : memref<!tpu.dma_semaphore, #tpu.memory_space<semaphore_mem>>)
      %slice3A_78 = vector.extract_strided_slice %get3A_20 {offsets = [5], sizes = [1], strides = [1]} : vector<16xi32> to vector<1xi32>
      %squeeze3A_79 = vector.extract %slice3A_78[0] : i32 from vector<1xi32>
      %dma_start3A_80 = arith.constant 5 : i32
      %dma_start3A_81 = arith.constant 0 : i32
      %dma_start3A_82 = tpu.memref_slice %arg10[%dma_start3A_80, %dma_start3A_81] : memref<64x32xf32, #tpu.memory_space<vmem>> -> memref<1x32xf32, #tpu.memory_space<vmem>>
      %dma_start3A_83 = arith.constant 0 : i32
      %dma_start3A_84 = tpu.memref_slice %arg4[%squeeze3A_79, %dma_start3A_83] : memref<1000x32xf32, #tpu.memory_space<hbm>> -> memref<1x32xf32, #tpu.memory_space<hbm>>
      %dma_start3A_85 = arith.constant 5 : i32
      %dma_start3A_86 = arith.constant 0 : i32
      %dma_start3A_87 = tpu.memref_slice %arg10[%dma_start3A_85, %dma_start3A_86] : memref<64x32xf32, #tpu.memory_space<vmem>> -> memref<1x32xf32, #tpu.memory_space<vmem>>
      %dma_start3A_88 = arith.constant 0 : i32
      %dma_start3A_89 = tpu.memref_slice %arg4[%squeeze3A_79, %dma_start3A_88] : memref<1000x32xf32, #tpu.memory_space<hbm>> -> memref<1x32xf32, #tpu.memory_space<hbm>>
      tpu.enqueue_dma source(%dma_start3A_89 : memref<1x32xf32, #tpu.memory_space<hbm>>) target(%dma_start3A_87 : memref<1x32xf32, #tpu.memory_space<vmem>>) target_semaphore(%arg12 : memref<!tpu.dma_semaphore, #tpu.memory_space<semaphore_mem>>)
      %slice3A_90 = vector.extract_strided_slice %get3A_20 {offsets = [6], sizes = [1], strides = [1]} : vector<16xi32> to vector<1xi32>
      %squeeze3A_91 = vector.extract %slice3A_90[0] : i32 from vector<1xi32>
      %dma_start3A_92 = arith.constant 6 : i32
      %dma_start3A_93 = arith.constant 0 : i32
      %dma_start3A_94 = tpu.memref_slice %arg10[%dma_start3A_92, %dma_start3A_93] : memref<64x32xf32, #tpu.memory_space<vmem>> -> memref<1x32xf32, #tpu.memory_space<vmem>>
      %dma_start3A_95 = arith.constant 0 : i32
      %dma_start3A_96 = tpu.memref_slice %arg4[%squeeze3A_91, %dma_start3A_95] : memref<1000x32xf32, #tpu.memory_space<hbm>> -> memref<1x32xf32, #tpu.memory_space<hbm>>
      %dma_start3A_97 = arith.constant 6 : i32
      %dma_start3A_98 = arith.constant 0 : i32
      %dma_start3A_99 = tpu.memref_slice %arg10[%dma_start3A_97, %dma_start3A_98] : memref<64x32xf32, #tpu.memory_space<vmem>> -> memref<1x32xf32, #tpu.memory_space<vmem>>
      %dma_start3A_100 = arith.constant 0 : i32
      %dma_start3A_101 = tpu.memref_slice %arg4[%squeeze3A_91, %dma_start3A_100] : memref<1000x32xf32, #tpu.memory_space<hbm>> -> memref<1x32xf32, #tpu.memory_space<hbm>>
      tpu.enqueue_dma source(%dma_start3A_101 : memref<1x32xf32, #tpu.memory_space<hbm>>) target(%dma_start3A_99 : memref<1x32xf32, #tpu.memory_space<vmem>>) target_semaphore(%arg12 : memref<!tpu.dma_semaphore, #tpu.memory_space<semaphore_mem>>)
      %slice3A_102 = vector.extract_strided_slice %get3A_20 {offsets = [7], sizes = [1], strides = [1]} : vector<16xi32> to vector<1xi32>
      %squeeze3A_103 = vector.extract %slice3A_102[0] : i32 from vector<1xi32>
      %dma_start3A_104 = arith.constant 7 : i32
      %dma_start3A_105 = arith.constant 0 : i32
      %dma_start3A_106 = tpu.memref_slice %arg10[%dma_start3A_104, %dma_start3A_105] : memref<64x32xf32, #tpu.memory_space<vmem>> -> memref<1x32xf32, #tpu.memory_space<vmem>>
      %dma_start3A_107 = arith.constant 0 : i32
      %dma_start3A_108 = tpu.memref_slice %arg4[%squeeze3A_103, %dma_start3A_107] : memref<1000x32xf32, #tpu.memory_space<hbm>> -> memref<1x32xf32, #tpu.memory_space<hbm>>
      %dma_start3A_109 = arith.constant 7 : i32
      %dma_start3A_110 = arith.constant 0 : i32
      %dma_start3A_111 = tpu.memref_slice %arg10[%dma_start3A_109, %dma_start3A_110] : memref<64x32xf32, #tpu.memory_space<vmem>> -> memref<1x32xf32, #tpu.memory_space<vmem>>
      %dma_start3A_112 = arith.constant 0 : i32
      %dma_start3A_113 = tpu.memref_slice %arg4[%squeeze3A_103, %dma_start3A_112] : memref<1000x32xf32, #tpu.memory_space<hbm>> -> memref<1x32xf32, #tpu.memory_space<hbm>>
      tpu.enqueue_dma source(%dma_start3A_113 : memref<1x32xf32, #tpu.memory_space<hbm>>) target(%dma_start3A_111 : memref<1x32xf32, #tpu.memory_space<vmem>>) target_semaphore(%arg12 : memref<!tpu.dma_semaphore, #tpu.memory_space<semaphore_mem>>)
      %slice3A_114 = vector.extract_strided_slice %get3A_20 {offsets = [8], sizes = [1], strides = [1]} : vector<16xi32> to vector<1xi32>
      %squeeze3A_115 = vector.extract %slice3A_114[0] : i32 from vector<1xi32>
      %dma_start3A_116 = arith.constant 8 : i32
      %dma_start3A_117 = arith.constant 0 : i32
      %dma_start3A_118 = tpu.memref_slice %arg10[%dma_start3A_116, %dma_start3A_117] : memref<64x32xf32, #tpu.memory_space<vmem>> -> memref<1x32xf32, #tpu.memory_space<vmem>>
      %dma_start3A_119 = arith.constant 0 : i32
      %dma_start3A_120 = tpu.memref_slice %arg4[%squeeze3A_115, %dma_start3A_119] : memref<1000x32xf32, #tpu.memory_space<hbm>> -> memref<1x32xf32, #tpu.memory_space<hbm>>
      %dma_start3A_121 = arith.constant 8 : i32
      %dma_start3A_122 = arith.constant 0 : i32
      %dma_start3A_123 = tpu.memref_slice %arg10[%dma_start3A_121, %dma_start3A_122] : memref<64x32xf32, #tpu.memory_space<vmem>> -> memref<1x32xf32, #tpu.memory_space<vmem>>
      %dma_start3A_124 = arith.constant 0 : i32
      %dma_start3A_125 = tpu.memref_slice %arg4[%squeeze3A_115, %dma_start3A_124] : memref<1000x32xf32, #tpu.memory_space<hbm>> -> memref<1x32xf32, #tpu.memory_space<hbm>>
      tpu.enqueue_dma source(%dma_start3A_125 : memref<1x32xf32, #tpu.memory_space<hbm>>) target(%dma_start3A_123 : memref<1x32xf32, #tpu.memory_space<vmem>>) target_semaphore(%arg12 : memref<!tpu.dma_semaphore, #tpu.memory_space<semaphore_mem>>)
      %slice3A_126 = vector.extract_strided_slice %get3A_20 {offsets = [9], sizes = [1], strides = [1]} : vector<16xi32> to vector<1xi32>
      %squeeze3A_127 = vector.extract %slice3A_126[0] : i32 from vector<1xi32>
      %dma_start3A_128 = arith.constant 9 : i32
      %dma_start3A_129 = arith.constant 0 : i32
      %dma_start3A_130 = tpu.memref_slice %arg10[%dma_start3A_128, %dma_start3A_129] : memref<64x32xf32, #tpu.memory_space<vmem>> -> memref<1x32xf32, #tpu.memory_space<vmem>>
      %dma_start3A_131 = arith.constant 0 : i32
      %dma_start3A_132 = tpu.memref_slice %arg4[%squeeze3A_127, %dma_start3A_131] : memref<1000x32xf32, #tpu.memory_space<hbm>> -> memref<1x32xf32, #tpu.memory_space<hbm>>
      %dma_start3A_133 = arith.constant 9 : i32
      %dma_start3A_134 = arith.constant 0 : i32
      %dma_start3A_135 = tpu.memref_slice %arg10[%dma_start3A_133, %dma_start3A_134] : memref<64x32xf32, #tpu.memory_space<vmem>> -> memref<1x32xf32, #tpu.memory_space<vmem>>
      %dma_start3A_136 = arith.constant 0 : i32
      %dma_start3A_137 = tpu.memref_slice %arg4[%squeeze3A_127, %dma_start3A_136] : memref<1000x32xf32, #tpu.memory_space<hbm>> -> memref<1x32xf32, #tpu.memory_space<hbm>>
      tpu.enqueue_dma source(%dma_start3A_137 : memref<1x32xf32, #tpu.memory_space<hbm>>) target(%dma_start3A_135 : memref<1x32xf32, #tpu.memory_space<vmem>>) target_semaphore(%arg12 : memref<!tpu.dma_semaphore, #tpu.memory_space<semaphore_mem>>)
      %slice3A_138 = vector.extract_strided_slice %get3A_20 {offsets = [10], sizes = [1], strides = [1]} : vector<16xi32> to vector<1xi32>
      %squeeze3A_139 = vector.extract %slice3A_138[0] : i32 from vector<1xi32>
      %dma_start3A_140 = arith.constant 10 : i32
      %dma_start3A_141 = arith.constant 0 : i32
      %dma_start3A_142 = tpu.memref_slice %arg10[%dma_start3A_140, %dma_start3A_141] : memref<64x32xf32, #tpu.memory_space<vmem>> -> memref<1x32xf32, #tpu.memory_space<vmem>>
      %dma_start3A_143 = arith.constant 0 : i32
      %dma_start3A_144 = tpu.memref_slice %arg4[%squeeze3A_139, %dma_start3A_143] : memref<1000x32xf32, #tpu.memory_space<hbm>> -> memref<1x32xf32, #tpu.memory_space<hbm>>
      %dma_start3A_145 = arith.constant 10 : i32
      %dma_start3A_146 = arith.constant 0 : i32
      %dma_start3A_147 = tpu.memref_slice %arg10[%dma_start3A_145, %dma_start3A_146] : memref<64x32xf32, #tpu.memory_space<vmem>> -> memref<1x32xf32, #tpu.memory_space<vmem>>
      %dma_start3A_148 = arith.constant 0 : i32
      %dma_start3A_149 = tpu.memref_slice %arg4[%squeeze3A_139, %dma_start3A_148] : memref<1000x32xf32, #tpu.memory_space<hbm>> -> memref<1x32xf32, #tpu.memory_space<hbm>>
      tpu.enqueue_dma source(%dma_start3A_149 : memref<1x32xf32, #tpu.memory_space<hbm>>) target(%dma_start3A_147 : memref<1x32xf32, #tpu.memory_space<vmem>>) target_semaphore(%arg12 : memref<!tpu.dma_semaphore, #tpu.memory_space<semaphore_mem>>)
      %slice3A_150 = vector.extract_strided_slice %get3A_20 {offsets = [11], sizes = [1], strides = [1]} : vector<16xi32> to vector<1xi32>
      %squeeze3A_151 = vector.extract %slice3A_150[0] : i32 from vector<1xi32>
      %dma_start3A_152 = arith.constant 11 : i32
      %dma_start3A_153 = arith.constant 0 : i32
      %dma_start3A_154 = tpu.memref_slice %arg10[%dma_start3A_152, %dma_start3A_153] : memref<64x32xf32, #tpu.memory_space<vmem>> -> memref<1x32xf32, #tpu.memory_space<vmem>>
      %dma_start3A_155 = arith.constant 0 : i32
      %dma_start3A_156 = tpu.memref_slice %arg4[%squeeze3A_151, %dma_start3A_155] : memref<1000x32xf32, #tpu.memory_space<hbm>> -> memref<1x32xf32, #tpu.memory_space<hbm>>
      %dma_start3A_157 = arith.constant 11 : i32
      %dma_start3A_158 = arith.constant 0 : i32
      %dma_start3A_159 = tpu.memref_slice %arg10[%dma_start3A_157, %dma_start3A_158] : memref<64x32xf32, #tpu.memory_space<vmem>> -> memref<1x32xf32, #tpu.memory_space<vmem>>
      %dma_start3A_160 = arith.constant 0 : i32
      %dma_start3A_161 = tpu.memref_slice %arg4[%squeeze3A_151, %dma_start3A_160] : memref<1000x32xf32, #tpu.memory_space<hbm>> -> memref<1x32xf32, #tpu.memory_space<hbm>>
      tpu.enqueue_dma source(%dma_start3A_161 : memref<1x32xf32, #tpu.memory_space<hbm>>) target(%dma_start3A_159 : memref<1x32xf32, #tpu.memory_space<vmem>>) target_semaphore(%arg12 : memref<!tpu.dma_semaphore, #tpu.memory_space<semaphore_mem>>)
      %slice3A_162 = vector.extract_strided_slice %get3A_20 {offsets = [12], sizes = [1], strides = [1]} : vector<16xi32> to vector<1xi32>
      %squeeze3A_163 = vector.extract %slice3A_162[0] : i32 from vector<1xi32>
      %dma_start3A_164 = arith.constant 12 : i32
      %dma_start3A_165 = arith.constant 0 : i32
      %dma_start3A_166 = tpu.memref_slice %arg10[%dma_start3A_164, %dma_start3A_165] : memref<64x32xf32, #tpu.memory_space<vmem>> -> memref<1x32xf32, #tpu.memory_space<vmem>>
      %dma_start3A_167 = arith.constant 0 : i32
      %dma_start3A_168 = tpu.memref_slice %arg4[%squeeze3A_163, %dma_start3A_167] : memref<1000x32xf32, #tpu.memory_space<hbm>> -> memref<1x32xf32, #tpu.memory_space<hbm>>
      %dma_start3A_169 = arith.constant 12 : i32
      %dma_start3A_170 = arith.constant 0 : i32
      %dma_start3A_171 = tpu.memref_slice %arg10[%dma_start3A_169, %dma_start3A_170] : memref<64x32xf32, #tpu.memory_space<vmem>> -> memref<1x32xf32, #tpu.memory_space<vmem>>
      %dma_start3A_172 = arith.constant 0 : i32
      %dma_start3A_173 = tpu.memref_slice %arg4[%squeeze3A_163, %dma_start3A_172] : memref<1000x32xf32, #tpu.memory_space<hbm>> -> memref<1x32xf32, #tpu.memory_space<hbm>>
      tpu.enqueue_dma source(%dma_start3A_173 : memref<1x32xf32, #tpu.memory_space<hbm>>) target(%dma_start3A_171 : memref<1x32xf32, #tpu.memory_space<vmem>>) target_semaphore(%arg12 : memref<!tpu.dma_semaphore, #tpu.memory_space<semaphore_mem>>)
      %slice3A_174 = vector.extract_strided_slice %get3A_20 {offsets = [13], sizes = [1], strides = [1]} : vector<16xi32> to vector<1xi32>
      %squeeze3A_175 = vector.extract %slice3A_174[0] : i32 from vector<1xi32>
      %dma_start3A_176 = arith.constant 13 : i32
      %dma_start3A_177 = arith.constant 0 : i32
      %dma_start3A_178 = tpu.memref_slice %arg10[%dma_start3A_176, %dma_start3A_177] : memref<64x32xf32, #tpu.memory_space<vmem>> -> memref<1x32xf32, #tpu.memory_space<vmem>>
      %dma_start3A_179 = arith.constant 0 : i32
      %dma_start3A_180 = tpu.memref_slice %arg4[%squeeze3A_175, %dma_start3A_179] : memref<1000x32xf32, #tpu.memory_space<hbm>> -> memref<1x32xf32, #tpu.memory_space<hbm>>
      %dma_start3A_181 = arith.constant 13 : i32
      %dma_start3A_182 = arith.constant 0 : i32
      %dma_start3A_183 = tpu.memref_slice %arg10[%dma_start3A_181, %dma_start3A_182] : memref<64x32xf32, #tpu.memory_space<vmem>> -> memref<1x32xf32, #tpu.memory_space<vmem>>
      %dma_start3A_184 = arith.constant 0 : i32
      %dma_start3A_185 = tpu.memref_slice %arg4[%squeeze3A_175, %dma_start3A_184] : memref<1000x32xf32, #tpu.memory_space<hbm>> -> memref<1x32xf32, #tpu.memory_space<hbm>>
      tpu.enqueue_dma source(%dma_start3A_185 : memref<1x32xf32, #tpu.memory_space<hbm>>) target(%dma_start3A_183 : memref<1x32xf32, #tpu.memory_space<vmem>>) target_semaphore(%arg12 : memref<!tpu.dma_semaphore, #tpu.memory_space<semaphore_mem>>)
      %slice3A_186 = vector.extract_strided_slice %get3A_20 {offsets = [14], sizes = [1], strides = [1]} : vector<16xi32> to vector<1xi32>
      %squeeze3A_187 = vector.extract %slice3A_186[0] : i32 from vector<1xi32>
      %dma_start3A_188 = arith.constant 14 : i32
      %dma_start3A_189 = arith.constant 0 : i32
      %dma_start3A_190 = tpu.memref_slice %arg10[%dma_start3A_188, %dma_start3A_189] : memref<64x32xf32, #tpu.memory_space<vmem>> -> memref<1x32xf32, #tpu.memory_space<vmem>>
      %dma_start3A_191 = arith.constant 0 : i32
      %dma_start3A_192 = tpu.memref_slice %arg4[%squeeze3A_187, %dma_start3A_191] : memref<1000x32xf32, #tpu.memory_space<hbm>> -> memref<1x32xf32, #tpu.memory_space<hbm>>
      %dma_start3A_193 = arith.constant 14 : i32
      %dma_start3A_194 = arith.constant 0 : i32
      %dma_start3A_195 = tpu.memref_slice %arg10[%dma_start3A_193, %dma_start3A_194] : memref<64x32xf32, #tpu.memory_space<vmem>> -> memref<1x32xf32, #tpu.memory_space<vmem>>
      %dma_start3A_196 = arith.constant 0 : i32
      %dma_start3A_197 = tpu.memref_slice %arg4[%squeeze3A_187, %dma_start3A_196] : memref<1000x32xf32, #tpu.memory_space<hbm>> -> memref<1x32xf32, #tpu.memory_space<hbm>>
      tpu.enqueue_dma source(%dma_start3A_197 : memref<1x32xf32, #tpu.memory_space<hbm>>) target(%dma_start3A_195 : memref<1x32xf32, #tpu.memory_space<vmem>>) target_semaphore(%arg12 : memref<!tpu.dma_semaphore, #tpu.memory_space<semaphore_mem>>)
      %slice3A_198 = vector.extract_strided_slice %get3A_20 {offsets = [15], sizes = [1], strides = [1]} : vector<16xi32> to vector<1xi32>
      %squeeze3A_199 = vector.extract %slice3A_198[0] : i32 from vector<1xi32>
      %dma_start3A_200 = arith.constant 15 : i32
      %dma_start3A_201 = arith.constant 0 : i32
      %dma_start3A_202 = tpu.memref_slice %arg10[%dma_start3A_200, %dma_start3A_201] : memref<64x32xf32, #tpu.memory_space<vmem>> -> memref<1x32xf32, #tpu.memory_space<vmem>>
      %dma_start3A_203 = arith.constant 0 : i32
      %dma_start3A_204 = tpu.memref_slice %arg4[%squeeze3A_199, %dma_start3A_203] : memref<1000x32xf32, #tpu.memory_space<hbm>> -> memref<1x32xf32, #tpu.memory_space<hbm>>
      %dma_start3A_205 = arith.constant 15 : i32
      %dma_start3A_206 = arith.constant 0 : i32
      %dma_start3A_207 = tpu.memref_slice %arg10[%dma_start3A_205, %dma_start3A_206] : memref<64x32xf32, #tpu.memory_space<vmem>> -> memref<1x32xf32, #tpu.memory_space<vmem>>
      %dma_start3A_208 = arith.constant 0 : i32
      %dma_start3A_209 = tpu.memref_slice %arg4[%squeeze3A_199, %dma_start3A_208] : memref<1000x32xf32, #tpu.memory_space<hbm>> -> memref<1x32xf32, #tpu.memory_space<hbm>>
      tpu.enqueue_dma source(%dma_start3A_209 : memref<1x32xf32, #tpu.memory_space<hbm>>) target(%dma_start3A_207 : memref<1x32xf32, #tpu.memory_space<vmem>>) target_semaphore(%arg12 : memref<!tpu.dma_semaphore, #tpu.memory_space<semaphore_mem>>)
      %mul3A_210 = arith.constant 64 : i32
      %mul3A_211 = arith.muli %scan3A_14, %mul3A_210 : i32
      %add3A_212 = arith.constant 16 : i32
      %add3A_213 = arith.addi %mul3A_211, %add3A_212 : i32
      %get3A_214 = arith.index_cast %add3A_213 : i32 to index
      %get3A_215 = tpu.vector_load %arg8[%get3A_214] {strides = array<i32>} : memref<512xi32, #tpu.memory_space<vmem>>, vector<16xi32>,
      %get3A_216 = vector.shape_cast %get3A_215 : vector<16xi32> to vector<16xi32>
      %slice3A_217 = vector.extract_strided_slice %get3A_216 {offsets = [0], sizes = [1], strides = [1]} : vector<16xi32> to vector<1xi32>
      %squeeze3A_218 = vector.extract %slice3A_217[0] : i32 from vector<1xi32>
      %dma_start3A_219 = arith.constant 16 : i32
      %dma_start3A_220 = arith.constant 0 : i32
      %dma_start3A_221 = tpu.memref_slice %arg10[%dma_start3A_219, %dma_start3A_220] : memref<64x32xf32, #tpu.memory_space<vmem>> -> memref<1x32xf32, #tpu.memory_space<vmem>>
      %dma_start3A_222 = arith.constant 0 : i32
      %dma_start3A_223 = tpu.memref_slice %arg4[%squeeze3A_218, %dma_start3A_222] : memref<1000x32xf32, #tpu.memory_space<hbm>> -> memref<1x32xf32, #tpu.memory_space<hbm>>
      %dma_start3A_224 = arith.constant 16 : i32
      %dma_start3A_225 = arith.constant 0 : i32
      %dma_start3A_226 = tpu.memref_slice %arg10[%dma_start3A_224, %dma_start3A_225] : memref<64x32xf32, #tpu.memory_space<vmem>> -> memref<1x32xf32, #tpu.memory_space<vmem>>
      %dma_start3A_227 = arith.constant 0 : i32
      %dma_start3A_228 = tpu.memref_slice %arg4[%squeeze3A_218, %dma_start3A_227] : memref<1000x32xf32, #tpu.memory_space<hbm>> -> memref<1x32xf32, #tpu.memory_space<hbm>>
      tpu.enqueue_dma source(%dma_start3A_228 : memref<1x32xf32, #tpu.memory_space<hbm>>) target(%dma_start3A_226 : memref<1x32xf32, #tpu.memory_space<vmem>>) target_semaphore(%arg12 : memref<!tpu.dma_semaphore, #tpu.memory_space<semaphore_mem>>)
      %slice3A_229 = vector.extract_strided_slice %get3A_216 {offsets = [1], sizes = [1], strides = [1]} : vector<16xi32> to vector<1xi32>
      %squeeze3A_230 = vector.extract %slice3A_229[0] : i32 from vector<1xi32>
      %dma_start3A_231 = arith.constant 17 : i32
      %dma_start3A_232 = arith.constant 0 : i32
      %dma_start3A_233 = tpu.memref_slice %arg10[%dma_start3A_231, %dma_start3A_232] : memref<64x32xf32, #tpu.memory_space<vmem>> -> memref<1x32xf32, #tpu.memory_space<vmem>>
      %dma_start3A_234 = arith.constant 0 : i32
      %dma_start3A_235 = tpu.memref_slice %arg4[%squeeze3A_230, %dma_start3A_234] : memref<1000x32xf32, #tpu.memory_space<hbm>> -> memref<1x32xf32, #tpu.memory_space<hbm>>
      %dma_start3A_236 = arith.constant 17 : i32
      %dma_start3A_237 = arith.constant 0 : i32
      %dma_start3A_238 = tpu.memref_slice %arg10[%dma_start3A_236, %dma_start3A_237] : memref<64x32xf32, #tpu.memory_space<vmem>> -> memref<1x32xf32, #tpu.memory_space<vmem>>
      %dma_start3A_239 = arith.constant 0 : i32
      %dma_start3A_240 = tpu.memref_slice %arg4[%squeeze3A_230, %dma_start3A_239] : memref<1000x32xf32, #tpu.memory_space<hbm>> -> memref<1x32xf32, #tpu.memory_space<hbm>>
      tpu.enqueue_dma source(%dma_start3A_240 : memref<1x32xf32, #tpu.memory_space<hbm>>) target(%dma_start3A_238 : memref<1x32xf32, #tpu.memory_space<vmem>>) target_semaphore(%arg12 : memref<!tpu.dma_semaphore, #tpu.memory_space<semaphore_mem>>)
      %slice3A_241 = vector.extract_strided_slice %get3A_216 {offsets = [2], sizes = [1], strides = [1]} : vector<16xi32> to vector<1xi32>
      %squeeze3A_242 = vector.extract %slice3A_241[0] : i32 from vector<1xi32>
      %dma_start3A_243 = arith.constant 18 : i32
      %dma_start3A_244 = arith.constant 0 : i32
      %dma_start3A_245 = tpu.memref_slice %arg10[%dma_start3A_243, %dma_start3A_244] : memref<64x32xf32, #tpu.memory_space<vmem>> -> memref<1x32xf32, #tpu.memory_space<vmem>>
      %dma_start3A_246 = arith.constant 0 : i32
      %dma_start3A_247 = tpu.memref_slice %arg4[%squeeze3A_242, %dma_start3A_246] : memref<1000x32xf32, #tpu.memory_space<hbm>> -> memref<1x32xf32, #tpu.memory_space<hbm>>
      %dma_start3A_248 = arith.constant 18 : i32
      %dma_start3A_249 = arith.constant 0 : i32
      %dma_start3A_250 = tpu.memref_slice %arg10[%dma_start3A_248, %dma_start3A_249] : memref<64x32xf32, #tpu.memory_space<vmem>> -> memref<1x32xf32, #tpu.memory_space<vmem>>
      %dma_start3A_251 = arith.constant 0 : i32
      %dma_start3A_252 = tpu.memref_slice %arg4[%squeeze3A_242, %dma_start3A_251] : memref<1000x32xf32, #tpu.memory_space<hbm>> -> memref<1x32xf32, #tpu.memory_space<hbm>>
      tpu.enqueue_dma source(%dma_start3A_252 : memref<1x32xf32, #tpu.memory_space<hbm>>) target(%dma_start3A_250 : memref<1x32xf32, #tpu.memory_space<vmem>>) target_semaphore(%arg12 : memref<!tpu.dma_semaphore, #tpu.memory_space<semaphore_mem>>)
      %slice3A_253 = vector.extract_strided_slice %get3A_216 {offsets = [3], sizes = [1], strides = [1]} : vector<16xi32> to vector<1xi32>
      %squeeze3A_254 = vector.extract %slice3A_253[0] : i32 from vector<1xi32>
      %dma_start3A_255 = arith.constant 19 : i32
      %dma_start3A_256 = arith.constant 0 : i32
      %dma_start3A_257 = tpu.memref_slice %arg10[%dma_start3A_255, %dma_start3A_256] : memref<64x32xf32, #tpu.memory_space<vmem>> -> memref<1x32xf32, #tpu.memory_space<vmem>>
      %dma_start3A_258 = arith.constant 0 : i32
      %dma_start3A_259 = tpu.memref_slice %arg4[%squeeze3A_254, %dma_start3A_258] : memref<1000x32xf32, #tpu.memory_space<hbm>> -> memref<1x32xf32, #tpu.memory_space<hbm>>
      %dma_start3A_260 = arith.constant 19 : i32
      %dma_start3A_261 = arith.constant 0 : i32
      %dma_start3A_262 = tpu.memref_slice %arg10[%dma_start3A_260, %dma_start3A_261] : memref<64x32xf32, #tpu.memory_space<vmem>> -> memref<1x32xf32, #tpu.memory_space<vmem>>
      %dma_start3A_263 = arith.constant 0 : i32
      %dma_start3A_264 = tpu.memref_slice %arg4[%squeeze3A_254, %dma_start3A_263] : memref<1000x32xf32, #tpu.memory_space<hbm>> -> memref<1x32xf32, #tpu.memory_space<hbm>>
      tpu.enqueue_dma source(%dma_start3A_264 : memref<1x32xf32, #tpu.memory_space<hbm>>) target(%dma_start3A_262 : memref<1x32xf32, #tpu.memory_space<vmem>>) target_semaphore(%arg12 : memref<!tpu.dma_semaphore, #tpu.memory_space<semaphore_mem>>)
      %slice3A_265 = vector.extract_strided_slice %get3A_216 {offsets = [4], sizes = [1], strides = [1]} : vector<16xi32> to vector<1xi32>
      %squeeze3A_266 = vector.extract %slice3A_265[0] : i32 from vector<1xi32>
      %dma_start3A_267 = arith.constant 20 : i32
      %dma_start3A_268 = arith.constant 0 : i32
      %dma_start3A_269 = tpu.memref_slice %arg10[%dma_start3A_267, %dma_start3A_268] : memref<64x32xf32, #tpu.memory_space<vmem>> -> memref<1x32xf32, #tpu.memory_space<vmem>>
      %dma_start3A_270 = arith.constant 0 : i32
      %dma_start3A_271 = tpu.memref_slice %arg4[%squeeze3A_266, %dma_start3A_270] : memref<1000x32xf32, #tpu.memory_space<hbm>> -> memref<1x32xf32, #tpu.memory_space<hbm>>
      %dma_start3A_272 = arith.constant 20 : i32
      %dma_start3A_273 = arith.constant 0 : i32
      %dma_start3A_274 = tpu.memref_slice %arg10[%dma_start3A_272, %dma_start3A_273] : memref<64x32xf32, #tpu.memory_space<vmem>> -> memref<1x32xf32, #tpu.memory_space<vmem>>
      %dma_start3A_275 = arith.constant 0 : i32
      %dma_start3A_276 = tpu.memref_slice %arg4[%squeeze3A_266, %dma_start3A_275] : memref<1000x32xf32, #tpu.memory_space<hbm>> -> memref<1x32xf32, #tpu.memory_space<hbm>>
      tpu.enqueue_dma source(%dma_start3A_276 : memref<1x32xf32, #tpu.memory_space<hbm>>) target(%dma_start3A_274 : memref<1x32xf32, #tpu.memory_space<vmem>>) target_semaphore(%arg12 : memref<!tpu.dma_semaphore, #tpu.memory_space<semaphore_mem>>)
      %slice3A_277 = vector.extract_strided_slice %get3A_216 {offsets = [5], sizes = [1], strides = [1]} : vector<16xi32> to vector<1xi32>
      %squeeze3A_278 = vector.extract %slice3A_277[0] : i32 from vector<1xi32>
      %dma_start3A_279 = arith.constant 21 : i32
      %dma_start3A_280 = arith.constant 0 : i32
      %dma_start3A_281 = tpu.memref_slice %arg10[%dma_start3A_279, %dma_start3A_280] : memref<64x32xf32, #tpu.memory_space<vmem>> -> memref<1x32xf32, #tpu.memory_space<vmem>>
      %dma_start3A_282 = arith.constant 0 : i32
      %dma_start3A_283 = tpu.memref_slice %arg4[%squeeze3A_278, %dma_start3A_282] : memref<1000x32xf32, #tpu.memory_space<hbm>> -> memref<1x32xf32, #tpu.memory_space<hbm>>
      %dma_start3A_284 = arith.constant 21 : i32
      %dma_start3A_285 = arith.constant 0 : i32
      %dma_start3A_286 = tpu.memref_slice %arg10[%dma_start3A_284, %dma_start3A_285] : memref<64x32xf32, #tpu.memory_space<vmem>> -> memref<1x32xf32, #tpu.memory_space<vmem>>
      %dma_start3A_287 = arith.constant 0 : i32
      %dma_start3A_288 = tpu.memref_slice %arg4[%squeeze3A_278, %dma_start3A_287] : memref<1000x32xf32, #tpu.memory_space<hbm>> -> memref<1x32xf32, #tpu.memory_space<hbm>>
      tpu.enqueue_dma source(%dma_start3A_288 : memref<1x32xf32, #tpu.memory_space<hbm>>) target(%dma_start3A_286 : memref<1x32xf32, #tpu.memory_space<vmem>>) target_semaphore(%arg12 : memref<!tpu.dma_semaphore, #tpu.memory_space<semaphore_mem>>)
      %slice3A_289 = vector.extract_strided_slice %get3A_216 {offsets = [6], sizes = [1], strides = [1]} : vector<16xi32> to vector<1xi32>
      %squeeze3A_290 = vector.extract %slice3A_289[0] : i32 from vector<1xi32>
      %dma_start3A_291 = arith.constant 22 : i32
      %dma_start3A_292 = arith.constant 0 : i32
      %dma_start3A_293 = tpu.memref_slice %arg10[%dma_start3A_291, %dma_start3A_292] : memref<64x32xf32, #tpu.memory_space<vmem>> -> memref<1x32xf32, #tpu.memory_space<vmem>>
      %dma_start3A_294 = arith.constant 0 : i32
      %dma_start3A_295 = tpu.memref_slice %arg4[%squeeze3A_290, %dma_start3A_294] : memref<1000x32xf32, #tpu.memory_space<hbm>> -> memref<1x32xf32, #tpu.memory_space<hbm>>
      %dma_start3A_296 = arith.constant 22 : i32
      %dma_start3A_297 = arith.constant 0 : i32
      %dma_start3A_298 = tpu.memref_slice %arg10[%dma_start3A_296, %dma_start3A_297] : memref<64x32xf32, #tpu.memory_space<vmem>> -> memref<1x32xf32, #tpu.memory_space<vmem>>
      %dma_start3A_299 = arith.constant 0 : i32
      %dma_start3A_300 = tpu.memref_slice %arg4[%squeeze3A_290, %dma_start3A_299] : memref<1000x32xf32, #tpu.memory_space<hbm>> -> memref<1x32xf32, #tpu.memory_space<hbm>>
      tpu.enqueue_dma source(%dma_start3A_300 : memref<1x32xf32, #tpu.memory_space<hbm>>) target(%dma_start3A_298 : memref<1x32xf32, #tpu.memory_space<vmem>>) target_semaphore(%arg12 : memref<!tpu.dma_semaphore, #tpu.memory_space<semaphore_mem>>)
      %slice3A_301 = vector.extract_strided_slice %get3A_216 {offsets = [7], sizes = [1], strides = [1]} : vector<16xi32> to vector<1xi32>
      %squeeze3A_302 = vector.extract %slice3A_301[0] : i32 from vector<1xi32>
      %dma_start3A_303 = arith.constant 23 : i32
      %dma_start3A_304 = arith.constant 0 : i32
      %dma_start3A_305 = tpu.memref_slice %arg10[%dma_start3A_303, %dma_start3A_304] : memref<64x32xf32, #tpu.memory_space<vmem>> -> memref<1x32xf32, #tpu.memory_space<vmem>>
      %dma_start3A_306 = arith.constant 0 : i32
      %dma_start3A_307 = tpu.memref_slice %arg4[%squeeze3A_302, %dma_start3A_306] : memref<1000x32xf32, #tpu.memory_space<hbm>> -> memref<1x32xf32, #tpu.memory_space<hbm>>
      %dma_start3A_308 = arith.constant 23 : i32
      %dma_start3A_309 = arith.constant 0 : i32
      %dma_start3A_310 = tpu.memref_slice %arg10[%dma_start3A_308, %dma_start3A_309] : memref<64x32xf32, #tpu.memory_space<vmem>> -> memref<1x32xf32, #tpu.memory_space<vmem>>
      %dma_start3A_311 = arith.constant 0 : i32
      %dma_start3A_312 = tpu.memref_slice %arg4[%squeeze3A_302, %dma_start3A_311] : memref<1000x32xf32, #tpu.memory_space<hbm>> -> memref<1x32xf32, #tpu.memory_space<hbm>>
      tpu.enqueue_dma source(%dma_start3A_312 : memref<1x32xf32, #tpu.memory_space<hbm>>) target(%dma_start3A_310 : memref<1x32xf32, #tpu.memory_space<vmem>>) target_semaphore(%arg12 : memref<!tpu.dma_semaphore, #tpu.memory_space<semaphore_mem>>)
      %slice3A_313 = vector.extract_strided_slice %get3A_216 {offsets = [8], sizes = [1], strides = [1]} : vector<16xi32> to vector<1xi32>
      %squeeze3A_314 = vector.extract %slice3A_313[0] : i32 from vector<1xi32>
      %dma_start3A_315 = arith.constant 24 : i32
      %dma_start3A_316 = arith.constant 0 : i32
      %dma_start3A_317 = tpu.memref_slice %arg10[%dma_start3A_315, %dma_start3A_316] : memref<64x32xf32, #tpu.memory_space<vmem>> -> memref<1x32xf32, #tpu.memory_space<vmem>>
      %dma_start3A_318 = arith.constant 0 : i32
      %dma_start3A_319 = tpu.memref_slice %arg4[%squeeze3A_314, %dma_start3A_318] : memref<1000x32xf32, #tpu.memory_space<hbm>> -> memref<1x32xf32, #tpu.memory_space<hbm>>
      %dma_start3A_320 = arith.constant 24 : i32
      %dma_start3A_321 = arith.constant 0 : i32
      %dma_start3A_322 = tpu.memref_slice %arg10[%dma_start3A_320, %dma_start3A_321] : memref<64x32xf32, #tpu.memory_space<vmem>> -> memref<1x32xf32, #tpu.memory_space<vmem>>
      %dma_start3A_323 = arith.constant 0 : i32
      %dma_start3A_324 = tpu.memref_slice %arg4[%squeeze3A_314, %dma_start3A_323] : memref<1000x32xf32, #tpu.memory_space<hbm>> -> memref<1x32xf32, #tpu.memory_space<hbm>>
      tpu.enqueue_dma source(%dma_start3A_324 : memref<1x32xf32, #tpu.memory_space<hbm>>) target(%dma_start3A_322 : memref<1x32xf32, #tpu.memory_space<vmem>>) target_semaphore(%arg12 : memref<!tpu.dma_semaphore, #tpu.memory_space<semaphore_mem>>)
      %slice3A_325 = vector.extract_strided_slice %get3A_216 {offsets = [9], sizes = [1], strides = [1]} : vector<16xi32> to vector<1xi32>
      %squeeze3A_326 = vector.extract %slice3A_325[0] : i32 from vector<1xi32>
      %dma_start3A_327 = arith.constant 25 : i32
      %dma_start3A_328 = arith.constant 0 : i32
      %dma_start3A_329 = tpu.memref_slice %arg10[%dma_start3A_327, %dma_start3A_328] : memref<64x32xf32, #tpu.memory_space<vmem>> -> memref<1x32xf32, #tpu.memory_space<vmem>>
      %dma_start3A_330 = arith.constant 0 : i32
      %dma_start3A_331 = tpu.memref_slice %arg4[%squeeze3A_326, %dma_start3A_330] : memref<1000x32xf32, #tpu.memory_space<hbm>> -> memref<1x32xf32, #tpu.memory_space<hbm>>
      %dma_start3A_332 = arith.constant 25 : i32
      %dma_start3A_333 = arith.constant 0 : i32
      %dma_start3A_334 = tpu.memref_slice %arg10[%dma_start3A_332, %dma_start3A_333] : memref<64x32xf32, #tpu.memory_space<vmem>> -> memref<1x32xf32, #tpu.memory_space<vmem>>
      %dma_start3A_335 = arith.constant 0 : i32
      %dma_start3A_336 = tpu.memref_slice %arg4[%squeeze3A_326, %dma_start3A_335] : memref<1000x32xf32, #tpu.memory_space<hbm>> -> memref<1x32xf32, #tpu.memory_space<hbm>>
      tpu.enqueue_dma source(%dma_start3A_336 : memref<1x32xf32, #tpu.memory_space<hbm>>) target(%dma_start3A_334 : memref<1x32xf32, #tpu.memory_space<vmem>>) target_semaphore(%arg12 : memref<!tpu.dma_semaphore, #tpu.memory_space<semaphore_mem>>)
      %slice3A_337 = vector.extract_strided_slice %get3A_216 {offsets = [10], sizes = [1], strides = [1]} : vector<16xi32> to vector<1xi32>
      %squeeze3A_338 = vector.extract %slice3A_337[0] : i32 from vector<1xi32>
      %dma_start3A_339 = arith.constant 26 : i32
      %dma_start3A_340 = arith.constant 0 : i32
      %dma_start3A_341 = tpu.memref_slice %arg10[%dma_start3A_339, %dma_start3A_340] : memref<64x32xf32, #tpu.memory_space<vmem>> -> memref<1x32xf32, #tpu.memory_space<vmem>>
      %dma_start3A_342 = arith.constant 0 : i32
      %dma_start3A_343 = tpu.memref_slice %arg4[%squeeze3A_338, %dma_start3A_342] : memref<1000x32xf32, #tpu.memory_space<hbm>> -> memref<1x32xf32, #tpu.memory_space<hbm>>
      %dma_start3A_344 = arith.constant 26 : i32
      %dma_start3A_345 = arith.constant 0 : i32
      %dma_start3A_346 = tpu.memref_slice %arg10[%dma_start3A_344, %dma_start3A_345] : memref<64x32xf32, #tpu.memory_space<vmem>> -> memref<1x32xf32, #tpu.memory_space<vmem>>
      %dma_start3A_347 = arith.constant 0 : i32
      %dma_start3A_348 = tpu.memref_slice %arg4[%squeeze3A_338, %dma_start3A_347] : memref<1000x32xf32, #tpu.memory_space<hbm>> -> memref<1x32xf32, #tpu.memory_space<hbm>>
      tpu.enqueue_dma source(%dma_start3A_348 : memref<1x32xf32, #tpu.memory_space<hbm>>) target(%dma_start3A_346 : memref<1x32xf32, #tpu.memory_space<vmem>>) target_semaphore(%arg12 : memref<!tpu.dma_semaphore, #tpu.memory_space<semaphore_mem>>)
      %slice3A_349 = vector.extract_strided_slice %get3A_216 {offsets = [11], sizes = [1], strides = [1]} : vector<16xi32> to vector<1xi32>
      %squeeze3A_350 = vector.extract %slice3A_349[0] : i32 from vector<1xi32>
      %dma_start3A_351 = arith.constant 27 : i32
      %dma_start3A_352 = arith.constant 0 : i32
      %dma_start3A_353 = tpu.memref_slice %arg10[%dma_start3A_351, %dma_start3A_352] : memref<64x32xf32, #tpu.memory_space<vmem>> -> memref<1x32xf32, #tpu.memory_space<vmem>>
      %dma_start3A_354 = arith.constant 0 : i32
      %dma_start3A_355 = tpu.memref_slice %arg4[%squeeze3A_350, %dma_start3A_354] : memref<1000x32xf32, #tpu.memory_space<hbm>> -> memref<1x32xf32, #tpu.memory_space<hbm>>
      %dma_start3A_356 = arith.constant 27 : i32
      %dma_start3A_357 = arith.constant 0 : i32
      %dma_start3A_358 = tpu.memref_slice %arg10[%dma_start3A_356, %dma_start3A_357] : memref<64x32xf32, #tpu.memory_space<vmem>> -> memref<1x32xf32, #tpu.memory_space<vmem>>
      %dma_start3A_359 = arith.constant 0 : i32
      %dma_start3A_360 = tpu.memref_slice %arg4[%squeeze3A_350, %dma_start3A_359] : memref<1000x32xf32, #tpu.memory_space<hbm>> -> memref<1x32xf32, #tpu.memory_space<hbm>>
      tpu.enqueue_dma source(%dma_start3A_360 : memref<1x32xf32, #tpu.memory_space<hbm>>) target(%dma_start3A_358 : memref<1x32xf32, #tpu.memory_space<vmem>>) target_semaphore(%arg12 : memref<!tpu.dma_semaphore, #tpu.memory_space<semaphore_mem>>)
      %slice3A_361 = vector.extract_strided_slice %get3A_216 {offsets = [12], sizes = [1], strides = [1]} : vector<16xi32> to vector<1xi32>
      %squeeze3A_362 = vector.extract %slice3A_361[0] : i32 from vector<1xi32>
      %dma_start3A_363 = arith.constant 28 : i32
      %dma_start3A_364 = arith.constant 0 : i32
      %dma_start3A_365 = tpu.memref_slice %arg10[%dma_start3A_363, %dma_start3A_364] : memref<64x32xf32, #tpu.memory_space<vmem>> -> memref<1x32xf32, #tpu.memory_space<vmem>>
      %dma_start3A_366 = arith.constant 0 : i32
      %dma_start3A_367 = tpu.memref_slice %arg4[%squeeze3A_362, %dma_start3A_366] : memref<1000x32xf32, #tpu.memory_space<hbm>> -> memref<1x32xf32, #tpu.memory_space<hbm>>
      %dma_start3A_368 = arith.constant 28 : i32
      %dma_start3A_369 = arith.constant 0 : i32
      %dma_start3A_370 = tpu.memref_slice %arg10[%dma_start3A_368, %dma_start3A_369] : memref<64x32xf32, #tpu.memory_space<vmem>> -> memref<1x32xf32, #tpu.memory_space<vmem>>
      %dma_start3A_371 = arith.constant 0 : i32
      %dma_start3A_372 = tpu.memref_slice %arg4[%squeeze3A_362, %dma_start3A_371] : memref<1000x32xf32, #tpu.memory_space<hbm>> -> memref<1x32xf32, #tpu.memory_space<hbm>>
      tpu.enqueue_dma source(%dma_start3A_372 : memref<1x32xf32, #tpu.memory_space<hbm>>) target(%dma_start3A_370 : memref<1x32xf32, #tpu.memory_space<vmem>>) target_semaphore(%arg12 : memref<!tpu.dma_semaphore, #tpu.memory_space<semaphore_mem>>)
      %slice3A_373 = vector.extract_strided_slice %get3A_216 {offsets = [13], sizes = [1], strides = [1]} : vector<16xi32> to vector<1xi32>
      %squeeze3A_374 = vector.extract %slice3A_373[0] : i32 from vector<1xi32>
      %dma_start3A_375 = arith.constant 29 : i32
      %dma_start3A_376 = arith.constant 0 : i32
      %dma_start3A_377 = tpu.memref_slice %arg10[%dma_start3A_375, %dma_start3A_376] : memref<64x32xf32, #tpu.memory_space<vmem>> -> memref<1x32xf32, #tpu.memory_space<vmem>>
      %dma_start3A_378 = arith.constant 0 : i32
      %dma_start3A_379 = tpu.memref_slice %arg4[%squeeze3A_374, %dma_start3A_378] : memref<1000x32xf32, #tpu.memory_space<hbm>> -> memref<1x32xf32, #tpu.memory_space<hbm>>
      %dma_start3A_380 = arith.constant 29 : i32
      %dma_start3A_381 = arith.constant 0 : i32
      %dma_start3A_382 = tpu.memref_slice %arg10[%dma_start3A_380, %dma_start3A_381] : memref<64x32xf32, #tpu.memory_space<vmem>> -> memref<1x32xf32, #tpu.memory_space<vmem>>
      %dma_start3A_383 = arith.constant 0 : i32
      %dma_start3A_384 = tpu.memref_slice %arg4[%squeeze3A_374, %dma_start3A_383] : memref<1000x32xf32, #tpu.memory_space<hbm>> -> memref<1x32xf32, #tpu.memory_space<hbm>>
      tpu.enqueue_dma source(%dma_start3A_384 : memref<1x32xf32, #tpu.memory_space<hbm>>) target(%dma_start3A_382 : memref<1x32xf32, #tpu.memory_space<vmem>>) target_semaphore(%arg12 : memref<!tpu.dma_semaphore, #tpu.memory_space<semaphore_mem>>)
      %slice3A_385 = vector.extract_strided_slice %get3A_216 {offsets = [14], sizes = [1], strides = [1]} : vector<16xi32> to vector<1xi32>
      %squeeze3A_386 = vector.extract %slice3A_385[0] : i32 from vector<1xi32>
      %dma_start3A_387 = arith.constant 30 : i32
      %dma_start3A_388 = arith.constant 0 : i32
      %dma_start3A_389 = tpu.memref_slice %arg10[%dma_start3A_387, %dma_start3A_388] : memref<64x32xf32, #tpu.memory_space<vmem>> -> memref<1x32xf32, #tpu.memory_space<vmem>>
      %dma_start3A_390 = arith.constant 0 : i32
      %dma_start3A_391 = tpu.memref_slice %arg4[%squeeze3A_386, %dma_start3A_390] : memref<1000x32xf32, #tpu.memory_space<hbm>> -> memref<1x32xf32, #tpu.memory_space<hbm>>
      %dma_start3A_392 = arith.constant 30 : i32
      %dma_start3A_393 = arith.constant 0 : i32
      %dma_start3A_394 = tpu.memref_slice %arg10[%dma_start3A_392, %dma_start3A_393] : memref<64x32xf32, #tpu.memory_space<vmem>> -> memref<1x32xf32, #tpu.memory_space<vmem>>
      %dma_start3A_395 = arith.constant 0 : i32
      %dma_start3A_396 = tpu.memref_slice %arg4[%squeeze3A_386, %dma_start3A_395] : memref<1000x32xf32, #tpu.memory_space<hbm>> -> memref<1x32xf32, #tpu.memory_space<hbm>>
      tpu.enqueue_dma source(%dma_start3A_396 : memref<1x32xf32, #tpu.memory_space<hbm>>) target(%dma_start3A_394 : memref<1x32xf32, #tpu.memory_space<vmem>>) target_semaphore(%arg12 : memref<!tpu.dma_semaphore, #tpu.memory_space<semaphore_mem>>)
      %slice3A_397 = vector.extract_strided_slice %get3A_216 {offsets = [15], sizes = [1], strides = [1]} : vector<16xi32> to vector<1xi32>
      %squeeze3A_398 = vector.extract %slice3A_397[0] : i32 from vector<1xi32>
      %dma_start3A_399 = arith.constant 31 : i32
      %dma_start3A_400 = arith.constant 0 : i32
      %dma_start3A_401 = tpu.memref_slice %arg10[%dma_start3A_399, %dma_start3A_400] : memref<64x32xf32, #tpu.memory_space<vmem>> -> memref<1x32xf32, #tpu.memory_space<vmem>>
      %dma_start3A_402 = arith.constant 0 : i32
      %dma_start3A_403 = tpu.memref_slice %arg4[%squeeze3A_398, %dma_start3A_402] : memref<1000x32xf32, #tpu.memory_space<hbm>> -> memref<1x32xf32, #tpu.memory_space<hbm>>
      %dma_start3A_404 = arith.constant 31 : i32
      %dma_start3A_405 = arith.constant 0 : i32
      %dma_start3A_406 = tpu.memref_slice %arg10[%dma_start3A_404, %dma_start3A_405] : memref<64x32xf32, #tpu.memory_space<vmem>> -> memref<1x32xf32, #tpu.memory_space<vmem>>
      %dma_start3A_407 = arith.constant 0 : i32
      %dma_start3A_408 = tpu.memref_slice %arg4[%squeeze3A_398, %dma_start3A_407] : memref<1000x32xf32, #tpu.memory_space<hbm>> -> memref<1x32xf32, #tpu.memory_space<hbm>>
      tpu.enqueue_dma source(%dma_start3A_408 : memref<1x32xf32, #tpu.memory_space<hbm>>) target(%dma_start3A_406 : memref<1x32xf32, #tpu.memory_space<vmem>>) target_semaphore(%arg12 : memref<!tpu.dma_semaphore, #tpu.memory_space<semaphore_mem>>)
      %mul3A_409 = arith.constant 64 : i32
      %mul3A_410 = arith.muli %scan3A_14, %mul3A_409 : i32
      %add3A_411 = arith.constant 32 : i32
      %add3A_412 = arith.addi %mul3A_410, %add3A_411 : i32
      %get3A_413 = arith.index_cast %add3A_412 : i32 to index
      %get3A_414 = tpu.vector_load %arg8[%get3A_413] {strides = array<i32>} : memref<512xi32, #tpu.memory_space<vmem>>, vector<16xi32>,
      %get3A_415 = vector.shape_cast %get3A_414 : vector<16xi32> to vector<16xi32>
      %slice3A_416 = vector.extract_strided_slice %get3A_415 {offsets = [0], sizes = [1], strides = [1]} : vector<16xi32> to vector<1xi32>
      %squeeze3A_417 = vector.extract %slice3A_416[0] : i32 from vector<1xi32>
      %dma_start3A_418 = arith.constant 32 : i32
      %dma_start3A_419 = arith.constant 0 : i32
      %dma_start3A_420 = tpu.memref_slice %arg10[%dma_start3A_418, %dma_start3A_419] : memref<64x32xf32, #tpu.memory_space<vmem>> -> memref<1x32xf32, #tpu.memory_space<vmem>>
      %dma_start3A_421 = arith.constant 0 : i32
      %dma_start3A_422 = tpu.memref_slice %arg4[%squeeze3A_417, %dma_start3A_421] : memref<1000x32xf32, #tpu.memory_space<hbm>> -> memref<1x32xf32, #tpu.memory_space<hbm>>
      %dma_start3A_423 = arith.constant 32 : i32
      %dma_start3A_424 = arith.constant 0 : i32
      %dma_start3A_425 = tpu.memref_slice %arg10[%dma_start3A_423, %dma_start3A_424] : memref<64x32xf32, #tpu.memory_space<vmem>> -> memref<1x32xf32, #tpu.memory_space<vmem>>
      %dma_start3A_426 = arith.constant 0 : i32
      %dma_start3A_427 = tpu.memref_slice %arg4[%squeeze3A_417, %dma_start3A_426] : memref<1000x32xf32, #tpu.memory_space<hbm>> -> memref<1x32xf32, #tpu.memory_space<hbm>>
      tpu.enqueue_dma source(%dma_start3A_427 : memref<1x32xf32, #tpu.memory_space<hbm>>) target(%dma_start3A_425 : memref<1x32xf32, #tpu.memory_space<vmem>>) target_semaphore(%arg12 : memref<!tpu.dma_semaphore, #tpu.memory_space<semaphore_mem>>)
      %slice3A_428 = vector.extract_strided_slice %get3A_415 {offsets = [1], sizes = [1], strides = [1]} : vector<16xi32> to vector<1xi32>
      %squeeze3A_429 = vector.extract %slice3A_428[0] : i32 from vector<1xi32>
      %dma_start3A_430 = arith.constant 33 : i32
      %dma_start3A_431 = arith.constant 0 : i32
      %dma_start3A_432 = tpu.memref_slice %arg10[%dma_start3A_430, %dma_start3A_431] : memref<64x32xf32, #tpu.memory_space<vmem>> -> memref<1x32xf32, #tpu.memory_space<vmem>>
      %dma_start3A_433 = arith.constant 0 : i32
      %dma_start3A_434 = tpu.memref_slice %arg4[%squeeze3A_429, %dma_start3A_433] : memref<1000x32xf32, #tpu.memory_space<hbm>> -> memref<1x32xf32, #tpu.memory_space<hbm>>
      %dma_start3A_435 = arith.constant 33 : i32
      %dma_start3A_436 = arith.constant 0 : i32
      %dma_start3A_437 = tpu.memref_slice %arg10[%dma_start3A_435, %dma_start3A_436] : memref<64x32xf32, #tpu.memory_space<vmem>> -> memref<1x32xf32, #tpu.memory_space<vmem>>
      %dma_start3A_438 = arith.constant 0 : i32
      %dma_start3A_439 = tpu.memref_slice %arg4[%squeeze3A_429, %dma_start3A_438] : memref<1000x32xf32, #tpu.memory_space<hbm>> -> memref<1x32xf32, #tpu.memory_space<hbm>>
      tpu.enqueue_dma source(%dma_start3A_439 : memref<1x32xf32, #tpu.memory_space<hbm>>) target(%dma_start3A_437 : memref<1x32xf32, #tpu.memory_space<vmem>>) target_semaphore(%arg12 : memref<!tpu.dma_semaphore, #tpu.memory_space<semaphore_mem>>)
      %slice3A_440 = vector.extract_strided_slice %get3A_415 {offsets = [2], sizes = [1], strides = [1]} : vector<16xi32> to vector<1xi32>
      %squeeze3A_441 = vector.extract %slice3A_440[0] : i32 from vector<1xi32>
      %dma_start3A_442 = arith.constant 34 : i32
      %dma_start3A_443 = arith.constant 0 : i32
      %dma_start3A_444 = tpu.memref_slice %arg10[%dma_start3A_442, %dma_start3A_443] : memref<64x32xf32, #tpu.memory_space<vmem>> -> memref<1x32xf32, #tpu.memory_space<vmem>>
      %dma_start3A_445 = arith.constant 0 : i32
      %dma_start3A_446 = tpu.memref_slice %arg4[%squeeze3A_441, %dma_start3A_445] : memref<1000x32xf32, #tpu.memory_space<hbm>> -> memref<1x32xf32, #tpu.memory_space<hbm>>
      %dma_start3A_447 = arith.constant 34 : i32
      %dma_start3A_448 = arith.constant 0 : i32
      %dma_start3A_449 = tpu.memref_slice %arg10[%dma_start3A_447, %dma_start3A_448] : memref<64x32xf32, #tpu.memory_space<vmem>> -> memref<1x32xf32, #tpu.memory_space<vmem>>
      %dma_start3A_450 = arith.constant 0 : i32
      %dma_start3A_451 = tpu.memref_slice %arg4[%squeeze3A_441, %dma_start3A_450] : memref<1000x32xf32, #tpu.memory_space<hbm>> -> memref<1x32xf32, #tpu.memory_space<hbm>>
      tpu.enqueue_dma source(%dma_start3A_451 : memref<1x32xf32, #tpu.memory_space<hbm>>) target(%dma_start3A_449 : memref<1x32xf32, #tpu.memory_space<vmem>>) target_semaphore(%arg12 : memref<!tpu.dma_semaphore, #tpu.memory_space<semaphore_mem>>)
      %slice3A_452 = vector.extract_strided_slice %get3A_415 {offsets = [3], sizes = [1], strides = [1]} : vector<16xi32> to vector<1xi32>
      %squeeze3A_453 = vector.extract %slice3A_452[0] : i32 from vector<1xi32>
      %dma_start3A_454 = arith.constant 35 : i32
      %dma_start3A_455 = arith.constant 0 : i32
      %dma_start3A_456 = tpu.memref_slice %arg10[%dma_start3A_454, %dma_start3A_455] : memref<64x32xf32, #tpu.memory_space<vmem>> -> memref<1x32xf32, #tpu.memory_space<vmem>>
      %dma_start3A_457 = arith.constant 0 : i32
      %dma_start3A_458 = tpu.memref_slice %arg4[%squeeze3A_453, %dma_start3A_457] : memref<1000x32xf32, #tpu.memory_space<hbm>> -> memref<1x32xf32, #tpu.memory_space<hbm>>
      %dma_start3A_459 = arith.constant 35 : i32
      %dma_start3A_460 = arith.constant 0 : i32
      %dma_start3A_461 = tpu.memref_slice %arg10[%dma_start3A_459, %dma_start3A_460] : memref<64x32xf32, #tpu.memory_space<vmem>> -> memref<1x32xf32, #tpu.memory_space<vmem>>
      %dma_start3A_462 = arith.constant 0 : i32
      %dma_start3A_463 = tpu.memref_slice %arg4[%squeeze3A_453, %dma_start3A_462] : memref<1000x32xf32, #tpu.memory_space<hbm>> -> memref<1x32xf32, #tpu.memory_space<hbm>>
      tpu.enqueue_dma source(%dma_start3A_463 : memref<1x32xf32, #tpu.memory_space<hbm>>) target(%dma_start3A_461 : memref<1x32xf32, #tpu.memory_space<vmem>>) target_semaphore(%arg12 : memref<!tpu.dma_semaphore, #tpu.memory_space<semaphore_mem>>)
      %slice3A_464 = vector.extract_strided_slice %get3A_415 {offsets = [4], sizes = [1], strides = [1]} : vector<16xi32> to vector<1xi32>
      %squeeze3A_465 = vector.extract %slice3A_464[0] : i32 from vector<1xi32>
      %dma_start3A_466 = arith.constant 36 : i32
      %dma_start3A_467 = arith.constant 0 : i32
      %dma_start3A_468 = tpu.memref_slice %arg10[%dma_start3A_466, %dma_start3A_467] : memref<64x32xf32, #tpu.memory_space<vmem>> -> memref<1x32xf32, #tpu.memory_space<vmem>>
      %dma_start3A_469 = arith.constant 0 : i32
      %dma_start3A_470 = tpu.memref_slice %arg4[%squeeze3A_465, %dma_start3A_469] : memref<1000x32xf32, #tpu.memory_space<hbm>> -> memref<1x32xf32, #tpu.memory_space<hbm>>
      %dma_start3A_471 = arith.constant 36 : i32
      %dma_start3A_472 = arith.constant 0 : i32
      %dma_start3A_473 = tpu.memref_slice %arg10[%dma_start3A_471, %dma_start3A_472] : memref<64x32xf32, #tpu.memory_space<vmem>> -> memref<1x32xf32, #tpu.memory_space<vmem>>
      %dma_start3A_474 = arith.constant 0 : i32
      %dma_start3A_475 = tpu.memref_slice %arg4[%squeeze3A_465, %dma_start3A_474] : memref<1000x32xf32, #tpu.memory_space<hbm>> -> memref<1x32xf32, #tpu.memory_space<hbm>>
      tpu.enqueue_dma source(%dma_start3A_475 : memref<1x32xf32, #tpu.memory_space<hbm>>) target(%dma_start3A_473 : memref<1x32xf32, #tpu.memory_space<vmem>>) target_semaphore(%arg12 : memref<!tpu.dma_semaphore, #tpu.memory_space<semaphore_mem>>)
      %slice3A_476 = vector.extract_strided_slice %get3A_415 {offsets = [5], sizes = [1], strides = [1]} : vector<16xi32> to vector<1xi32>
      %squeeze3A_477 = vector.extract %slice3A_476[0] : i32 from vector<1xi32>
      %dma_start3A_478 = arith.constant 37 : i32
      %dma_start3A_479 = arith.constant 0 : i32
      %dma_start3A_480 = tpu.memref_slice %arg10[%dma_start3A_478, %dma_start3A_479] : memref<64x32xf32, #tpu.memory_space<vmem>> -> memref<1x32xf32, #tpu.memory_space<vmem>>
      %dma_start3A_481 = arith.constant 0 : i32
      %dma_start3A_482 = tpu.memref_slice %arg4[%squeeze3A_477, %dma_start3A_481] : memref<1000x32xf32, #tpu.memory_space<hbm>> -> memref<1x32xf32, #tpu.memory_space<hbm>>
      %dma_start3A_483 = arith.constant 37 : i32
      %dma_start3A_484 = arith.constant 0 : i32
      %dma_start3A_485 = tpu.memref_slice %arg10[%dma_start3A_483, %dma_start3A_484] : memref<64x32xf32, #tpu.memory_space<vmem>> -> memref<1x32xf32, #tpu.memory_space<vmem>>
      %dma_start3A_486 = arith.constant 0 : i32
      %dma_start3A_487 = tpu.memref_slice %arg4[%squeeze3A_477, %dma_start3A_486] : memref<1000x32xf32, #tpu.memory_space<hbm>> -> memref<1x32xf32, #tpu.memory_space<hbm>>
      tpu.enqueue_dma source(%dma_start3A_487 : memref<1x32xf32, #tpu.memory_space<hbm>>) target(%dma_start3A_485 : memref<1x32xf32, #tpu.memory_space<vmem>>) target_semaphore(%arg12 : memref<!tpu.dma_semaphore, #tpu.memory_space<semaphore_mem>>)
      %slice3A_488 = vector.extract_strided_slice %get3A_415 {offsets = [6], sizes = [1], strides = [1]} : vector<16xi32> to vector<1xi32>
      %squeeze3A_489 = vector.extract %slice3A_488[0] : i32 from vector<1xi32>
      %dma_start3A_490 = arith.constant 38 : i32
      %dma_start3A_491 = arith.constant 0 : i32
      %dma_start3A_492 = tpu.memref_slice %arg10[%dma_start3A_490, %dma_start3A_491] : memref<64x32xf32, #tpu.memory_space<vmem>> -> memref<1x32xf32, #tpu.memory_space<vmem>>
      %dma_start3A_493 = arith.constant 0 : i32
      %dma_start3A_494 = tpu.memref_slice %arg4[%squeeze3A_489, %dma_start3A_493] : memref<1000x32xf32, #tpu.memory_space<hbm>> -> memref<1x32xf32, #tpu.memory_space<hbm>>
      %dma_start3A_495 = arith.constant 38 : i32
      %dma_start3A_496 = arith.constant 0 : i32
      %dma_start3A_497 = tpu.memref_slice %arg10[%dma_start3A_495, %dma_start3A_496] : memref<64x32xf32, #tpu.memory_space<vmem>> -> memref<1x32xf32, #tpu.memory_space<vmem>>
      %dma_start3A_498 = arith.constant 0 : i32
      %dma_start3A_499 = tpu.memref_slice %arg4[%squeeze3A_489, %dma_start3A_498] : memref<1000x32xf32, #tpu.memory_space<hbm>> -> memref<1x32xf32, #tpu.memory_space<hbm>>
      tpu.enqueue_dma source(%dma_start3A_499 : memref<1x32xf32, #tpu.memory_space<hbm>>) target(%dma_start3A_497 : memref<1x32xf32, #tpu.memory_space<vmem>>) target_semaphore(%arg12 : memref<!tpu.dma_semaphore, #tpu.memory_space<semaphore_mem>>)
      %slice3A_500 = vector.extract_strided_slice %get3A_415 {offsets = [7], sizes = [1], strides = [1]} : vector<16xi32> to vector<1xi32>
      %squeeze3A_501 = vector.extract %slice3A_500[0] : i32 from vector<1xi32>
      %dma_start3A_502 = arith.constant 39 : i32
      %dma_start3A_503 = arith.constant 0 : i32
      %dma_start3A_504 = tpu.memref_slice %arg10[%dma_start3A_502, %dma_start3A_503] : memref<64x32xf32, #tpu.memory_space<vmem>> -> memref<1x32xf32, #tpu.memory_space<vmem>>
      %dma_start3A_505 = arith.constant 0 : i32
      %dma_start3A_506 = tpu.memref_slice %arg4[%squeeze3A_501, %dma_start3A_505] : memref<1000x32xf32, #tpu.memory_space<hbm>> -> memref<1x32xf32, #tpu.memory_space<hbm>>
      %dma_start3A_507 = arith.constant 39 : i32
      %dma_start3A_508 = arith.constant 0 : i32
      %dma_start3A_509 = tpu.memref_slice %arg10[%dma_start3A_507, %dma_start3A_508] : memref<64x32xf32, #tpu.memory_space<vmem>> -> memref<1x32xf32, #tpu.memory_space<vmem>>
      %dma_start3A_510 = arith.constant 0 : i32
      %dma_start3A_511 = tpu.memref_slice %arg4[%squeeze3A_501, %dma_start3A_510] : memref<1000x32xf32, #tpu.memory_space<hbm>> -> memref<1x32xf32, #tpu.memory_space<hbm>>
      tpu.enqueue_dma source(%dma_start3A_511 : memref<1x32xf32, #tpu.memory_space<hbm>>) target(%dma_start3A_509 : memref<1x32xf32, #tpu.memory_space<vmem>>) target_semaphore(%arg12 : memref<!tpu.dma_semaphore, #tpu.memory_space<semaphore_mem>>)
      %slice3A_512 = vector.extract_strided_slice %get3A_415 {offsets = [8], sizes = [1], strides = [1]} : vector<16xi32> to vector<1xi32>
      %squeeze3A_513 = vector.extract %slice3A_512[0] : i32 from vector<1xi32>
      %dma_start3A_514 = arith.constant 40 : i32
      %dma_start3A_515 = arith.constant 0 : i32
      %dma_start3A_516 = tpu.memref_slice %arg10[%dma_start3A_514, %dma_start3A_515] : memref<64x32xf32, #tpu.memory_space<vmem>> -> memref<1x32xf32, #tpu.memory_space<vmem>>
      %dma_start3A_517 = arith.constant 0 : i32
      %dma_start3A_518 = tpu.memref_slice %arg4[%squeeze3A_513, %dma_start3A_517] : memref<1000x32xf32, #tpu.memory_space<hbm>> -> memref<1x32xf32, #tpu.memory_space<hbm>>
      %dma_start3A_519 = arith.constant 40 : i32
      %dma_start3A_520 = arith.constant 0 : i32
      %dma_start3A_521 = tpu.memref_slice %arg10[%dma_start3A_519, %dma_start3A_520] : memref<64x32xf32, #tpu.memory_space<vmem>> -> memref<1x32xf32, #tpu.memory_space<vmem>>
      %dma_start3A_522 = arith.constant 0 : i32
      %dma_start3A_523 = tpu.memref_slice %arg4[%squeeze3A_513, %dma_start3A_522] : memref<1000x32xf32, #tpu.memory_space<hbm>> -> memref<1x32xf32, #tpu.memory_space<hbm>>
      tpu.enqueue_dma source(%dma_start3A_523 : memref<1x32xf32, #tpu.memory_space<hbm>>) target(%dma_start3A_521 : memref<1x32xf32, #tpu.memory_space<vmem>>) target_semaphore(%arg12 : memref<!tpu.dma_semaphore, #tpu.memory_space<semaphore_mem>>)
      %slice3A_524 = vector.extract_strided_slice %get3A_415 {offsets = [9], sizes = [1], strides = [1]} : vector<16xi32> to vector<1xi32>
      %squeeze3A_525 = vector.extract %slice3A_524[0] : i32 from vector<1xi32>
      %dma_start3A_526 = arith.constant 41 : i32
      %dma_start3A_527 = arith.constant 0 : i32
      %dma_start3A_528 = tpu.memref_slice %arg10[%dma_start3A_526, %dma_start3A_527] : memref<64x32xf32, #tpu.memory_space<vmem>> -> memref<1x32xf32, #tpu.memory_space<vmem>>
      %dma_start3A_529 = arith.constant 0 : i32
      %dma_start3A_530 = tpu.memref_slice %arg4[%squeeze3A_525, %dma_start3A_529] : memref<1000x32xf32, #tpu.memory_space<hbm>> -> memref<1x32xf32, #tpu.memory_space<hbm>>
      %dma_start3A_531 = arith.constant 41 : i32
      %dma_start3A_532 = arith.constant 0 : i32
      %dma_start3A_533 = tpu.memref_slice %arg10[%dma_start3A_531, %dma_start3A_532] : memref<64x32xf32, #tpu.memory_space<vmem>> -> memref<1x32xf32, #tpu.memory_space<vmem>>
      %dma_start3A_534 = arith.constant 0 : i32
      %dma_start3A_535 = tpu.memref_slice %arg4[%squeeze3A_525, %dma_start3A_534] : memref<1000x32xf32, #tpu.memory_space<hbm>> -> memref<1x32xf32, #tpu.memory_space<hbm>>
      tpu.enqueue_dma source(%dma_start3A_535 : memref<1x32xf32, #tpu.memory_space<hbm>>) target(%dma_start3A_533 : memref<1x32xf32, #tpu.memory_space<vmem>>) target_semaphore(%arg12 : memref<!tpu.dma_semaphore, #tpu.memory_space<semaphore_mem>>)
      %slice3A_536 = vector.extract_strided_slice %get3A_415 {offsets = [10], sizes = [1], strides = [1]} : vector<16xi32> to vector<1xi32>
      %squeeze3A_537 = vector.extract %slice3A_536[0] : i32 from vector<1xi32>
      %dma_start3A_538 = arith.constant 42 : i32
      %dma_start3A_539 = arith.constant 0 : i32
      %dma_start3A_540 = tpu.memref_slice %arg10[%dma_start3A_538, %dma_start3A_539] : memref<64x32xf32, #tpu.memory_space<vmem>> -> memref<1x32xf32, #tpu.memory_space<vmem>>
      %dma_start3A_541 = arith.constant 0 : i32
      %dma_start3A_542 = tpu.memref_slice %arg4[%squeeze3A_537, %dma_start3A_541] : memref<1000x32xf32, #tpu.memory_space<hbm>> -> memref<1x32xf32, #tpu.memory_space<hbm>>
      %dma_start3A_543 = arith.constant 42 : i32
      %dma_start3A_544 = arith.constant 0 : i32
      %dma_start3A_545 = tpu.memref_slice %arg10[%dma_start3A_543, %dma_start3A_544] : memref<64x32xf32, #tpu.memory_space<vmem>> -> memref<1x32xf32, #tpu.memory_space<vmem>>
      %dma_start3A_546 = arith.constant 0 : i32
      %dma_start3A_547 = tpu.memref_slice %arg4[%squeeze3A_537, %dma_start3A_546] : memref<1000x32xf32, #tpu.memory_space<hbm>> -> memref<1x32xf32, #tpu.memory_space<hbm>>
      tpu.enqueue_dma source(%dma_start3A_547 : memref<1x32xf32, #tpu.memory_space<hbm>>) target(%dma_start3A_545 : memref<1x32xf32, #tpu.memory_space<vmem>>) target_semaphore(%arg12 : memref<!tpu.dma_semaphore, #tpu.memory_space<semaphore_mem>>)
      %slice3A_548 = vector.extract_strided_slice %get3A_415 {offsets = [11], sizes = [1], strides = [1]} : vector<16xi32> to vector<1xi32>
      %squeeze3A_549 = vector.extract %slice3A_548[0] : i32 from vector<1xi32>
      %dma_start3A_550 = arith.constant 43 : i32
      %dma_start3A_551 = arith.constant 0 : i32
      %dma_start3A_552 = tpu.memref_slice %arg10[%dma_start3A_550, %dma_start3A_551] : memref<64x32xf32, #tpu.memory_space<vmem>> -> memref<1x32xf32, #tpu.memory_space<vmem>>
      %dma_start3A_553 = arith.constant 0 : i32
      %dma_start3A_554 = tpu.memref_slice %arg4[%squeeze3A_549, %dma_start3A_553] : memref<1000x32xf32, #tpu.memory_space<hbm>> -> memref<1x32xf32, #tpu.memory_space<hbm>>
      %dma_start3A_555 = arith.constant 43 : i32
      %dma_start3A_556 = arith.constant 0 : i32
      %dma_start3A_557 = tpu.memref_slice %arg10[%dma_start3A_555, %dma_start3A_556] : memref<64x32xf32, #tpu.memory_space<vmem>> -> memref<1x32xf32, #tpu.memory_space<vmem>>
      %dma_start3A_558 = arith.constant 0 : i32
      %dma_start3A_559 = tpu.memref_slice %arg4[%squeeze3A_549, %dma_start3A_558] : memref<1000x32xf32, #tpu.memory_space<hbm>> -> memref<1x32xf32, #tpu.memory_space<hbm>>
      tpu.enqueue_dma source(%dma_start3A_559 : memref<1x32xf32, #tpu.memory_space<hbm>>) target(%dma_start3A_557 : memref<1x32xf32, #tpu.memory_space<vmem>>) target_semaphore(%arg12 : memref<!tpu.dma_semaphore, #tpu.memory_space<semaphore_mem>>)
      %slice3A_560 = vector.extract_strided_slice %get3A_415 {offsets = [12], sizes = [1], strides = [1]} : vector<16xi32> to vector<1xi32>
      %squeeze3A_561 = vector.extract %slice3A_560[0] : i32 from vector<1xi32>
      %dma_start3A_562 = arith.constant 44 : i32
      %dma_start3A_563 = arith.constant 0 : i32
      %dma_start3A_564 = tpu.memref_slice %arg10[%dma_start3A_562, %dma_start3A_563] : memref<64x32xf32, #tpu.memory_space<vmem>> -> memref<1x32xf32, #tpu.memory_space<vmem>>
      %dma_start3A_565 = arith.constant 0 : i32
      %dma_start3A_566 = tpu.memref_slice %arg4[%squeeze3A_561, %dma_start3A_565] : memref<1000x32xf32, #tpu.memory_space<hbm>> -> memref<1x32xf32, #tpu.memory_space<hbm>>
      %dma_start3A_567 = arith.constant 44 : i32
      %dma_start3A_568 = arith.constant 0 : i32
      %dma_start3A_569 = tpu.memref_slice %arg10[%dma_start3A_567, %dma_start3A_568] : memref<64x32xf32, #tpu.memory_space<vmem>> -> memref<1x32xf32, #tpu.memory_space<vmem>>
      %dma_start3A_570 = arith.constant 0 : i32
      %dma_start3A_571 = tpu.memref_slice %arg4[%squeeze3A_561, %dma_start3A_570] : memref<1000x32xf32, #tpu.memory_space<hbm>> -> memref<1x32xf32, #tpu.memory_space<hbm>>
      tpu.enqueue_dma source(%dma_start3A_571 : memref<1x32xf32, #tpu.memory_space<hbm>>) target(%dma_start3A_569 : memref<1x32xf32, #tpu.memory_space<vmem>>) target_semaphore(%arg12 : memref<!tpu.dma_semaphore, #tpu.memory_space<semaphore_mem>>)
      %slice3A_572 = vector.extract_strided_slice %get3A_415 {offsets = [13], sizes = [1], strides = [1]} : vector<16xi32> to vector<1xi32>
      %squeeze3A_573 = vector.extract %slice3A_572[0] : i32 from vector<1xi32>
      %dma_start3A_574 = arith.constant 45 : i32
      %dma_start3A_575 = arith.constant 0 : i32
      %dma_start3A_576 = tpu.memref_slice %arg10[%dma_start3A_574, %dma_start3A_575] : memref<64x32xf32, #tpu.memory_space<vmem>> -> memref<1x32xf32, #tpu.memory_space<vmem>>
      %dma_start3A_577 = arith.constant 0 : i32
      %dma_start3A_578 = tpu.memref_slice %arg4[%squeeze3A_573, %dma_start3A_577] : memref<1000x32xf32, #tpu.memory_space<hbm>> -> memref<1x32xf32, #tpu.memory_space<hbm>>
      %dma_start3A_579 = arith.constant 45 : i32
      %dma_start3A_580 = arith.constant 0 : i32
      %dma_start3A_581 = tpu.memref_slice %arg10[%dma_start3A_579, %dma_start3A_580] : memref<64x32xf32, #tpu.memory_space<vmem>> -> memref<1x32xf32, #tpu.memory_space<vmem>>
      %dma_start3A_582 = arith.constant 0 : i32
      %dma_start3A_583 = tpu.memref_slice %arg4[%squeeze3A_573, %dma_start3A_582] : memref<1000x32xf32, #tpu.memory_space<hbm>> -> memref<1x32xf32, #tpu.memory_space<hbm>>
      tpu.enqueue_dma source(%dma_start3A_583 : memref<1x32xf32, #tpu.memory_space<hbm>>) target(%dma_start3A_581 : memref<1x32xf32, #tpu.memory_space<vmem>>) target_semaphore(%arg12 : memref<!tpu.dma_semaphore, #tpu.memory_space<semaphore_mem>>)
      %slice3A_584 = vector.extract_strided_slice %get3A_415 {offsets = [14], sizes = [1], strides = [1]} : vector<16xi32> to vector<1xi32>
      %squeeze3A_585 = vector.extract %slice3A_584[0] : i32 from vector<1xi32>
      %dma_start3A_586 = arith.constant 46 : i32
      %dma_start3A_587 = arith.constant 0 : i32
      %dma_start3A_588 = tpu.memref_slice %arg10[%dma_start3A_586, %dma_start3A_587] : memref<64x32xf32, #tpu.memory_space<vmem>> -> memref<1x32xf32, #tpu.memory_space<vmem>>
      %dma_start3A_589 = arith.constant 0 : i32
      %dma_start3A_590 = tpu.memref_slice %arg4[%squeeze3A_585, %dma_start3A_589] : memref<1000x32xf32, #tpu.memory_space<hbm>> -> memref<1x32xf32, #tpu.memory_space<hbm>>
      %dma_start3A_591 = arith.constant 46 : i32
      %dma_start3A_592 = arith.constant 0 : i32
      %dma_start3A_593 = tpu.memref_slice %arg10[%dma_start3A_591, %dma_start3A_592] : memref<64x32xf32, #tpu.memory_space<vmem>> -> memref<1x32xf32, #tpu.memory_space<vmem>>
      %dma_start3A_594 = arith.constant 0 : i32
      %dma_start3A_595 = tpu.memref_slice %arg4[%squeeze3A_585, %dma_start3A_594] : memref<1000x32xf32, #tpu.memory_space<hbm>> -> memref<1x32xf32, #tpu.memory_space<hbm>>
      tpu.enqueue_dma source(%dma_start3A_595 : memref<1x32xf32, #tpu.memory_space<hbm>>) target(%dma_start3A_593 : memref<1x32xf32, #tpu.memory_space<vmem>>) target_semaphore(%arg12 : memref<!tpu.dma_semaphore, #tpu.memory_space<semaphore_mem>>)
      %slice3A_596 = vector.extract_strided_slice %get3A_415 {offsets = [15], sizes = [1], strides = [1]} : vector<16xi32> to vector<1xi32>
      %squeeze3A_597 = vector.extract %slice3A_596[0] : i32 from vector<1xi32>
      %dma_start3A_598 = arith.constant 47 : i32
      %dma_start3A_599 = arith.constant 0 : i32
      %dma_start3A_600 = tpu.memref_slice %arg10[%dma_start3A_598, %dma_start3A_599] : memref<64x32xf32, #tpu.memory_space<vmem>> -> memref<1x32xf32, #tpu.memory_space<vmem>>
      %dma_start3A_601 = arith.constant 0 : i32
      %dma_start3A_602 = tpu.memref_slice %arg4[%squeeze3A_597, %dma_start3A_601] : memref<1000x32xf32, #tpu.memory_space<hbm>> -> memref<1x32xf32, #tpu.memory_space<hbm>>
      %dma_start3A_603 = arith.constant 47 : i32
      %dma_start3A_604 = arith.constant 0 : i32
      %dma_start3A_605 = tpu.memref_slice %arg10[%dma_start3A_603, %dma_start3A_604] : memref<64x32xf32, #tpu.memory_space<vmem>> -> memref<1x32xf32, #tpu.memory_space<vmem>>
      %dma_start3A_606 = arith.constant 0 : i32
      %dma_start3A_607 = tpu.memref_slice %arg4[%squeeze3A_597, %dma_start3A_606] : memref<1000x32xf32, #tpu.memory_space<hbm>> -> memref<1x32xf32, #tpu.memory_space<hbm>>
      tpu.enqueue_dma source(%dma_start3A_607 : memref<1x32xf32, #tpu.memory_space<hbm>>) target(%dma_start3A_605 : memref<1x32xf32, #tpu.memory_space<vmem>>) target_semaphore(%arg12 : memref<!tpu.dma_semaphore, #tpu.memory_space<semaphore_mem>>)
      %mul3A_608 = arith.constant 64 : i32
      %mul3A_609 = arith.muli %scan3A_14, %mul3A_608 : i32
      %add3A_610 = arith.constant 48 : i32
      %add3A_611 = arith.addi %mul3A_609, %add3A_610 : i32
      %get3A_612 = arith.index_cast %add3A_611 : i32 to index
      %get3A_613 = tpu.vector_load %arg8[%get3A_612] {strides = array<i32>} : memref<512xi32, #tpu.memory_space<vmem>>, vector<16xi32>,
      %get3A_614 = vector.shape_cast %get3A_613 : vector<16xi32> to vector<16xi32>
      %slice3A_615 = vector.extract_strided_slice %get3A_614 {offsets = [0], sizes = [1], strides = [1]} : vector<16xi32> to vector<1xi32>
      %squeeze3A_616 = vector.extract %slice3A_615[0] : i32 from vector<1xi32>
      %dma_start3A_617 = arith.constant 48 : i32
      %dma_start3A_618 = arith.constant 0 : i32
      %dma_start3A_619 = tpu.memref_slice %arg10[%dma_start3A_617, %dma_start3A_618] : memref<64x32xf32, #tpu.memory_space<vmem>> -> memref<1x32xf32, #tpu.memory_space<vmem>>
      %dma_start3A_620 = arith.constant 0 : i32
      %dma_start3A_621 = tpu.memref_slice %arg4[%squeeze3A_616, %dma_start3A_620] : memref<1000x32xf32, #tpu.memory_space<hbm>> -> memref<1x32xf32, #tpu.memory_space<hbm>>
      %dma_start3A_622 = arith.constant 48 : i32
      %dma_start3A_623 = arith.constant 0 : i32
      %dma_start3A_624 = tpu.memref_slice %arg10[%dma_start3A_622, %dma_start3A_623] : memref<64x32xf32, #tpu.memory_space<vmem>> -> memref<1x32xf32, #tpu.memory_space<vmem>>
      %dma_start3A_625 = arith.constant 0 : i32
      %dma_start3A_626 = tpu.memref_slice %arg4[%squeeze3A_616, %dma_start3A_625] : memref<1000x32xf32, #tpu.memory_space<hbm>> -> memref<1x32xf32, #tpu.memory_space<hbm>>
      tpu.enqueue_dma source(%dma_start3A_626 : memref<1x32xf32, #tpu.memory_space<hbm>>) target(%dma_start3A_624 : memref<1x32xf32, #tpu.memory_space<vmem>>) target_semaphore(%arg12 : memref<!tpu.dma_semaphore, #tpu.memory_space<semaphore_mem>>)
      %slice3A_627 = vector.extract_strided_slice %get3A_614 {offsets = [1], sizes = [1], strides = [1]} : vector<16xi32> to vector<1xi32>
      %squeeze3A_628 = vector.extract %slice3A_627[0] : i32 from vector<1xi32>
      %dma_start3A_629 = arith.constant 49 : i32
      %dma_start3A_630 = arith.constant 0 : i32
      %dma_start3A_631 = tpu.memref_slice %arg10[%dma_start3A_629, %dma_start3A_630] : memref<64x32xf32, #tpu.memory_space<vmem>> -> memref<1x32xf32, #tpu.memory_space<vmem>>
      %dma_start3A_632 = arith.constant 0 : i32
      %dma_start3A_633 = tpu.memref_slice %arg4[%squeeze3A_628, %dma_start3A_632] : memref<1000x32xf32, #tpu.memory_space<hbm>> -> memref<1x32xf32, #tpu.memory_space<hbm>>
      %dma_start3A_634 = arith.constant 49 : i32
      %dma_start3A_635 = arith.constant 0 : i32
      %dma_start3A_636 = tpu.memref_slice %arg10[%dma_start3A_634, %dma_start3A_635] : memref<64x32xf32, #tpu.memory_space<vmem>> -> memref<1x32xf32, #tpu.memory_space<vmem>>
      %dma_start3A_637 = arith.constant 0 : i32
      %dma_start3A_638 = tpu.memref_slice %arg4[%squeeze3A_628, %dma_start3A_637] : memref<1000x32xf32, #tpu.memory_space<hbm>> -> memref<1x32xf32, #tpu.memory_space<hbm>>
      tpu.enqueue_dma source(%dma_start3A_638 : memref<1x32xf32, #tpu.memory_space<hbm>>) target(%dma_start3A_636 : memref<1x32xf32, #tpu.memory_space<vmem>>) target_semaphore(%arg12 : memref<!tpu.dma_semaphore, #tpu.memory_space<semaphore_mem>>)
      %slice3A_639 = vector.extract_strided_slice %get3A_614 {offsets = [2], sizes = [1], strides = [1]} : vector<16xi32> to vector<1xi32>
      %squeeze3A_640 = vector.extract %slice3A_639[0] : i32 from vector<1xi32>
      %dma_start3A_641 = arith.constant 50 : i32
      %dma_start3A_642 = arith.constant 0 : i32
      %dma_start3A_643 = tpu.memref_slice %arg10[%dma_start3A_641, %dma_start3A_642] : memref<64x32xf32, #tpu.memory_space<vmem>> -> memref<1x32xf32, #tpu.memory_space<vmem>>
      %dma_start3A_644 = arith.constant 0 : i32
      %dma_start3A_645 = tpu.memref_slice %arg4[%squeeze3A_640, %dma_start3A_644] : memref<1000x32xf32, #tpu.memory_space<hbm>> -> memref<1x32xf32, #tpu.memory_space<hbm>>
      %dma_start3A_646 = arith.constant 50 : i32
      %dma_start3A_647 = arith.constant 0 : i32
      %dma_start3A_648 = tpu.memref_slice %arg10[%dma_start3A_646, %dma_start3A_647] : memref<64x32xf32, #tpu.memory_space<vmem>> -> memref<1x32xf32, #tpu.memory_space<vmem>>
      %dma_start3A_649 = arith.constant 0 : i32
      %dma_start3A_650 = tpu.memref_slice %arg4[%squeeze3A_640, %dma_start3A_649] : memref<1000x32xf32, #tpu.memory_space<hbm>> -> memref<1x32xf32, #tpu.memory_space<hbm>>
      tpu.enqueue_dma source(%dma_start3A_650 : memref<1x32xf32, #tpu.memory_space<hbm>>) target(%dma_start3A_648 : memref<1x32xf32, #tpu.memory_space<vmem>>) target_semaphore(%arg12 : memref<!tpu.dma_semaphore, #tpu.memory_space<semaphore_mem>>)
      %slice3A_651 = vector.extract_strided_slice %get3A_614 {offsets = [3], sizes = [1], strides = [1]} : vector<16xi32> to vector<1xi32>
      %squeeze3A_652 = vector.extract %slice3A_651[0] : i32 from vector<1xi32>
      %dma_start3A_653 = arith.constant 51 : i32
      %dma_start3A_654 = arith.constant 0 : i32
      %dma_start3A_655 = tpu.memref_slice %arg10[%dma_start3A_653, %dma_start3A_654] : memref<64x32xf32, #tpu.memory_space<vmem>> -> memref<1x32xf32, #tpu.memory_space<vmem>>
      %dma_start3A_656 = arith.constant 0 : i32
      %dma_start3A_657 = tpu.memref_slice %arg4[%squeeze3A_652, %dma_start3A_656] : memref<1000x32xf32, #tpu.memory_space<hbm>> -> memref<1x32xf32, #tpu.memory_space<hbm>>
      %dma_start3A_658 = arith.constant 51 : i32
      %dma_start3A_659 = arith.constant 0 : i32
      %dma_start3A_660 = tpu.memref_slice %arg10[%dma_start3A_658, %dma_start3A_659] : memref<64x32xf32, #tpu.memory_space<vmem>> -> memref<1x32xf32, #tpu.memory_space<vmem>>
      %dma_start3A_661 = arith.constant 0 : i32
      %dma_start3A_662 = tpu.memref_slice %arg4[%squeeze3A_652, %dma_start3A_661] : memref<1000x32xf32, #tpu.memory_space<hbm>> -> memref<1x32xf32, #tpu.memory_space<hbm>>
      tpu.enqueue_dma source(%dma_start3A_662 : memref<1x32xf32, #tpu.memory_space<hbm>>) target(%dma_start3A_660 : memref<1x32xf32, #tpu.memory_space<vmem>>) target_semaphore(%arg12 : memref<!tpu.dma_semaphore, #tpu.memory_space<semaphore_mem>>)
      %slice3A_663 = vector.extract_strided_slice %get3A_614 {offsets = [4], sizes = [1], strides = [1]} : vector<16xi32> to vector<1xi32>
      %squeeze3A_664 = vector.extract %slice3A_663[0] : i32 from vector<1xi32>
      %dma_start3A_665 = arith.constant 52 : i32
      %dma_start3A_666 = arith.constant 0 : i32
      %dma_start3A_667 = tpu.memref_slice %arg10[%dma_start3A_665, %dma_start3A_666] : memref<64x32xf32, #tpu.memory_space<vmem>> -> memref<1x32xf32, #tpu.memory_space<vmem>>
      %dma_start3A_668 = arith.constant 0 : i32
      %dma_start3A_669 = tpu.memref_slice %arg4[%squeeze3A_664, %dma_start3A_668] : memref<1000x32xf32, #tpu.memory_space<hbm>> -> memref<1x32xf32, #tpu.memory_space<hbm>>
      %dma_start3A_670 = arith.constant 52 : i32
      %dma_start3A_671 = arith.constant 0 : i32
      %dma_start3A_672 = tpu.memref_slice %arg10[%dma_start3A_670, %dma_start3A_671] : memref<64x32xf32, #tpu.memory_space<vmem>> -> memref<1x32xf32, #tpu.memory_space<vmem>>
      %dma_start3A_673 = arith.constant 0 : i32
      %dma_start3A_674 = tpu.memref_slice %arg4[%squeeze3A_664, %dma_start3A_673] : memref<1000x32xf32, #tpu.memory_space<hbm>> -> memref<1x32xf32, #tpu.memory_space<hbm>>
      tpu.enqueue_dma source(%dma_start3A_674 : memref<1x32xf32, #tpu.memory_space<hbm>>) target(%dma_start3A_672 : memref<1x32xf32, #tpu.memory_space<vmem>>) target_semaphore(%arg12 : memref<!tpu.dma_semaphore, #tpu.memory_space<semaphore_mem>>)
      %slice3A_675 = vector.extract_strided_slice %get3A_614 {offsets = [5], sizes = [1], strides = [1]} : vector<16xi32> to vector<1xi32>
      %squeeze3A_676 = vector.extract %slice3A_675[0] : i32 from vector<1xi32>
      %dma_start3A_677 = arith.constant 53 : i32
      %dma_start3A_678 = arith.constant 0 : i32
      %dma_start3A_679 = tpu.memref_slice %arg10[%dma_start3A_677, %dma_start3A_678] : memref<64x32xf32, #tpu.memory_space<vmem>> -> memref<1x32xf32, #tpu.memory_space<vmem>>
      %dma_start3A_680 = arith.constant 0 : i32
      %dma_start3A_681 = tpu.memref_slice %arg4[%squeeze3A_676, %dma_start3A_680] : memref<1000x32xf32, #tpu.memory_space<hbm>> -> memref<1x32xf32, #tpu.memory_space<hbm>>
      %dma_start3A_682 = arith.constant 53 : i32
      %dma_start3A_683 = arith.constant 0 : i32
      %dma_start3A_684 = tpu.memref_slice %arg10[%dma_start3A_682, %dma_start3A_683] : memref<64x32xf32, #tpu.memory_space<vmem>> -> memref<1x32xf32, #tpu.memory_space<vmem>>
      %dma_start3A_685 = arith.constant 0 : i32
      %dma_start3A_686 = tpu.memref_slice %arg4[%squeeze3A_676, %dma_start3A_685] : memref<1000x32xf32, #tpu.memory_space<hbm>> -> memref<1x32xf32, #tpu.memory_space<hbm>>
      tpu.enqueue_dma source(%dma_start3A_686 : memref<1x32xf32, #tpu.memory_space<hbm>>) target(%dma_start3A_684 : memref<1x32xf32, #tpu.memory_space<vmem>>) target_semaphore(%arg12 : memref<!tpu.dma_semaphore, #tpu.memory_space<semaphore_mem>>)
      %slice3A_687 = vector.extract_strided_slice %get3A_614 {offsets = [6], sizes = [1], strides = [1]} : vector<16xi32> to vector<1xi32>
      %squeeze3A_688 = vector.extract %slice3A_687[0] : i32 from vector<1xi32>
      %dma_start3A_689 = arith.constant 54 : i32
      %dma_start3A_690 = arith.constant 0 : i32
      %dma_start3A_691 = tpu.memref_slice %arg10[%dma_start3A_689, %dma_start3A_690] : memref<64x32xf32, #tpu.memory_space<vmem>> -> memref<1x32xf32, #tpu.memory_space<vmem>>
      %dma_start3A_692 = arith.constant 0 : i32
      %dma_start3A_693 = tpu.memref_slice %arg4[%squeeze3A_688, %dma_start3A_692] : memref<1000x32xf32, #tpu.memory_space<hbm>> -> memref<1x32xf32, #tpu.memory_space<hbm>>
      %dma_start3A_694 = arith.constant 54 : i32
      %dma_start3A_695 = arith.constant 0 : i32
      %dma_start3A_696 = tpu.memref_slice %arg10[%dma_start3A_694, %dma_start3A_695] : memref<64x32xf32, #tpu.memory_space<vmem>> -> memref<1x32xf32, #tpu.memory_space<vmem>>
      %dma_start3A_697 = arith.constant 0 : i32
      %dma_start3A_698 = tpu.memref_slice %arg4[%squeeze3A_688, %dma_start3A_697] : memref<1000x32xf32, #tpu.memory_space<hbm>> -> memref<1x32xf32, #tpu.memory_space<hbm>>
      tpu.enqueue_dma source(%dma_start3A_698 : memref<1x32xf32, #tpu.memory_space<hbm>>) target(%dma_start3A_696 : memref<1x32xf32, #tpu.memory_space<vmem>>) target_semaphore(%arg12 : memref<!tpu.dma_semaphore, #tpu.memory_space<semaphore_mem>>)
      %slice3A_699 = vector.extract_strided_slice %get3A_614 {offsets = [7], sizes = [1], strides = [1]} : vector<16xi32> to vector<1xi32>
      %squeeze3A_700 = vector.extract %slice3A_699[0] : i32 from vector<1xi32>
      %dma_start3A_701 = arith.constant 55 : i32
      %dma_start3A_702 = arith.constant 0 : i32
      %dma_start3A_703 = tpu.memref_slice %arg10[%dma_start3A_701, %dma_start3A_702] : memref<64x32xf32, #tpu.memory_space<vmem>> -> memref<1x32xf32, #tpu.memory_space<vmem>>
      %dma_start3A_704 = arith.constant 0 : i32
      %dma_start3A_705 = tpu.memref_slice %arg4[%squeeze3A_700, %dma_start3A_704] : memref<1000x32xf32, #tpu.memory_space<hbm>> -> memref<1x32xf32, #tpu.memory_space<hbm>>
      %dma_start3A_706 = arith.constant 55 : i32
      %dma_start3A_707 = arith.constant 0 : i32
      %dma_start3A_708 = tpu.memref_slice %arg10[%dma_start3A_706, %dma_start3A_707] : memref<64x32xf32, #tpu.memory_space<vmem>> -> memref<1x32xf32, #tpu.memory_space<vmem>>
      %dma_start3A_709 = arith.constant 0 : i32
      %dma_start3A_710 = tpu.memref_slice %arg4[%squeeze3A_700, %dma_start3A_709] : memref<1000x32xf32, #tpu.memory_space<hbm>> -> memref<1x32xf32, #tpu.memory_space<hbm>>
      tpu.enqueue_dma source(%dma_start3A_710 : memref<1x32xf32, #tpu.memory_space<hbm>>) target(%dma_start3A_708 : memref<1x32xf32, #tpu.memory_space<vmem>>) target_semaphore(%arg12 : memref<!tpu.dma_semaphore, #tpu.memory_space<semaphore_mem>>)
      %slice3A_711 = vector.extract_strided_slice %get3A_614 {offsets = [8], sizes = [1], strides = [1]} : vector<16xi32> to vector<1xi32>
      %squeeze3A_712 = vector.extract %slice3A_711[0] : i32 from vector<1xi32>
      %dma_start3A_713 = arith.constant 56 : i32
      %dma_start3A_714 = arith.constant 0 : i32
      %dma_start3A_715 = tpu.memref_slice %arg10[%dma_start3A_713, %dma_start3A_714] : memref<64x32xf32, #tpu.memory_space<vmem>> -> memref<1x32xf32, #tpu.memory_space<vmem>>
      %dma_start3A_716 = arith.constant 0 : i32
      %dma_start3A_717 = tpu.memref_slice %arg4[%squeeze3A_712, %dma_start3A_716] : memref<1000x32xf32, #tpu.memory_space<hbm>> -> memref<1x32xf32, #tpu.memory_space<hbm>>
      %dma_start3A_718 = arith.constant 56 : i32
      %dma_start3A_719 = arith.constant 0 : i32
      %dma_start3A_720 = tpu.memref_slice %arg10[%dma_start3A_718, %dma_start3A_719] : memref<64x32xf32, #tpu.memory_space<vmem>> -> memref<1x32xf32, #tpu.memory_space<vmem>>
      %dma_start3A_721 = arith.constant 0 : i32
      %dma_start3A_722 = tpu.memref_slice %arg4[%squeeze3A_712, %dma_start3A_721] : memref<1000x32xf32, #tpu.memory_space<hbm>> -> memref<1x32xf32, #tpu.memory_space<hbm>>
      tpu.enqueue_dma source(%dma_start3A_722 : memref<1x32xf32, #tpu.memory_space<hbm>>) target(%dma_start3A_720 : memref<1x32xf32, #tpu.memory_space<vmem>>) target_semaphore(%arg12 : memref<!tpu.dma_semaphore, #tpu.memory_space<semaphore_mem>>)
      %slice3A_723 = vector.extract_strided_slice %get3A_614 {offsets = [9], sizes = [1], strides = [1]} : vector<16xi32> to vector<1xi32>
      %squeeze3A_724 = vector.extract %slice3A_723[0] : i32 from vector<1xi32>
      %dma_start3A_725 = arith.constant 57 : i32
      %dma_start3A_726 = arith.constant 0 : i32
      %dma_start3A_727 = tpu.memref_slice %arg10[%dma_start3A_725, %dma_start3A_726] : memref<64x32xf32, #tpu.memory_space<vmem>> -> memref<1x32xf32, #tpu.memory_space<vmem>>
      %dma_start3A_728 = arith.constant 0 : i32
      %dma_start3A_729 = tpu.memref_slice %arg4[%squeeze3A_724, %dma_start3A_728] : memref<1000x32xf32, #tpu.memory_space<hbm>> -> memref<1x32xf32, #tpu.memory_space<hbm>>
      %dma_start3A_730 = arith.constant 57 : i32
      %dma_start3A_731 = arith.constant 0 : i32
      %dma_start3A_732 = tpu.memref_slice %arg10[%dma_start3A_730, %dma_start3A_731] : memref<64x32xf32, #tpu.memory_space<vmem>> -> memref<1x32xf32, #tpu.memory_space<vmem>>
      %dma_start3A_733 = arith.constant 0 : i32
      %dma_start3A_734 = tpu.memref_slice %arg4[%squeeze3A_724, %dma_start3A_733] : memref<1000x32xf32, #tpu.memory_space<hbm>> -> memref<1x32xf32, #tpu.memory_space<hbm>>
      tpu.enqueue_dma source(%dma_start3A_734 : memref<1x32xf32, #tpu.memory_space<hbm>>) target(%dma_start3A_732 : memref<1x32xf32, #tpu.memory_space<vmem>>) target_semaphore(%arg12 : memref<!tpu.dma_semaphore, #tpu.memory_space<semaphore_mem>>)
      %slice3A_735 = vector.extract_strided_slice %get3A_614 {offsets = [10], sizes = [1], strides = [1]} : vector<16xi32> to vector<1xi32>
      %squeeze3A_736 = vector.extract %slice3A_735[0] : i32 from vector<1xi32>
      %dma_start3A_737 = arith.constant 58 : i32
      %dma_start3A_738 = arith.constant 0 : i32
      %dma_start3A_739 = tpu.memref_slice %arg10[%dma_start3A_737, %dma_start3A_738] : memref<64x32xf32, #tpu.memory_space<vmem>> -> memref<1x32xf32, #tpu.memory_space<vmem>>
      %dma_start3A_740 = arith.constant 0 : i32
      %dma_start3A_741 = tpu.memref_slice %arg4[%squeeze3A_736, %dma_start3A_740] : memref<1000x32xf32, #tpu.memory_space<hbm>> -> memref<1x32xf32, #tpu.memory_space<hbm>>
      %dma_start3A_742 = arith.constant 58 : i32
      %dma_start3A_743 = arith.constant 0 : i32
      %dma_start3A_744 = tpu.memref_slice %arg10[%dma_start3A_742, %dma_start3A_743] : memref<64x32xf32, #tpu.memory_space<vmem>> -> memref<1x32xf32, #tpu.memory_space<vmem>>
      %dma_start3A_745 = arith.constant 0 : i32
      %dma_start3A_746 = tpu.memref_slice %arg4[%squeeze3A_736, %dma_start3A_745] : memref<1000x32xf32, #tpu.memory_space<hbm>> -> memref<1x32xf32, #tpu.memory_space<hbm>>
      tpu.enqueue_dma source(%dma_start3A_746 : memref<1x32xf32, #tpu.memory_space<hbm>>) target(%dma_start3A_744 : memref<1x32xf32, #tpu.memory_space<vmem>>) target_semaphore(%arg12 : memref<!tpu.dma_semaphore, #tpu.memory_space<semaphore_mem>>)
      %slice3A_747 = vector.extract_strided_slice %get3A_614 {offsets = [11], sizes = [1], strides = [1]} : vector<16xi32> to vector<1xi32>
      %squeeze3A_748 = vector.extract %slice3A_747[0] : i32 from vector<1xi32>
      %dma_start3A_749 = arith.constant 59 : i32
      %dma_start3A_750 = arith.constant 0 : i32
      %dma_start3A_751 = tpu.memref_slice %arg10[%dma_start3A_749, %dma_start3A_750] : memref<64x32xf32, #tpu.memory_space<vmem>> -> memref<1x32xf32, #tpu.memory_space<vmem>>
      %dma_start3A_752 = arith.constant 0 : i32
      %dma_start3A_753 = tpu.memref_slice %arg4[%squeeze3A_748, %dma_start3A_752] : memref<1000x32xf32, #tpu.memory_space<hbm>> -> memref<1x32xf32, #tpu.memory_space<hbm>>
      %dma_start3A_754 = arith.constant 59 : i32
      %dma_start3A_755 = arith.constant 0 : i32
      %dma_start3A_756 = tpu.memref_slice %arg10[%dma_start3A_754, %dma_start3A_755] : memref<64x32xf32, #tpu.memory_space<vmem>> -> memref<1x32xf32, #tpu.memory_space<vmem>>
      %dma_start3A_757 = arith.constant 0 : i32
      %dma_start3A_758 = tpu.memref_slice %arg4[%squeeze3A_748, %dma_start3A_757] : memref<1000x32xf32, #tpu.memory_space<hbm>> -> memref<1x32xf32, #tpu.memory_space<hbm>>
      tpu.enqueue_dma source(%dma_start3A_758 : memref<1x32xf32, #tpu.memory_space<hbm>>) target(%dma_start3A_756 : memref<1x32xf32, #tpu.memory_space<vmem>>) target_semaphore(%arg12 : memref<!tpu.dma_semaphore, #tpu.memory_space<semaphore_mem>>)
      %slice3A_759 = vector.extract_strided_slice %get3A_614 {offsets = [12], sizes = [1], strides = [1]} : vector<16xi32> to vector<1xi32>
      %squeeze3A_760 = vector.extract %slice3A_759[0] : i32 from vector<1xi32>
      %dma_start3A_761 = arith.constant 60 : i32
      %dma_start3A_762 = arith.constant 0 : i32
      %dma_start3A_763 = tpu.memref_slice %arg10[%dma_start3A_761, %dma_start3A_762] : memref<64x32xf32, #tpu.memory_space<vmem>> -> memref<1x32xf32, #tpu.memory_space<vmem>>
      %dma_start3A_764 = arith.constant 0 : i32
      %dma_start3A_765 = tpu.memref_slice %arg4[%squeeze3A_760, %dma_start3A_764] : memref<1000x32xf32, #tpu.memory_space<hbm>> -> memref<1x32xf32, #tpu.memory_space<hbm>>
      %dma_start3A_766 = arith.constant 60 : i32
      %dma_start3A_767 = arith.constant 0 : i32
      %dma_start3A_768 = tpu.memref_slice %arg10[%dma_start3A_766, %dma_start3A_767] : memref<64x32xf32, #tpu.memory_space<vmem>> -> memref<1x32xf32, #tpu.memory_space<vmem>>
      %dma_start3A_769 = arith.constant 0 : i32
      %dma_start3A_770 = tpu.memref_slice %arg4[%squeeze3A_760, %dma_start3A_769] : memref<1000x32xf32, #tpu.memory_space<hbm>> -> memref<1x32xf32, #tpu.memory_space<hbm>>
      tpu.enqueue_dma source(%dma_start3A_770 : memref<1x32xf32, #tpu.memory_space<hbm>>) target(%dma_start3A_768 : memref<1x32xf32, #tpu.memory_space<vmem>>) target_semaphore(%arg12 : memref<!tpu.dma_semaphore, #tpu.memory_space<semaphore_mem>>)
      %slice3A_771 = vector.extract_strided_slice %get3A_614 {offsets = [13], sizes = [1], strides = [1]} : vector<16xi32> to vector<1xi32>
      %squeeze3A_772 = vector.extract %slice3A_771[0] : i32 from vector<1xi32>
      %dma_start3A_773 = arith.constant 61 : i32
      %dma_start3A_774 = arith.constant 0 : i32
      %dma_start3A_775 = tpu.memref_slice %arg10[%dma_start3A_773, %dma_start3A_774] : memref<64x32xf32, #tpu.memory_space<vmem>> -> memref<1x32xf32, #tpu.memory_space<vmem>>
      %dma_start3A_776 = arith.constant 0 : i32
      %dma_start3A_777 = tpu.memref_slice %arg4[%squeeze3A_772, %dma_start3A_776] : memref<1000x32xf32, #tpu.memory_space<hbm>> -> memref<1x32xf32, #tpu.memory_space<hbm>>
      %dma_start3A_778 = arith.constant 61 : i32
      %dma_start3A_779 = arith.constant 0 : i32
      %dma_start3A_780 = tpu.memref_slice %arg10[%dma_start3A_778, %dma_start3A_779] : memref<64x32xf32, #tpu.memory_space<vmem>> -> memref<1x32xf32, #tpu.memory_space<vmem>>
      %dma_start3A_781 = arith.constant 0 : i32
      %dma_start3A_782 = tpu.memref_slice %arg4[%squeeze3A_772, %dma_start3A_781] : memref<1000x32xf32, #tpu.memory_space<hbm>> -> memref<1x32xf32, #tpu.memory_space<hbm>>
      tpu.enqueue_dma source(%dma_start3A_782 : memref<1x32xf32, #tpu.memory_space<hbm>>) target(%dma_start3A_780 : memref<1x32xf32, #tpu.memory_space<vmem>>) target_semaphore(%arg12 : memref<!tpu.dma_semaphore, #tpu.memory_space<semaphore_mem>>)
      %slice3A_783 = vector.extract_strided_slice %get3A_614 {offsets = [14], sizes = [1], strides = [1]} : vector<16xi32> to vector<1xi32>
      %squeeze3A_784 = vector.extract %slice3A_783[0] : i32 from vector<1xi32>
      %dma_start3A_785 = arith.constant 62 : i32
      %dma_start3A_786 = arith.constant 0 : i32
      %dma_start3A_787 = tpu.memref_slice %arg10[%dma_start3A_785, %dma_start3A_786] : memref<64x32xf32, #tpu.memory_space<vmem>> -> memref<1x32xf32, #tpu.memory_space<vmem>>
      %dma_start3A_788 = arith.constant 0 : i32
      %dma_start3A_789 = tpu.memref_slice %arg4[%squeeze3A_784, %dma_start3A_788] : memref<1000x32xf32, #tpu.memory_space<hbm>> -> memref<1x32xf32, #tpu.memory_space<hbm>>
      %dma_start3A_790 = arith.constant 62 : i32
      %dma_start3A_791 = arith.constant 0 : i32
      %dma_start3A_792 = tpu.memref_slice %arg10[%dma_start3A_790, %dma_start3A_791] : memref<64x32xf32, #tpu.memory_space<vmem>> -> memref<1x32xf32, #tpu.memory_space<vmem>>
      %dma_start3A_793 = arith.constant 0 : i32
      %dma_start3A_794 = tpu.memref_slice %arg4[%squeeze3A_784, %dma_start3A_793] : memref<1000x32xf32, #tpu.memory_space<hbm>> -> memref<1x32xf32, #tpu.memory_space<hbm>>
      tpu.enqueue_dma source(%dma_start3A_794 : memref<1x32xf32, #tpu.memory_space<hbm>>) target(%dma_start3A_792 : memref<1x32xf32, #tpu.memory_space<vmem>>) target_semaphore(%arg12 : memref<!tpu.dma_semaphore, #tpu.memory_space<semaphore_mem>>)
      %slice3A_795 = vector.extract_strided_slice %get3A_614 {offsets = [15], sizes = [1], strides = [1]} : vector<16xi32> to vector<1xi32>
      %squeeze3A_796 = vector.extract %slice3A_795[0] : i32 from vector<1xi32>
      %dma_start3A_797 = arith.constant 63 : i32
      %dma_start3A_798 = arith.constant 0 : i32
      %dma_start3A_799 = tpu.memref_slice %arg10[%dma_start3A_797, %dma_start3A_798] : memref<64x32xf32, #tpu.memory_space<vmem>> -> memref<1x32xf32, #tpu.memory_space<vmem>>
      %dma_start3A_800 = arith.constant 0 : i32
      %dma_start3A_801 = tpu.memref_slice %arg4[%squeeze3A_796, %dma_start3A_800] : memref<1000x32xf32, #tpu.memory_space<hbm>> -> memref<1x32xf32, #tpu.memory_space<hbm>>
      %dma_start3A_802 = arith.constant 63 : i32
      %dma_start3A_803 = arith.constant 0 : i32
      %dma_start3A_804 = tpu.memref_slice %arg10[%dma_start3A_802, %dma_start3A_803] : memref<64x32xf32, #tpu.memory_space<vmem>> -> memref<1x32xf32, #tpu.memory_space<vmem>>
      %dma_start3A_805 = arith.constant 0 : i32
      %dma_start3A_806 = tpu.memref_slice %arg4[%squeeze3A_796, %dma_start3A_805] : memref<1000x32xf32, #tpu.memory_space<hbm>> -> memref<1x32xf32, #tpu.memory_space<hbm>>
      tpu.enqueue_dma source(%dma_start3A_806 : memref<1x32xf32, #tpu.memory_space<hbm>>) target(%dma_start3A_804 : memref<1x32xf32, #tpu.memory_space<vmem>>) target_semaphore(%arg12 : memref<!tpu.dma_semaphore, #tpu.memory_space<semaphore_mem>>)
      %dma_wait3A = arith.constant 0 : i32
      %dma_wait3A_807 = arith.constant 0 : i32
      %dma_wait3A_808 = tpu.memref_slice %arg4[%dma_wait3A, %dma_wait3A_807] : memref<1000x32xf32, #tpu.memory_space<hbm>> -> memref<64x32xf32, #tpu.memory_space<hbm>>
      %dma_wait3A_809 = arith.constant 0 : i32
      %dma_wait3A_810 = arith.constant 0 : i32
      %dma_wait3A_811 = tpu.memref_slice %arg4[%dma_wait3A_809, %dma_wait3A_810] : memref<1000x32xf32, #tpu.memory_space<hbm>> -> memref<64x32xf32, #tpu.memory_space<hbm>>
      tpu.wait_dma2 semaphore(%arg12 : memref<!tpu.dma_semaphore, #tpu.memory_space<semaphore_mem>>) src(%dma_wait3A_811 : memref<64x32xf32, #tpu.memory_space<hbm>>) dst(%arg10 : memref<64x32xf32, #tpu.memory_space<vmem>>)
      %mul3A_812 = arith.constant 64 : i32
      %mul3A_813 = arith.muli %scan3A_14, %mul3A_812 : i32
      %add3A_814 = arith.addi %mul3A_2, %mul3A_813 : i32
      "tpu.region"() ({
        %run_scoped3A = tpu.sem_alloc : memref<!tpu.dma_semaphore, #tpu.memory_space<semaphore_mem>>
        %dma_start3A_815 = arith.constant 0 : i32
        %dma_start3A_816 = tpu.memref_slice %arg6[%add3A_814, %dma_start3A_815] : memref<16384x32xf32, #tpu.memory_space<hbm>> -> memref<64x32xf32, #tpu.memory_space<hbm>>
        %dma_start3A_817 = arith.constant 0 : i32
        %dma_start3A_818 = tpu.memref_slice %arg6[%add3A_814, %dma_start3A_817] : memref<16384x32xf32, #tpu.memory_space<hbm>> -> memref<64x32xf32, #tpu.memory_space<hbm>>
        tpu.enqueue_dma source(%arg10 : memref<64x32xf32, #tpu.memory_space<vmem>>) target(%dma_start3A_818 : memref<64x32xf32, #tpu.memory_space<hbm>>) target_semaphore(%run_scoped3A : memref<!tpu.dma_semaphore, #tpu.memory_space<semaphore_mem>>)
        %dma_wait3A_819 = arith.constant 0 : i32
        %dma_wait3A_820 = tpu.memref_slice %arg6[%add3A_814, %dma_wait3A_819] : memref<16384x32xf32, #tpu.memory_space<hbm>> -> memref<64x32xf32, #tpu.memory_space<hbm>>
        %dma_wait3A_821 = arith.constant 0 : i32
        %dma_wait3A_822 = tpu.memref_slice %arg6[%add3A_814, %dma_wait3A_821] : memref<16384x32xf32, #tpu.memory_space<hbm>> -> memref<64x32xf32, #tpu.memory_space<hbm>>
        tpu.wait_dma2 semaphore(%run_scoped3A : memref<!tpu.dma_semaphore, #tpu.memory_space<semaphore_mem>>) src(%arg10 : memref<64x32xf32, #tpu.memory_space<vmem>>) dst(%dma_wait3A_822 : memref<64x32xf32, #tpu.memory_space<hbm>>)
        tpu.yield
      }) : () -> ()
    }
    %scan3A_7 = arith.constant 8 : i32
    %scan3A_8 = arith.constant 0 : i32
    %scan3A_9 = arith.constant 0 : i32
    %scan3A_10 = arith.constant 8 : i32
    %scan3A_11 = arith.addi %scan3A_9, %scan3A_10 : i32
    %scan3A_12 = arith.constant 1 : i32
    scf.for %scan3A_14 = %scan3A_9 to %scan3A_11 step %scan3A_12  : i32 {
      %mul3A_15 = arith.constant 64 : i32
      %mul3A_16 = arith.muli %scan3A_14, %mul3A_15 : i32
      %add3A_17 = arith.constant 0 : i32
      %add3A_18 = arith.addi %mul3A_16, %add3A_17 : i32
      %get3A = arith.index_cast %add3A_18 : i32 to index
      %get3A_19 = tpu.vector_load %arg9[%get3A] {strides = array<i32>} : memref<512xi32, #tpu.memory_space<vmem>>, vector<16xi32>,
      %get3A_20 = vector.shape_cast %get3A_19 : vector<16xi32> to vector<16xi32>
      %slice3A = vector.extract_strided_slice %get3A_20 {offsets = [0], sizes = [1], strides = [1]} : vector<16xi32> to vector<1xi32>
      %squeeze3A = vector.extract %slice3A[0] : i32 from vector<1xi32>
      %dma_start3A = arith.constant 0 : i32
      %dma_start3A_21 = arith.constant 0 : i32
      %dma_start3A_22 = tpu.memref_slice %arg11[%dma_start3A, %dma_start3A_21] : memref<64x32xf32, #tpu.memory_space<vmem>> -> memref<1x32xf32, #tpu.memory_space<vmem>>
      %dma_start3A_23 = arith.constant 0 : i32
      %dma_start3A_24 = tpu.memref_slice %arg5[%squeeze3A, %dma_start3A_23] : memref<100000x32xf32, #tpu.memory_space<hbm>> -> memref<1x32xf32, #tpu.memory_space<hbm>>
      %dma_start3A_25 = arith.constant 0 : i32
      %dma_start3A_26 = arith.constant 0 : i32
      %dma_start3A_27 = tpu.memref_slice %arg11[%dma_start3A_25, %dma_start3A_26] : memref<64x32xf32, #tpu.memory_space<vmem>> -> memref<1x32xf32, #tpu.memory_space<vmem>>
      %dma_start3A_28 = arith.constant 0 : i32
      %dma_start3A_29 = tpu.memref_slice %arg5[%squeeze3A, %dma_start3A_28] : memref<100000x32xf32, #tpu.memory_space<hbm>> -> memref<1x32xf32, #tpu.memory_space<hbm>>
      tpu.enqueue_dma source(%dma_start3A_29 : memref<1x32xf32, #tpu.memory_space<hbm>>) target(%dma_start3A_27 : memref<1x32xf32, #tpu.memory_space<vmem>>) target_semaphore(%arg12 : memref<!tpu.dma_semaphore, #tpu.memory_space<semaphore_mem>>)
      %slice3A_30 = vector.extract_strided_slice %get3A_20 {offsets = [1], sizes = [1], strides = [1]} : vector<16xi32> to vector<1xi32>
      %squeeze3A_31 = vector.extract %slice3A_30[0] : i32 from vector<1xi32>
      %dma_start3A_32 = arith.constant 1 : i32
      %dma_start3A_33 = arith.constant 0 : i32
      %dma_start3A_34 = tpu.memref_slice %arg11[%dma_start3A_32, %dma_start3A_33] : memref<64x32xf32, #tpu.memory_space<vmem>> -> memref<1x32xf32, #tpu.memory_space<vmem>>
      %dma_start3A_35 = arith.constant 0 : i32
      %dma_start3A_36 = tpu.memref_slice %arg5[%squeeze3A_31, %dma_start3A_35] : memref<100000x32xf32, #tpu.memory_space<hbm>> -> memref<1x32xf32, #tpu.memory_space<hbm>>
      %dma_start3A_37 = arith.constant 1 : i32
      %dma_start3A_38 = arith.constant 0 : i32
      %dma_start3A_39 = tpu.memref_slice %arg11[%dma_start3A_37, %dma_start3A_38] : memref<64x32xf32, #tpu.memory_space<vmem>> -> memref<1x32xf32, #tpu.memory_space<vmem>>
      %dma_start3A_40 = arith.constant 0 : i32
      %dma_start3A_41 = tpu.memref_slice %arg5[%squeeze3A_31, %dma_start3A_40] : memref<100000x32xf32, #tpu.memory_space<hbm>> -> memref<1x32xf32, #tpu.memory_space<hbm>>
      tpu.enqueue_dma source(%dma_start3A_41 : memref<1x32xf32, #tpu.memory_space<hbm>>) target(%dma_start3A_39 : memref<1x32xf32, #tpu.memory_space<vmem>>) target_semaphore(%arg12 : memref<!tpu.dma_semaphore, #tpu.memory_space<semaphore_mem>>)
      %slice3A_42 = vector.extract_strided_slice %get3A_20 {offsets = [2], sizes = [1], strides = [1]} : vector<16xi32> to vector<1xi32>
      %squeeze3A_43 = vector.extract %slice3A_42[0] : i32 from vector<1xi32>
      %dma_start3A_44 = arith.constant 2 : i32
      %dma_start3A_45 = arith.constant 0 : i32
      %dma_start3A_46 = tpu.memref_slice %arg11[%dma_start3A_44, %dma_start3A_45] : memref<64x32xf32, #tpu.memory_space<vmem>> -> memref<1x32xf32, #tpu.memory_space<vmem>>
      %dma_start3A_47 = arith.constant 0 : i32
      %dma_start3A_48 = tpu.memref_slice %arg5[%squeeze3A_43, %dma_start3A_47] : memref<100000x32xf32, #tpu.memory_space<hbm>> -> memref<1x32xf32, #tpu.memory_space<hbm>>
      %dma_start3A_49 = arith.constant 2 : i32
      %dma_start3A_50 = arith.constant 0 : i32
      %dma_start3A_51 = tpu.memref_slice %arg11[%dma_start3A_49, %dma_start3A_50] : memref<64x32xf32, #tpu.memory_space<vmem>> -> memref<1x32xf32, #tpu.memory_space<vmem>>
      %dma_start3A_52 = arith.constant 0 : i32
      %dma_start3A_53 = tpu.memref_slice %arg5[%squeeze3A_43, %dma_start3A_52] : memref<100000x32xf32, #tpu.memory_space<hbm>> -> memref<1x32xf32, #tpu.memory_space<hbm>>
      tpu.enqueue_dma source(%dma_start3A_53 : memref<1x32xf32, #tpu.memory_space<hbm>>) target(%dma_start3A_51 : memref<1x32xf32, #tpu.memory_space<vmem>>) target_semaphore(%arg12 : memref<!tpu.dma_semaphore, #tpu.memory_space<semaphore_mem>>)
      %slice3A_54 = vector.extract_strided_slice %get3A_20 {offsets = [3], sizes = [1], strides = [1]} : vector<16xi32> to vector<1xi32>
      %squeeze3A_55 = vector.extract %slice3A_54[0] : i32 from vector<1xi32>
      %dma_start3A_56 = arith.constant 3 : i32
      %dma_start3A_57 = arith.constant 0 : i32
      %dma_start3A_58 = tpu.memref_slice %arg11[%dma_start3A_56, %dma_start3A_57] : memref<64x32xf32, #tpu.memory_space<vmem>> -> memref<1x32xf32, #tpu.memory_space<vmem>>
      %dma_start3A_59 = arith.constant 0 : i32
      %dma_start3A_60 = tpu.memref_slice %arg5[%squeeze3A_55, %dma_start3A_59] : memref<100000x32xf32, #tpu.memory_space<hbm>> -> memref<1x32xf32, #tpu.memory_space<hbm>>
      %dma_start3A_61 = arith.constant 3 : i32
      %dma_start3A_62 = arith.constant 0 : i32
      %dma_start3A_63 = tpu.memref_slice %arg11[%dma_start3A_61, %dma_start3A_62] : memref<64x32xf32, #tpu.memory_space<vmem>> -> memref<1x32xf32, #tpu.memory_space<vmem>>
      %dma_start3A_64 = arith.constant 0 : i32
      %dma_start3A_65 = tpu.memref_slice %arg5[%squeeze3A_55, %dma_start3A_64] : memref<100000x32xf32, #tpu.memory_space<hbm>> -> memref<1x32xf32, #tpu.memory_space<hbm>>
      tpu.enqueue_dma source(%dma_start3A_65 : memref<1x32xf32, #tpu.memory_space<hbm>>) target(%dma_start3A_63 : memref<1x32xf32, #tpu.memory_space<vmem>>) target_semaphore(%arg12 : memref<!tpu.dma_semaphore, #tpu.memory_space<semaphore_mem>>)
      %slice3A_66 = vector.extract_strided_slice %get3A_20 {offsets = [4], sizes = [1], strides = [1]} : vector<16xi32> to vector<1xi32>
      %squeeze3A_67 = vector.extract %slice3A_66[0] : i32 from vector<1xi32>
      %dma_start3A_68 = arith.constant 4 : i32
      %dma_start3A_69 = arith.constant 0 : i32
      %dma_start3A_70 = tpu.memref_slice %arg11[%dma_start3A_68, %dma_start3A_69] : memref<64x32xf32, #tpu.memory_space<vmem>> -> memref<1x32xf32, #tpu.memory_space<vmem>>
      %dma_start3A_71 = arith.constant 0 : i32
      %dma_start3A_72 = tpu.memref_slice %arg5[%squeeze3A_67, %dma_start3A_71] : memref<100000x32xf32, #tpu.memory_space<hbm>> -> memref<1x32xf32, #tpu.memory_space<hbm>>
      %dma_start3A_73 = arith.constant 4 : i32
      %dma_start3A_74 = arith.constant 0 : i32
      %dma_start3A_75 = tpu.memref_slice %arg11[%dma_start3A_73, %dma_start3A_74] : memref<64x32xf32, #tpu.memory_space<vmem>> -> memref<1x32xf32, #tpu.memory_space<vmem>>
      %dma_start3A_76 = arith.constant 0 : i32
      %dma_start3A_77 = tpu.memref_slice %arg5[%squeeze3A_67, %dma_start3A_76] : memref<100000x32xf32, #tpu.memory_space<hbm>> -> memref<1x32xf32, #tpu.memory_space<hbm>>
      tpu.enqueue_dma source(%dma_start3A_77 : memref<1x32xf32, #tpu.memory_space<hbm>>) target(%dma_start3A_75 : memref<1x32xf32, #tpu.memory_space<vmem>>) target_semaphore(%arg12 : memref<!tpu.dma_semaphore, #tpu.memory_space<semaphore_mem>>)
      %slice3A_78 = vector.extract_strided_slice %get3A_20 {offsets = [5], sizes = [1], strides = [1]} : vector<16xi32> to vector<1xi32>
      %squeeze3A_79 = vector.extract %slice3A_78[0] : i32 from vector<1xi32>
      %dma_start3A_80 = arith.constant 5 : i32
      %dma_start3A_81 = arith.constant 0 : i32
      %dma_start3A_82 = tpu.memref_slice %arg11[%dma_start3A_80, %dma_start3A_81] : memref<64x32xf32, #tpu.memory_space<vmem>> -> memref<1x32xf32, #tpu.memory_space<vmem>>
      %dma_start3A_83 = arith.constant 0 : i32
      %dma_start3A_84 = tpu.memref_slice %arg5[%squeeze3A_79, %dma_start3A_83] : memref<100000x32xf32, #tpu.memory_space<hbm>> -> memref<1x32xf32, #tpu.memory_space<hbm>>
      %dma_start3A_85 = arith.constant 5 : i32
      %dma_start3A_86 = arith.constant 0 : i32
      %dma_start3A_87 = tpu.memref_slice %arg11[%dma_start3A_85, %dma_start3A_86] : memref<64x32xf32, #tpu.memory_space<vmem>> -> memref<1x32xf32, #tpu.memory_space<vmem>>
      %dma_start3A_88 = arith.constant 0 : i32
      %dma_start3A_89 = tpu.memref_slice %arg5[%squeeze3A_79, %dma_start3A_88] : memref<100000x32xf32, #tpu.memory_space<hbm>> -> memref<1x32xf32, #tpu.memory_space<hbm>>
      tpu.enqueue_dma source(%dma_start3A_89 : memref<1x32xf32, #tpu.memory_space<hbm>>) target(%dma_start3A_87 : memref<1x32xf32, #tpu.memory_space<vmem>>) target_semaphore(%arg12 : memref<!tpu.dma_semaphore, #tpu.memory_space<semaphore_mem>>)
      %slice3A_90 = vector.extract_strided_slice %get3A_20 {offsets = [6], sizes = [1], strides = [1]} : vector<16xi32> to vector<1xi32>
      %squeeze3A_91 = vector.extract %slice3A_90[0] : i32 from vector<1xi32>
      %dma_start3A_92 = arith.constant 6 : i32
      %dma_start3A_93 = arith.constant 0 : i32
      %dma_start3A_94 = tpu.memref_slice %arg11[%dma_start3A_92, %dma_start3A_93] : memref<64x32xf32, #tpu.memory_space<vmem>> -> memref<1x32xf32, #tpu.memory_space<vmem>>
      %dma_start3A_95 = arith.constant 0 : i32
      %dma_start3A_96 = tpu.memref_slice %arg5[%squeeze3A_91, %dma_start3A_95] : memref<100000x32xf32, #tpu.memory_space<hbm>> -> memref<1x32xf32, #tpu.memory_space<hbm>>
      %dma_start3A_97 = arith.constant 6 : i32
      %dma_start3A_98 = arith.constant 0 : i32
      %dma_start3A_99 = tpu.memref_slice %arg11[%dma_start3A_97, %dma_start3A_98] : memref<64x32xf32, #tpu.memory_space<vmem>> -> memref<1x32xf32, #tpu.memory_space<vmem>>
      %dma_start3A_100 = arith.constant 0 : i32
      %dma_start3A_101 = tpu.memref_slice %arg5[%squeeze3A_91, %dma_start3A_100] : memref<100000x32xf32, #tpu.memory_space<hbm>> -> memref<1x32xf32, #tpu.memory_space<hbm>>
      tpu.enqueue_dma source(%dma_start3A_101 : memref<1x32xf32, #tpu.memory_space<hbm>>) target(%dma_start3A_99 : memref<1x32xf32, #tpu.memory_space<vmem>>) target_semaphore(%arg12 : memref<!tpu.dma_semaphore, #tpu.memory_space<semaphore_mem>>)
      %slice3A_102 = vector.extract_strided_slice %get3A_20 {offsets = [7], sizes = [1], strides = [1]} : vector<16xi32> to vector<1xi32>
      %squeeze3A_103 = vector.extract %slice3A_102[0] : i32 from vector<1xi32>
      %dma_start3A_104 = arith.constant 7 : i32
      %dma_start3A_105 = arith.constant 0 : i32
      %dma_start3A_106 = tpu.memref_slice %arg11[%dma_start3A_104, %dma_start3A_105] : memref<64x32xf32, #tpu.memory_space<vmem>> -> memref<1x32xf32, #tpu.memory_space<vmem>>
      %dma_start3A_107 = arith.constant 0 : i32
      %dma_start3A_108 = tpu.memref_slice %arg5[%squeeze3A_103, %dma_start3A_107] : memref<100000x32xf32, #tpu.memory_space<hbm>> -> memref<1x32xf32, #tpu.memory_space<hbm>>
      %dma_start3A_109 = arith.constant 7 : i32
      %dma_start3A_110 = arith.constant 0 : i32
      %dma_start3A_111 = tpu.memref_slice %arg11[%dma_start3A_109, %dma_start3A_110] : memref<64x32xf32, #tpu.memory_space<vmem>> -> memref<1x32xf32, #tpu.memory_space<vmem>>
      %dma_start3A_112 = arith.constant 0 : i32
      %dma_start3A_113 = tpu.memref_slice %arg5[%squeeze3A_103, %dma_start3A_112] : memref<100000x32xf32, #tpu.memory_space<hbm>> -> memref<1x32xf32, #tpu.memory_space<hbm>>
      tpu.enqueue_dma source(%dma_start3A_113 : memref<1x32xf32, #tpu.memory_space<hbm>>) target(%dma_start3A_111 : memref<1x32xf32, #tpu.memory_space<vmem>>) target_semaphore(%arg12 : memref<!tpu.dma_semaphore, #tpu.memory_space<semaphore_mem>>)
      %slice3A_114 = vector.extract_strided_slice %get3A_20 {offsets = [8], sizes = [1], strides = [1]} : vector<16xi32> to vector<1xi32>
      %squeeze3A_115 = vector.extract %slice3A_114[0] : i32 from vector<1xi32>
      %dma_start3A_116 = arith.constant 8 : i32
      %dma_start3A_117 = arith.constant 0 : i32
      %dma_start3A_118 = tpu.memref_slice %arg11[%dma_start3A_116, %dma_start3A_117] : memref<64x32xf32, #tpu.memory_space<vmem>> -> memref<1x32xf32, #tpu.memory_space<vmem>>
      %dma_start3A_119 = arith.constant 0 : i32
      %dma_start3A_120 = tpu.memref_slice %arg5[%squeeze3A_115, %dma_start3A_119] : memref<100000x32xf32, #tpu.memory_space<hbm>> -> memref<1x32xf32, #tpu.memory_space<hbm>>
      %dma_start3A_121 = arith.constant 8 : i32
      %dma_start3A_122 = arith.constant 0 : i32
      %dma_start3A_123 = tpu.memref_slice %arg11[%dma_start3A_121, %dma_start3A_122] : memref<64x32xf32, #tpu.memory_space<vmem>> -> memref<1x32xf32, #tpu.memory_space<vmem>>
      %dma_start3A_124 = arith.constant 0 : i32
      %dma_start3A_125 = tpu.memref_slice %arg5[%squeeze3A_115, %dma_start3A_124] : memref<100000x32xf32, #tpu.memory_space<hbm>> -> memref<1x32xf32, #tpu.memory_space<hbm>>
      tpu.enqueue_dma source(%dma_start3A_125 : memref<1x32xf32, #tpu.memory_space<hbm>>) target(%dma_start3A_123 : memref<1x32xf32, #tpu.memory_space<vmem>>) target_semaphore(%arg12 : memref<!tpu.dma_semaphore, #tpu.memory_space<semaphore_mem>>)
      %slice3A_126 = vector.extract_strided_slice %get3A_20 {offsets = [9], sizes = [1], strides = [1]} : vector<16xi32> to vector<1xi32>
      %squeeze3A_127 = vector.extract %slice3A_126[0] : i32 from vector<1xi32>
      %dma_start3A_128 = arith.constant 9 : i32
      %dma_start3A_129 = arith.constant 0 : i32
      %dma_start3A_130 = tpu.memref_slice %arg11[%dma_start3A_128, %dma_start3A_129] : memref<64x32xf32, #tpu.memory_space<vmem>> -> memref<1x32xf32, #tpu.memory_space<vmem>>
      %dma_start3A_131 = arith.constant 0 : i32
      %dma_start3A_132 = tpu.memref_slice %arg5[%squeeze3A_127, %dma_start3A_131] : memref<100000x32xf32, #tpu.memory_space<hbm>> -> memref<1x32xf32, #tpu.memory_space<hbm>>
      %dma_start3A_133 = arith.constant 9 : i32
      %dma_start3A_134 = arith.constant 0 : i32
      %dma_start3A_135 = tpu.memref_slice %arg11[%dma_start3A_133, %dma_start3A_134] : memref<64x32xf32, #tpu.memory_space<vmem>> -> memref<1x32xf32, #tpu.memory_space<vmem>>
      %dma_start3A_136 = arith.constant 0 : i32
      %dma_start3A_137 = tpu.memref_slice %arg5[%squeeze3A_127, %dma_start3A_136] : memref<100000x32xf32, #tpu.memory_space<hbm>> -> memref<1x32xf32, #tpu.memory_space<hbm>>
      tpu.enqueue_dma source(%dma_start3A_137 : memref<1x32xf32, #tpu.memory_space<hbm>>) target(%dma_start3A_135 : memref<1x32xf32, #tpu.memory_space<vmem>>) target_semaphore(%arg12 : memref<!tpu.dma_semaphore, #tpu.memory_space<semaphore_mem>>)
      %slice3A_138 = vector.extract_strided_slice %get3A_20 {offsets = [10], sizes = [1], strides = [1]} : vector<16xi32> to vector<1xi32>
      %squeeze3A_139 = vector.extract %slice3A_138[0] : i32 from vector<1xi32>
      %dma_start3A_140 = arith.constant 10 : i32
      %dma_start3A_141 = arith.constant 0 : i32
      %dma_start3A_142 = tpu.memref_slice %arg11[%dma_start3A_140, %dma_start3A_141] : memref<64x32xf32, #tpu.memory_space<vmem>> -> memref<1x32xf32, #tpu.memory_space<vmem>>
      %dma_start3A_143 = arith.constant 0 : i32
      %dma_start3A_144 = tpu.memref_slice %arg5[%squeeze3A_139, %dma_start3A_143] : memref<100000x32xf32, #tpu.memory_space<hbm>> -> memref<1x32xf32, #tpu.memory_space<hbm>>
      %dma_start3A_145 = arith.constant 10 : i32
      %dma_start3A_146 = arith.constant 0 : i32
      %dma_start3A_147 = tpu.memref_slice %arg11[%dma_start3A_145, %dma_start3A_146] : memref<64x32xf32, #tpu.memory_space<vmem>> -> memref<1x32xf32, #tpu.memory_space<vmem>>
      %dma_start3A_148 = arith.constant 0 : i32
      %dma_start3A_149 = tpu.memref_slice %arg5[%squeeze3A_139, %dma_start3A_148] : memref<100000x32xf32, #tpu.memory_space<hbm>> -> memref<1x32xf32, #tpu.memory_space<hbm>>
      tpu.enqueue_dma source(%dma_start3A_149 : memref<1x32xf32, #tpu.memory_space<hbm>>) target(%dma_start3A_147 : memref<1x32xf32, #tpu.memory_space<vmem>>) target_semaphore(%arg12 : memref<!tpu.dma_semaphore, #tpu.memory_space<semaphore_mem>>)
      %slice3A_150 = vector.extract_strided_slice %get3A_20 {offsets = [11], sizes = [1], strides = [1]} : vector<16xi32> to vector<1xi32>
      %squeeze3A_151 = vector.extract %slice3A_150[0] : i32 from vector<1xi32>
      %dma_start3A_152 = arith.constant 11 : i32
      %dma_start3A_153 = arith.constant 0 : i32
      %dma_start3A_154 = tpu.memref_slice %arg11[%dma_start3A_152, %dma_start3A_153] : memref<64x32xf32, #tpu.memory_space<vmem>> -> memref<1x32xf32, #tpu.memory_space<vmem>>
      %dma_start3A_155 = arith.constant 0 : i32
      %dma_start3A_156 = tpu.memref_slice %arg5[%squeeze3A_151, %dma_start3A_155] : memref<100000x32xf32, #tpu.memory_space<hbm>> -> memref<1x32xf32, #tpu.memory_space<hbm>>
      %dma_start3A_157 = arith.constant 11 : i32
      %dma_start3A_158 = arith.constant 0 : i32
      %dma_start3A_159 = tpu.memref_slice %arg11[%dma_start3A_157, %dma_start3A_158] : memref<64x32xf32, #tpu.memory_space<vmem>> -> memref<1x32xf32, #tpu.memory_space<vmem>>
      %dma_start3A_160 = arith.constant 0 : i32
      %dma_start3A_161 = tpu.memref_slice %arg5[%squeeze3A_151, %dma_start3A_160] : memref<100000x32xf32, #tpu.memory_space<hbm>> -> memref<1x32xf32, #tpu.memory_space<hbm>>
      tpu.enqueue_dma source(%dma_start3A_161 : memref<1x32xf32, #tpu.memory_space<hbm>>) target(%dma_start3A_159 : memref<1x32xf32, #tpu.memory_space<vmem>>) target_semaphore(%arg12 : memref<!tpu.dma_semaphore, #tpu.memory_space<semaphore_mem>>)
      %slice3A_162 = vector.extract_strided_slice %get3A_20 {offsets = [12], sizes = [1], strides = [1]} : vector<16xi32> to vector<1xi32>
      %squeeze3A_163 = vector.extract %slice3A_162[0] : i32 from vector<1xi32>
      %dma_start3A_164 = arith.constant 12 : i32
      %dma_start3A_165 = arith.constant 0 : i32
      %dma_start3A_166 = tpu.memref_slice %arg11[%dma_start3A_164, %dma_start3A_165] : memref<64x32xf32, #tpu.memory_space<vmem>> -> memref<1x32xf32, #tpu.memory_space<vmem>>
      %dma_start3A_167 = arith.constant 0 : i32
      %dma_start3A_168 = tpu.memref_slice %arg5[%squeeze3A_163, %dma_start3A_167] : memref<100000x32xf32, #tpu.memory_space<hbm>> -> memref<1x32xf32, #tpu.memory_space<hbm>>
      %dma_start3A_169 = arith.constant 12 : i32
      %dma_start3A_170 = arith.constant 0 : i32
      %dma_start3A_171 = tpu.memref_slice %arg11[%dma_start3A_169, %dma_start3A_170] : memref<64x32xf32, #tpu.memory_space<vmem>> -> memref<1x32xf32, #tpu.memory_space<vmem>>
      %dma_start3A_172 = arith.constant 0 : i32
      %dma_start3A_173 = tpu.memref_slice %arg5[%squeeze3A_163, %dma_start3A_172] : memref<100000x32xf32, #tpu.memory_space<hbm>> -> memref<1x32xf32, #tpu.memory_space<hbm>>
      tpu.enqueue_dma source(%dma_start3A_173 : memref<1x32xf32, #tpu.memory_space<hbm>>) target(%dma_start3A_171 : memref<1x32xf32, #tpu.memory_space<vmem>>) target_semaphore(%arg12 : memref<!tpu.dma_semaphore, #tpu.memory_space<semaphore_mem>>)
      %slice3A_174 = vector.extract_strided_slice %get3A_20 {offsets = [13], sizes = [1], strides = [1]} : vector<16xi32> to vector<1xi32>
      %squeeze3A_175 = vector.extract %slice3A_174[0] : i32 from vector<1xi32>
      %dma_start3A_176 = arith.constant 13 : i32
      %dma_start3A_177 = arith.constant 0 : i32
      %dma_start3A_178 = tpu.memref_slice %arg11[%dma_start3A_176, %dma_start3A_177] : memref<64x32xf32, #tpu.memory_space<vmem>> -> memref<1x32xf32, #tpu.memory_space<vmem>>
      %dma_start3A_179 = arith.constant 0 : i32
      %dma_start3A_180 = tpu.memref_slice %arg5[%squeeze3A_175, %dma_start3A_179] : memref<100000x32xf32, #tpu.memory_space<hbm>> -> memref<1x32xf32, #tpu.memory_space<hbm>>
      %dma_start3A_181 = arith.constant 13 : i32
      %dma_start3A_182 = arith.constant 0 : i32
      %dma_start3A_183 = tpu.memref_slice %arg11[%dma_start3A_181, %dma_start3A_182] : memref<64x32xf32, #tpu.memory_space<vmem>> -> memref<1x32xf32, #tpu.memory_space<vmem>>
      %dma_start3A_184 = arith.constant 0 : i32
      %dma_start3A_185 = tpu.memref_slice %arg5[%squeeze3A_175, %dma_start3A_184] : memref<100000x32xf32, #tpu.memory_space<hbm>> -> memref<1x32xf32, #tpu.memory_space<hbm>>
      tpu.enqueue_dma source(%dma_start3A_185 : memref<1x32xf32, #tpu.memory_space<hbm>>) target(%dma_start3A_183 : memref<1x32xf32, #tpu.memory_space<vmem>>) target_semaphore(%arg12 : memref<!tpu.dma_semaphore, #tpu.memory_space<semaphore_mem>>)
      %slice3A_186 = vector.extract_strided_slice %get3A_20 {offsets = [14], sizes = [1], strides = [1]} : vector<16xi32> to vector<1xi32>
      %squeeze3A_187 = vector.extract %slice3A_186[0] : i32 from vector<1xi32>
      %dma_start3A_188 = arith.constant 14 : i32
      %dma_start3A_189 = arith.constant 0 : i32
      %dma_start3A_190 = tpu.memref_slice %arg11[%dma_start3A_188, %dma_start3A_189] : memref<64x32xf32, #tpu.memory_space<vmem>> -> memref<1x32xf32, #tpu.memory_space<vmem>>
      %dma_start3A_191 = arith.constant 0 : i32
      %dma_start3A_192 = tpu.memref_slice %arg5[%squeeze3A_187, %dma_start3A_191] : memref<100000x32xf32, #tpu.memory_space<hbm>> -> memref<1x32xf32, #tpu.memory_space<hbm>>
      %dma_start3A_193 = arith.constant 14 : i32
      %dma_start3A_194 = arith.constant 0 : i32
      %dma_start3A_195 = tpu.memref_slice %arg11[%dma_start3A_193, %dma_start3A_194] : memref<64x32xf32, #tpu.memory_space<vmem>> -> memref<1x32xf32, #tpu.memory_space<vmem>>
      %dma_start3A_196 = arith.constant 0 : i32
      %dma_start3A_197 = tpu.memref_slice %arg5[%squeeze3A_187, %dma_start3A_196] : memref<100000x32xf32, #tpu.memory_space<hbm>> -> memref<1x32xf32, #tpu.memory_space<hbm>>
      tpu.enqueue_dma source(%dma_start3A_197 : memref<1x32xf32, #tpu.memory_space<hbm>>) target(%dma_start3A_195 : memref<1x32xf32, #tpu.memory_space<vmem>>) target_semaphore(%arg12 : memref<!tpu.dma_semaphore, #tpu.memory_space<semaphore_mem>>)
      %slice3A_198 = vector.extract_strided_slice %get3A_20 {offsets = [15], sizes = [1], strides = [1]} : vector<16xi32> to vector<1xi32>
      %squeeze3A_199 = vector.extract %slice3A_198[0] : i32 from vector<1xi32>
      %dma_start3A_200 = arith.constant 15 : i32
      %dma_start3A_201 = arith.constant 0 : i32
      %dma_start3A_202 = tpu.memref_slice %arg11[%dma_start3A_200, %dma_start3A_201] : memref<64x32xf32, #tpu.memory_space<vmem>> -> memref<1x32xf32, #tpu.memory_space<vmem>>
      %dma_start3A_203 = arith.constant 0 : i32
      %dma_start3A_204 = tpu.memref_slice %arg5[%squeeze3A_199, %dma_start3A_203] : memref<100000x32xf32, #tpu.memory_space<hbm>> -> memref<1x32xf32, #tpu.memory_space<hbm>>
      %dma_start3A_205 = arith.constant 15 : i32
      %dma_start3A_206 = arith.constant 0 : i32
      %dma_start3A_207 = tpu.memref_slice %arg11[%dma_start3A_205, %dma_start3A_206] : memref<64x32xf32, #tpu.memory_space<vmem>> -> memref<1x32xf32, #tpu.memory_space<vmem>>
      %dma_start3A_208 = arith.constant 0 : i32
      %dma_start3A_209 = tpu.memref_slice %arg5[%squeeze3A_199, %dma_start3A_208] : memref<100000x32xf32, #tpu.memory_space<hbm>> -> memref<1x32xf32, #tpu.memory_space<hbm>>
      tpu.enqueue_dma source(%dma_start3A_209 : memref<1x32xf32, #tpu.memory_space<hbm>>) target(%dma_start3A_207 : memref<1x32xf32, #tpu.memory_space<vmem>>) target_semaphore(%arg12 : memref<!tpu.dma_semaphore, #tpu.memory_space<semaphore_mem>>)
      %mul3A_210 = arith.constant 64 : i32
      %mul3A_211 = arith.muli %scan3A_14, %mul3A_210 : i32
      %add3A_212 = arith.constant 16 : i32
      %add3A_213 = arith.addi %mul3A_211, %add3A_212 : i32
      %get3A_214 = arith.index_cast %add3A_213 : i32 to index
      %get3A_215 = tpu.vector_load %arg9[%get3A_214] {strides = array<i32>} : memref<512xi32, #tpu.memory_space<vmem>>, vector<16xi32>,
      %get3A_216 = vector.shape_cast %get3A_215 : vector<16xi32> to vector<16xi32>
      %slice3A_217 = vector.extract_strided_slice %get3A_216 {offsets = [0], sizes = [1], strides = [1]} : vector<16xi32> to vector<1xi32>
      %squeeze3A_218 = vector.extract %slice3A_217[0] : i32 from vector<1xi32>
      %dma_start3A_219 = arith.constant 16 : i32
      %dma_start3A_220 = arith.constant 0 : i32
      %dma_start3A_221 = tpu.memref_slice %arg11[%dma_start3A_219, %dma_start3A_220] : memref<64x32xf32, #tpu.memory_space<vmem>> -> memref<1x32xf32, #tpu.memory_space<vmem>>
      %dma_start3A_222 = arith.constant 0 : i32
      %dma_start3A_223 = tpu.memref_slice %arg5[%squeeze3A_218, %dma_start3A_222] : memref<100000x32xf32, #tpu.memory_space<hbm>> -> memref<1x32xf32, #tpu.memory_space<hbm>>
      %dma_start3A_224 = arith.constant 16 : i32
      %dma_start3A_225 = arith.constant 0 : i32
      %dma_start3A_226 = tpu.memref_slice %arg11[%dma_start3A_224, %dma_start3A_225] : memref<64x32xf32, #tpu.memory_space<vmem>> -> memref<1x32xf32, #tpu.memory_space<vmem>>
      %dma_start3A_227 = arith.constant 0 : i32
      %dma_start3A_228 = tpu.memref_slice %arg5[%squeeze3A_218, %dma_start3A_227] : memref<100000x32xf32, #tpu.memory_space<hbm>> -> memref<1x32xf32, #tpu.memory_space<hbm>>
      tpu.enqueue_dma source(%dma_start3A_228 : memref<1x32xf32, #tpu.memory_space<hbm>>) target(%dma_start3A_226 : memref<1x32xf32, #tpu.memory_space<vmem>>) target_semaphore(%arg12 : memref<!tpu.dma_semaphore, #tpu.memory_space<semaphore_mem>>)
      %slice3A_229 = vector.extract_strided_slice %get3A_216 {offsets = [1], sizes = [1], strides = [1]} : vector<16xi32> to vector<1xi32>
      %squeeze3A_230 = vector.extract %slice3A_229[0] : i32 from vector<1xi32>
      %dma_start3A_231 = arith.constant 17 : i32
      %dma_start3A_232 = arith.constant 0 : i32
      %dma_start3A_233 = tpu.memref_slice %arg11[%dma_start3A_231, %dma_start3A_232] : memref<64x32xf32, #tpu.memory_space<vmem>> -> memref<1x32xf32, #tpu.memory_space<vmem>>
      %dma_start3A_234 = arith.constant 0 : i32
      %dma_start3A_235 = tpu.memref_slice %arg5[%squeeze3A_230, %dma_start3A_234] : memref<100000x32xf32, #tpu.memory_space<hbm>> -> memref<1x32xf32, #tpu.memory_space<hbm>>
      %dma_start3A_236 = arith.constant 17 : i32
      %dma_start3A_237 = arith.constant 0 : i32
      %dma_start3A_238 = tpu.memref_slice %arg11[%dma_start3A_236, %dma_start3A_237] : memref<64x32xf32, #tpu.memory_space<vmem>> -> memref<1x32xf32, #tpu.memory_space<vmem>>
      %dma_start3A_239 = arith.constant 0 : i32
      %dma_start3A_240 = tpu.memref_slice %arg5[%squeeze3A_230, %dma_start3A_239] : memref<100000x32xf32, #tpu.memory_space<hbm>> -> memref<1x32xf32, #tpu.memory_space<hbm>>
      tpu.enqueue_dma source(%dma_start3A_240 : memref<1x32xf32, #tpu.memory_space<hbm>>) target(%dma_start3A_238 : memref<1x32xf32, #tpu.memory_space<vmem>>) target_semaphore(%arg12 : memref<!tpu.dma_semaphore, #tpu.memory_space<semaphore_mem>>)
      %slice3A_241 = vector.extract_strided_slice %get3A_216 {offsets = [2], sizes = [1], strides = [1]} : vector<16xi32> to vector<1xi32>
      %squeeze3A_242 = vector.extract %slice3A_241[0] : i32 from vector<1xi32>
      %dma_start3A_243 = arith.constant 18 : i32
      %dma_start3A_244 = arith.constant 0 : i32
      %dma_start3A_245 = tpu.memref_slice %arg11[%dma_start3A_243, %dma_start3A_244] : memref<64x32xf32, #tpu.memory_space<vmem>> -> memref<1x32xf32, #tpu.memory_space<vmem>>
      %dma_start3A_246 = arith.constant 0 : i32
      %dma_start3A_247 = tpu.memref_slice %arg5[%squeeze3A_242, %dma_start3A_246] : memref<100000x32xf32, #tpu.memory_space<hbm>> -> memref<1x32xf32, #tpu.memory_space<hbm>>
      %dma_start3A_248 = arith.constant 18 : i32
      %dma_start3A_249 = arith.constant 0 : i32
      %dma_start3A_250 = tpu.memref_slice %arg11[%dma_start3A_248, %dma_start3A_249] : memref<64x32xf32, #tpu.memory_space<vmem>> -> memref<1x32xf32, #tpu.memory_space<vmem>>
      %dma_start3A_251 = arith.constant 0 : i32
      %dma_start3A_252 = tpu.memref_slice %arg5[%squeeze3A_242, %dma_start3A_251] : memref<100000x32xf32, #tpu.memory_space<hbm>> -> memref<1x32xf32, #tpu.memory_space<hbm>>
      tpu.enqueue_dma source(%dma_start3A_252 : memref<1x32xf32, #tpu.memory_space<hbm>>) target(%dma_start3A_250 : memref<1x32xf32, #tpu.memory_space<vmem>>) target_semaphore(%arg12 : memref<!tpu.dma_semaphore, #tpu.memory_space<semaphore_mem>>)
      %slice3A_253 = vector.extract_strided_slice %get3A_216 {offsets = [3], sizes = [1], strides = [1]} : vector<16xi32> to vector<1xi32>
      %squeeze3A_254 = vector.extract %slice3A_253[0] : i32 from vector<1xi32>
      %dma_start3A_255 = arith.constant 19 : i32
      %dma_start3A_256 = arith.constant 0 : i32
      %dma_start3A_257 = tpu.memref_slice %arg11[%dma_start3A_255, %dma_start3A_256] : memref<64x32xf32, #tpu.memory_space<vmem>> -> memref<1x32xf32, #tpu.memory_space<vmem>>
      %dma_start3A_258 = arith.constant 0 : i32
      %dma_start3A_259 = tpu.memref_slice %arg5[%squeeze3A_254, %dma_start3A_258] : memref<100000x32xf32, #tpu.memory_space<hbm>> -> memref<1x32xf32, #tpu.memory_space<hbm>>
      %dma_start3A_260 = arith.constant 19 : i32
      %dma_start3A_261 = arith.constant 0 : i32
      %dma_start3A_262 = tpu.memref_slice %arg11[%dma_start3A_260, %dma_start3A_261] : memref<64x32xf32, #tpu.memory_space<vmem>> -> memref<1x32xf32, #tpu.memory_space<vmem>>
      %dma_start3A_263 = arith.constant 0 : i32
      %dma_start3A_264 = tpu.memref_slice %arg5[%squeeze3A_254, %dma_start3A_263] : memref<100000x32xf32, #tpu.memory_space<hbm>> -> memref<1x32xf32, #tpu.memory_space<hbm>>
      tpu.enqueue_dma source(%dma_start3A_264 : memref<1x32xf32, #tpu.memory_space<hbm>>) target(%dma_start3A_262 : memref<1x32xf32, #tpu.memory_space<vmem>>) target_semaphore(%arg12 : memref<!tpu.dma_semaphore, #tpu.memory_space<semaphore_mem>>)
      %slice3A_265 = vector.extract_strided_slice %get3A_216 {offsets = [4], sizes = [1], strides = [1]} : vector<16xi32> to vector<1xi32>
      %squeeze3A_266 = vector.extract %slice3A_265[0] : i32 from vector<1xi32>
      %dma_start3A_267 = arith.constant 20 : i32
      %dma_start3A_268 = arith.constant 0 : i32
      %dma_start3A_269 = tpu.memref_slice %arg11[%dma_start3A_267, %dma_start3A_268] : memref<64x32xf32, #tpu.memory_space<vmem>> -> memref<1x32xf32, #tpu.memory_space<vmem>>
      %dma_start3A_270 = arith.constant 0 : i32
      %dma_start3A_271 = tpu.memref_slice %arg5[%squeeze3A_266, %dma_start3A_270] : memref<100000x32xf32, #tpu.memory_space<hbm>> -> memref<1x32xf32, #tpu.memory_space<hbm>>
      %dma_start3A_272 = arith.constant 20 : i32
      %dma_start3A_273 = arith.constant 0 : i32
      %dma_start3A_274 = tpu.memref_slice %arg11[%dma_start3A_272, %dma_start3A_273] : memref<64x32xf32, #tpu.memory_space<vmem>> -> memref<1x32xf32, #tpu.memory_space<vmem>>
      %dma_start3A_275 = arith.constant 0 : i32
      %dma_start3A_276 = tpu.memref_slice %arg5[%squeeze3A_266, %dma_start3A_275] : memref<100000x32xf32, #tpu.memory_space<hbm>> -> memref<1x32xf32, #tpu.memory_space<hbm>>
      tpu.enqueue_dma source(%dma_start3A_276 : memref<1x32xf32, #tpu.memory_space<hbm>>) target(%dma_start3A_274 : memref<1x32xf32, #tpu.memory_space<vmem>>) target_semaphore(%arg12 : memref<!tpu.dma_semaphore, #tpu.memory_space<semaphore_mem>>)
      %slice3A_277 = vector.extract_strided_slice %get3A_216 {offsets = [5], sizes = [1], strides = [1]} : vector<16xi32> to vector<1xi32>
      %squeeze3A_278 = vector.extract %slice3A_277[0] : i32 from vector<1xi32>
      %dma_start3A_279 = arith.constant 21 : i32
      %dma_start3A_280 = arith.constant 0 : i32
      %dma_start3A_281 = tpu.memref_slice %arg11[%dma_start3A_279, %dma_start3A_280] : memref<64x32xf32, #tpu.memory_space<vmem>> -> memref<1x32xf32, #tpu.memory_space<vmem>>
      %dma_start3A_282 = arith.constant 0 : i32
      %dma_start3A_283 = tpu.memref_slice %arg5[%squeeze3A_278, %dma_start3A_282] : memref<100000x32xf32, #tpu.memory_space<hbm>> -> memref<1x32xf32, #tpu.memory_space<hbm>>
      %dma_start3A_284 = arith.constant 21 : i32
      %dma_start3A_285 = arith.constant 0 : i32
      %dma_start3A_286 = tpu.memref_slice %arg11[%dma_start3A_284, %dma_start3A_285] : memref<64x32xf32, #tpu.memory_space<vmem>> -> memref<1x32xf32, #tpu.memory_space<vmem>>
      %dma_start3A_287 = arith.constant 0 : i32
      %dma_start3A_288 = tpu.memref_slice %arg5[%squeeze3A_278, %dma_start3A_287] : memref<100000x32xf32, #tpu.memory_space<hbm>> -> memref<1x32xf32, #tpu.memory_space<hbm>>
      tpu.enqueue_dma source(%dma_start3A_288 : memref<1x32xf32, #tpu.memory_space<hbm>>) target(%dma_start3A_286 : memref<1x32xf32, #tpu.memory_space<vmem>>) target_semaphore(%arg12 : memref<!tpu.dma_semaphore, #tpu.memory_space<semaphore_mem>>)
      %slice3A_289 = vector.extract_strided_slice %get3A_216 {offsets = [6], sizes = [1], strides = [1]} : vector<16xi32> to vector<1xi32>
      %squeeze3A_290 = vector.extract %slice3A_289[0] : i32 from vector<1xi32>
      %dma_start3A_291 = arith.constant 22 : i32
      %dma_start3A_292 = arith.constant 0 : i32
      %dma_start3A_293 = tpu.memref_slice %arg11[%dma_start3A_291, %dma_start3A_292] : memref<64x32xf32, #tpu.memory_space<vmem>> -> memref<1x32xf32, #tpu.memory_space<vmem>>
      %dma_start3A_294 = arith.constant 0 : i32
      %dma_start3A_295 = tpu.memref_slice %arg5[%squeeze3A_290, %dma_start3A_294] : memref<100000x32xf32, #tpu.memory_space<hbm>> -> memref<1x32xf32, #tpu.memory_space<hbm>>
      %dma_start3A_296 = arith.constant 22 : i32
      %dma_start3A_297 = arith.constant 0 : i32
      %dma_start3A_298 = tpu.memref_slice %arg11[%dma_start3A_296, %dma_start3A_297] : memref<64x32xf32, #tpu.memory_space<vmem>> -> memref<1x32xf32, #tpu.memory_space<vmem>>
      %dma_start3A_299 = arith.constant 0 : i32
      %dma_start3A_300 = tpu.memref_slice %arg5[%squeeze3A_290, %dma_start3A_299] : memref<100000x32xf32, #tpu.memory_space<hbm>> -> memref<1x32xf32, #tpu.memory_space<hbm>>
      tpu.enqueue_dma source(%dma_start3A_300 : memref<1x32xf32, #tpu.memory_space<hbm>>) target(%dma_start3A_298 : memref<1x32xf32, #tpu.memory_space<vmem>>) target_semaphore(%arg12 : memref<!tpu.dma_semaphore, #tpu.memory_space<semaphore_mem>>)
      %slice3A_301 = vector.extract_strided_slice %get3A_216 {offsets = [7], sizes = [1], strides = [1]} : vector<16xi32> to vector<1xi32>
      %squeeze3A_302 = vector.extract %slice3A_301[0] : i32 from vector<1xi32>
      %dma_start3A_303 = arith.constant 23 : i32
      %dma_start3A_304 = arith.constant 0 : i32
      %dma_start3A_305 = tpu.memref_slice %arg11[%dma_start3A_303, %dma_start3A_304] : memref<64x32xf32, #tpu.memory_space<vmem>> -> memref<1x32xf32, #tpu.memory_space<vmem>>
      %dma_start3A_306 = arith.constant 0 : i32
      %dma_start3A_307 = tpu.memref_slice %arg5[%squeeze3A_302, %dma_start3A_306] : memref<100000x32xf32, #tpu.memory_space<hbm>> -> memref<1x32xf32, #tpu.memory_space<hbm>>
      %dma_start3A_308 = arith.constant 23 : i32
      %dma_start3A_309 = arith.constant 0 : i32
      %dma_start3A_310 = tpu.memref_slice %arg11[%dma_start3A_308, %dma_start3A_309] : memref<64x32xf32, #tpu.memory_space<vmem>> -> memref<1x32xf32, #tpu.memory_space<vmem>>
      %dma_start3A_311 = arith.constant 0 : i32
      %dma_start3A_312 = tpu.memref_slice %arg5[%squeeze3A_302, %dma_start3A_311] : memref<100000x32xf32, #tpu.memory_space<hbm>> -> memref<1x32xf32, #tpu.memory_space<hbm>>
      tpu.enqueue_dma source(%dma_start3A_312 : memref<1x32xf32, #tpu.memory_space<hbm>>) target(%dma_start3A_310 : memref<1x32xf32, #tpu.memory_space<vmem>>) target_semaphore(%arg12 : memref<!tpu.dma_semaphore, #tpu.memory_space<semaphore_mem>>)
      %slice3A_313 = vector.extract_strided_slice %get3A_216 {offsets = [8], sizes = [1], strides = [1]} : vector<16xi32> to vector<1xi32>
      %squeeze3A_314 = vector.extract %slice3A_313[0] : i32 from vector<1xi32>
      %dma_start3A_315 = arith.constant 24 : i32
      %dma_start3A_316 = arith.constant 0 : i32
      %dma_start3A_317 = tpu.memref_slice %arg11[%dma_start3A_315, %dma_start3A_316] : memref<64x32xf32, #tpu.memory_space<vmem>> -> memref<1x32xf32, #tpu.memory_space<vmem>>
      %dma_start3A_318 = arith.constant 0 : i32
      %dma_start3A_319 = tpu.memref_slice %arg5[%squeeze3A_314, %dma_start3A_318] : memref<100000x32xf32, #tpu.memory_space<hbm>> -> memref<1x32xf32, #tpu.memory_space<hbm>>
      %dma_start3A_320 = arith.constant 24 : i32
      %dma_start3A_321 = arith.constant 0 : i32
      %dma_start3A_322 = tpu.memref_slice %arg11[%dma_start3A_320, %dma_start3A_321] : memref<64x32xf32, #tpu.memory_space<vmem>> -> memref<1x32xf32, #tpu.memory_space<vmem>>
      %dma_start3A_323 = arith.constant 0 : i32
      %dma_start3A_324 = tpu.memref_slice %arg5[%squeeze3A_314, %dma_start3A_323] : memref<100000x32xf32, #tpu.memory_space<hbm>> -> memref<1x32xf32, #tpu.memory_space<hbm>>
      tpu.enqueue_dma source(%dma_start3A_324 : memref<1x32xf32, #tpu.memory_space<hbm>>) target(%dma_start3A_322 : memref<1x32xf32, #tpu.memory_space<vmem>>) target_semaphore(%arg12 : memref<!tpu.dma_semaphore, #tpu.memory_space<semaphore_mem>>)
      %slice3A_325 = vector.extract_strided_slice %get3A_216 {offsets = [9], sizes = [1], strides = [1]} : vector<16xi32> to vector<1xi32>
      %squeeze3A_326 = vector.extract %slice3A_325[0] : i32 from vector<1xi32>
      %dma_start3A_327 = arith.constant 25 : i32
      %dma_start3A_328 = arith.constant 0 : i32
      %dma_start3A_329 = tpu.memref_slice %arg11[%dma_start3A_327, %dma_start3A_328] : memref<64x32xf32, #tpu.memory_space<vmem>> -> memref<1x32xf32, #tpu.memory_space<vmem>>
      %dma_start3A_330 = arith.constant 0 : i32
      %dma_start3A_331 = tpu.memref_slice %arg5[%squeeze3A_326, %dma_start3A_330] : memref<100000x32xf32, #tpu.memory_space<hbm>> -> memref<1x32xf32, #tpu.memory_space<hbm>>
      %dma_start3A_332 = arith.constant 25 : i32
      %dma_start3A_333 = arith.constant 0 : i32
      %dma_start3A_334 = tpu.memref_slice %arg11[%dma_start3A_332, %dma_start3A_333] : memref<64x32xf32, #tpu.memory_space<vmem>> -> memref<1x32xf32, #tpu.memory_space<vmem>>
      %dma_start3A_335 = arith.constant 0 : i32
      %dma_start3A_336 = tpu.memref_slice %arg5[%squeeze3A_326, %dma_start3A_335] : memref<100000x32xf32, #tpu.memory_space<hbm>> -> memref<1x32xf32, #tpu.memory_space<hbm>>
      tpu.enqueue_dma source(%dma_start3A_336 : memref<1x32xf32, #tpu.memory_space<hbm>>) target(%dma_start3A_334 : memref<1x32xf32, #tpu.memory_space<vmem>>) target_semaphore(%arg12 : memref<!tpu.dma_semaphore, #tpu.memory_space<semaphore_mem>>)
      %slice3A_337 = vector.extract_strided_slice %get3A_216 {offsets = [10], sizes = [1], strides = [1]} : vector<16xi32> to vector<1xi32>
      %squeeze3A_338 = vector.extract %slice3A_337[0] : i32 from vector<1xi32>
      %dma_start3A_339 = arith.constant 26 : i32
      %dma_start3A_340 = arith.constant 0 : i32
      %dma_start3A_341 = tpu.memref_slice %arg11[%dma_start3A_339, %dma_start3A_340] : memref<64x32xf32, #tpu.memory_space<vmem>> -> memref<1x32xf32, #tpu.memory_space<vmem>>
      %dma_start3A_342 = arith.constant 0 : i32
      %dma_start3A_343 = tpu.memref_slice %arg5[%squeeze3A_338, %dma_start3A_342] : memref<100000x32xf32, #tpu.memory_space<hbm>> -> memref<1x32xf32, #tpu.memory_space<hbm>>
      %dma_start3A_344 = arith.constant 26 : i32
      %dma_start3A_345 = arith.constant 0 : i32
      %dma_start3A_346 = tpu.memref_slice %arg11[%dma_start3A_344, %dma_start3A_345] : memref<64x32xf32, #tpu.memory_space<vmem>> -> memref<1x32xf32, #tpu.memory_space<vmem>>
      %dma_start3A_347 = arith.constant 0 : i32
      %dma_start3A_348 = tpu.memref_slice %arg5[%squeeze3A_338, %dma_start3A_347] : memref<100000x32xf32, #tpu.memory_space<hbm>> -> memref<1x32xf32, #tpu.memory_space<hbm>>
      tpu.enqueue_dma source(%dma_start3A_348 : memref<1x32xf32, #tpu.memory_space<hbm>>) target(%dma_start3A_346 : memref<1x32xf32, #tpu.memory_space<vmem>>) target_semaphore(%arg12 : memref<!tpu.dma_semaphore, #tpu.memory_space<semaphore_mem>>)
      %slice3A_349 = vector.extract_strided_slice %get3A_216 {offsets = [11], sizes = [1], strides = [1]} : vector<16xi32> to vector<1xi32>
      %squeeze3A_350 = vector.extract %slice3A_349[0] : i32 from vector<1xi32>
      %dma_start3A_351 = arith.constant 27 : i32
      %dma_start3A_352 = arith.constant 0 : i32
      %dma_start3A_353 = tpu.memref_slice %arg11[%dma_start3A_351, %dma_start3A_352] : memref<64x32xf32, #tpu.memory_space<vmem>> -> memref<1x32xf32, #tpu.memory_space<vmem>>
      %dma_start3A_354 = arith.constant 0 : i32
      %dma_start3A_355 = tpu.memref_slice %arg5[%squeeze3A_350, %dma_start3A_354] : memref<100000x32xf32, #tpu.memory_space<hbm>> -> memref<1x32xf32, #tpu.memory_space<hbm>>
      %dma_start3A_356 = arith.constant 27 : i32
      %dma_start3A_357 = arith.constant 0 : i32
      %dma_start3A_358 = tpu.memref_slice %arg11[%dma_start3A_356, %dma_start3A_357] : memref<64x32xf32, #tpu.memory_space<vmem>> -> memref<1x32xf32, #tpu.memory_space<vmem>>
      %dma_start3A_359 = arith.constant 0 : i32
      %dma_start3A_360 = tpu.memref_slice %arg5[%squeeze3A_350, %dma_start3A_359] : memref<100000x32xf32, #tpu.memory_space<hbm>> -> memref<1x32xf32, #tpu.memory_space<hbm>>
      tpu.enqueue_dma source(%dma_start3A_360 : memref<1x32xf32, #tpu.memory_space<hbm>>) target(%dma_start3A_358 : memref<1x32xf32, #tpu.memory_space<vmem>>) target_semaphore(%arg12 : memref<!tpu.dma_semaphore, #tpu.memory_space<semaphore_mem>>)
      %slice3A_361 = vector.extract_strided_slice %get3A_216 {offsets = [12], sizes = [1], strides = [1]} : vector<16xi32> to vector<1xi32>
      %squeeze3A_362 = vector.extract %slice3A_361[0] : i32 from vector<1xi32>
      %dma_start3A_363 = arith.constant 28 : i32
      %dma_start3A_364 = arith.constant 0 : i32
      %dma_start3A_365 = tpu.memref_slice %arg11[%dma_start3A_363, %dma_start3A_364] : memref<64x32xf32, #tpu.memory_space<vmem>> -> memref<1x32xf32, #tpu.memory_space<vmem>>
      %dma_start3A_366 = arith.constant 0 : i32
      %dma_start3A_367 = tpu.memref_slice %arg5[%squeeze3A_362, %dma_start3A_366] : memref<100000x32xf32, #tpu.memory_space<hbm>> -> memref<1x32xf32, #tpu.memory_space<hbm>>
      %dma_start3A_368 = arith.constant 28 : i32
      %dma_start3A_369 = arith.constant 0 : i32
      %dma_start3A_370 = tpu.memref_slice %arg11[%dma_start3A_368, %dma_start3A_369] : memref<64x32xf32, #tpu.memory_space<vmem>> -> memref<1x32xf32, #tpu.memory_space<vmem>>
      %dma_start3A_371 = arith.constant 0 : i32
      %dma_start3A_372 = tpu.memref_slice %arg5[%squeeze3A_362, %dma_start3A_371] : memref<100000x32xf32, #tpu.memory_space<hbm>> -> memref<1x32xf32, #tpu.memory_space<hbm>>
      tpu.enqueue_dma source(%dma_start3A_372 : memref<1x32xf32, #tpu.memory_space<hbm>>) target(%dma_start3A_370 : memref<1x32xf32, #tpu.memory_space<vmem>>) target_semaphore(%arg12 : memref<!tpu.dma_semaphore, #tpu.memory_space<semaphore_mem>>)
      %slice3A_373 = vector.extract_strided_slice %get3A_216 {offsets = [13], sizes = [1], strides = [1]} : vector<16xi32> to vector<1xi32>
      %squeeze3A_374 = vector.extract %slice3A_373[0] : i32 from vector<1xi32>
      %dma_start3A_375 = arith.constant 29 : i32
      %dma_start3A_376 = arith.constant 0 : i32
      %dma_start3A_377 = tpu.memref_slice %arg11[%dma_start3A_375, %dma_start3A_376] : memref<64x32xf32, #tpu.memory_space<vmem>> -> memref<1x32xf32, #tpu.memory_space<vmem>>
      %dma_start3A_378 = arith.constant 0 : i32
      %dma_start3A_379 = tpu.memref_slice %arg5[%squeeze3A_374, %dma_start3A_378] : memref<100000x32xf32, #tpu.memory_space<hbm>> -> memref<1x32xf32, #tpu.memory_space<hbm>>
      %dma_start3A_380 = arith.constant 29 : i32
      %dma_start3A_381 = arith.constant 0 : i32
      %dma_start3A_382 = tpu.memref_slice %arg11[%dma_start3A_380, %dma_start3A_381] : memref<64x32xf32, #tpu.memory_space<vmem>> -> memref<1x32xf32, #tpu.memory_space<vmem>>
      %dma_start3A_383 = arith.constant 0 : i32
      %dma_start3A_384 = tpu.memref_slice %arg5[%squeeze3A_374, %dma_start3A_383] : memref<100000x32xf32, #tpu.memory_space<hbm>> -> memref<1x32xf32, #tpu.memory_space<hbm>>
      tpu.enqueue_dma source(%dma_start3A_384 : memref<1x32xf32, #tpu.memory_space<hbm>>) target(%dma_start3A_382 : memref<1x32xf32, #tpu.memory_space<vmem>>) target_semaphore(%arg12 : memref<!tpu.dma_semaphore, #tpu.memory_space<semaphore_mem>>)
      %slice3A_385 = vector.extract_strided_slice %get3A_216 {offsets = [14], sizes = [1], strides = [1]} : vector<16xi32> to vector<1xi32>
      %squeeze3A_386 = vector.extract %slice3A_385[0] : i32 from vector<1xi32>
      %dma_start3A_387 = arith.constant 30 : i32
      %dma_start3A_388 = arith.constant 0 : i32
      %dma_start3A_389 = tpu.memref_slice %arg11[%dma_start3A_387, %dma_start3A_388] : memref<64x32xf32, #tpu.memory_space<vmem>> -> memref<1x32xf32, #tpu.memory_space<vmem>>
      %dma_start3A_390 = arith.constant 0 : i32
      %dma_start3A_391 = tpu.memref_slice %arg5[%squeeze3A_386, %dma_start3A_390] : memref<100000x32xf32, #tpu.memory_space<hbm>> -> memref<1x32xf32, #tpu.memory_space<hbm>>
      %dma_start3A_392 = arith.constant 30 : i32
      %dma_start3A_393 = arith.constant 0 : i32
      %dma_start3A_394 = tpu.memref_slice %arg11[%dma_start3A_392, %dma_start3A_393] : memref<64x32xf32, #tpu.memory_space<vmem>> -> memref<1x32xf32, #tpu.memory_space<vmem>>
      %dma_start3A_395 = arith.constant 0 : i32
      %dma_start3A_396 = tpu.memref_slice %arg5[%squeeze3A_386, %dma_start3A_395] : memref<100000x32xf32, #tpu.memory_space<hbm>> -> memref<1x32xf32, #tpu.memory_space<hbm>>
      tpu.enqueue_dma source(%dma_start3A_396 : memref<1x32xf32, #tpu.memory_space<hbm>>) target(%dma_start3A_394 : memref<1x32xf32, #tpu.memory_space<vmem>>) target_semaphore(%arg12 : memref<!tpu.dma_semaphore, #tpu.memory_space<semaphore_mem>>)
      %slice3A_397 = vector.extract_strided_slice %get3A_216 {offsets = [15], sizes = [1], strides = [1]} : vector<16xi32> to vector<1xi32>
      %squeeze3A_398 = vector.extract %slice3A_397[0] : i32 from vector<1xi32>
      %dma_start3A_399 = arith.constant 31 : i32
      %dma_start3A_400 = arith.constant 0 : i32
      %dma_start3A_401 = tpu.memref_slice %arg11[%dma_start3A_399, %dma_start3A_400] : memref<64x32xf32, #tpu.memory_space<vmem>> -> memref<1x32xf32, #tpu.memory_space<vmem>>
      %dma_start3A_402 = arith.constant 0 : i32
      %dma_start3A_403 = tpu.memref_slice %arg5[%squeeze3A_398, %dma_start3A_402] : memref<100000x32xf32, #tpu.memory_space<hbm>> -> memref<1x32xf32, #tpu.memory_space<hbm>>
      %dma_start3A_404 = arith.constant 31 : i32
      %dma_start3A_405 = arith.constant 0 : i32
      %dma_start3A_406 = tpu.memref_slice %arg11[%dma_start3A_404, %dma_start3A_405] : memref<64x32xf32, #tpu.memory_space<vmem>> -> memref<1x32xf32, #tpu.memory_space<vmem>>
      %dma_start3A_407 = arith.constant 0 : i32
      %dma_start3A_408 = tpu.memref_slice %arg5[%squeeze3A_398, %dma_start3A_407] : memref<100000x32xf32, #tpu.memory_space<hbm>> -> memref<1x32xf32, #tpu.memory_space<hbm>>
      tpu.enqueue_dma source(%dma_start3A_408 : memref<1x32xf32, #tpu.memory_space<hbm>>) target(%dma_start3A_406 : memref<1x32xf32, #tpu.memory_space<vmem>>) target_semaphore(%arg12 : memref<!tpu.dma_semaphore, #tpu.memory_space<semaphore_mem>>)
      %mul3A_409 = arith.constant 64 : i32
      %mul3A_410 = arith.muli %scan3A_14, %mul3A_409 : i32
      %add3A_411 = arith.constant 32 : i32
      %add3A_412 = arith.addi %mul3A_410, %add3A_411 : i32
      %get3A_413 = arith.index_cast %add3A_412 : i32 to index
      %get3A_414 = tpu.vector_load %arg9[%get3A_413] {strides = array<i32>} : memref<512xi32, #tpu.memory_space<vmem>>, vector<16xi32>,
      %get3A_415 = vector.shape_cast %get3A_414 : vector<16xi32> to vector<16xi32>
      %slice3A_416 = vector.extract_strided_slice %get3A_415 {offsets = [0], sizes = [1], strides = [1]} : vector<16xi32> to vector<1xi32>
      %squeeze3A_417 = vector.extract %slice3A_416[0] : i32 from vector<1xi32>
      %dma_start3A_418 = arith.constant 32 : i32
      %dma_start3A_419 = arith.constant 0 : i32
      %dma_start3A_420 = tpu.memref_slice %arg11[%dma_start3A_418, %dma_start3A_419] : memref<64x32xf32, #tpu.memory_space<vmem>> -> memref<1x32xf32, #tpu.memory_space<vmem>>
      %dma_start3A_421 = arith.constant 0 : i32
      %dma_start3A_422 = tpu.memref_slice %arg5[%squeeze3A_417, %dma_start3A_421] : memref<100000x32xf32, #tpu.memory_space<hbm>> -> memref<1x32xf32, #tpu.memory_space<hbm>>
      %dma_start3A_423 = arith.constant 32 : i32
      %dma_start3A_424 = arith.constant 0 : i32
      %dma_start3A_425 = tpu.memref_slice %arg11[%dma_start3A_423, %dma_start3A_424] : memref<64x32xf32, #tpu.memory_space<vmem>> -> memref<1x32xf32, #tpu.memory_space<vmem>>
      %dma_start3A_426 = arith.constant 0 : i32
      %dma_start3A_427 = tpu.memref_slice %arg5[%squeeze3A_417, %dma_start3A_426] : memref<100000x32xf32, #tpu.memory_space<hbm>> -> memref<1x32xf32, #tpu.memory_space<hbm>>
      tpu.enqueue_dma source(%dma_start3A_427 : memref<1x32xf32, #tpu.memory_space<hbm>>) target(%dma_start3A_425 : memref<1x32xf32, #tpu.memory_space<vmem>>) target_semaphore(%arg12 : memref<!tpu.dma_semaphore, #tpu.memory_space<semaphore_mem>>)
      %slice3A_428 = vector.extract_strided_slice %get3A_415 {offsets = [1], sizes = [1], strides = [1]} : vector<16xi32> to vector<1xi32>
      %squeeze3A_429 = vector.extract %slice3A_428[0] : i32 from vector<1xi32>
      %dma_start3A_430 = arith.constant 33 : i32
      %dma_start3A_431 = arith.constant 0 : i32
      %dma_start3A_432 = tpu.memref_slice %arg11[%dma_start3A_430, %dma_start3A_431] : memref<64x32xf32, #tpu.memory_space<vmem>> -> memref<1x32xf32, #tpu.memory_space<vmem>>
      %dma_start3A_433 = arith.constant 0 : i32
      %dma_start3A_434 = tpu.memref_slice %arg5[%squeeze3A_429, %dma_start3A_433] : memref<100000x32xf32, #tpu.memory_space<hbm>> -> memref<1x32xf32, #tpu.memory_space<hbm>>
      %dma_start3A_435 = arith.constant 33 : i32
      %dma_start3A_436 = arith.constant 0 : i32
      %dma_start3A_437 = tpu.memref_slice %arg11[%dma_start3A_435, %dma_start3A_436] : memref<64x32xf32, #tpu.memory_space<vmem>> -> memref<1x32xf32, #tpu.memory_space<vmem>>
      %dma_start3A_438 = arith.constant 0 : i32
      %dma_start3A_439 = tpu.memref_slice %arg5[%squeeze3A_429, %dma_start3A_438] : memref<100000x32xf32, #tpu.memory_space<hbm>> -> memref<1x32xf32, #tpu.memory_space<hbm>>
      tpu.enqueue_dma source(%dma_start3A_439 : memref<1x32xf32, #tpu.memory_space<hbm>>) target(%dma_start3A_437 : memref<1x32xf32, #tpu.memory_space<vmem>>) target_semaphore(%arg12 : memref<!tpu.dma_semaphore, #tpu.memory_space<semaphore_mem>>)
      %slice3A_440 = vector.extract_strided_slice %get3A_415 {offsets = [2], sizes = [1], strides = [1]} : vector<16xi32> to vector<1xi32>
      %squeeze3A_441 = vector.extract %slice3A_440[0] : i32 from vector<1xi32>
      %dma_start3A_442 = arith.constant 34 : i32
      %dma_start3A_443 = arith.constant 0 : i32
      %dma_start3A_444 = tpu.memref_slice %arg11[%dma_start3A_442, %dma_start3A_443] : memref<64x32xf32, #tpu.memory_space<vmem>> -> memref<1x32xf32, #tpu.memory_space<vmem>>
      %dma_start3A_445 = arith.constant 0 : i32
      %dma_start3A_446 = tpu.memref_slice %arg5[%squeeze3A_441, %dma_start3A_445] : memref<100000x32xf32, #tpu.memory_space<hbm>> -> memref<1x32xf32, #tpu.memory_space<hbm>>
      %dma_start3A_447 = arith.constant 34 : i32
      %dma_start3A_448 = arith.constant 0 : i32
      %dma_start3A_449 = tpu.memref_slice %arg11[%dma_start3A_447, %dma_start3A_448] : memref<64x32xf32, #tpu.memory_space<vmem>> -> memref<1x32xf32, #tpu.memory_space<vmem>>
      %dma_start3A_450 = arith.constant 0 : i32
      %dma_start3A_451 = tpu.memref_slice %arg5[%squeeze3A_441, %dma_start3A_450] : memref<100000x32xf32, #tpu.memory_space<hbm>> -> memref<1x32xf32, #tpu.memory_space<hbm>>
      tpu.enqueue_dma source(%dma_start3A_451 : memref<1x32xf32, #tpu.memory_space<hbm>>) target(%dma_start3A_449 : memref<1x32xf32, #tpu.memory_space<vmem>>) target_semaphore(%arg12 : memref<!tpu.dma_semaphore, #tpu.memory_space<semaphore_mem>>)
      %slice3A_452 = vector.extract_strided_slice %get3A_415 {offsets = [3], sizes = [1], strides = [1]} : vector<16xi32> to vector<1xi32>
      %squeeze3A_453 = vector.extract %slice3A_452[0] : i32 from vector<1xi32>
      %dma_start3A_454 = arith.constant 35 : i32
      %dma_start3A_455 = arith.constant 0 : i32
      %dma_start3A_456 = tpu.memref_slice %arg11[%dma_start3A_454, %dma_start3A_455] : memref<64x32xf32, #tpu.memory_space<vmem>> -> memref<1x32xf32, #tpu.memory_space<vmem>>
      %dma_start3A_457 = arith.constant 0 : i32
      %dma_start3A_458 = tpu.memref_slice %arg5[%squeeze3A_453, %dma_start3A_457] : memref<100000x32xf32, #tpu.memory_space<hbm>> -> memref<1x32xf32, #tpu.memory_space<hbm>>
      %dma_start3A_459 = arith.constant 35 : i32
      %dma_start3A_460 = arith.constant 0 : i32
      %dma_start3A_461 = tpu.memref_slice %arg11[%dma_start3A_459, %dma_start3A_460] : memref<64x32xf32, #tpu.memory_space<vmem>> -> memref<1x32xf32, #tpu.memory_space<vmem>>
      %dma_start3A_462 = arith.constant 0 : i32
      %dma_start3A_463 = tpu.memref_slice %arg5[%squeeze3A_453, %dma_start3A_462] : memref<100000x32xf32, #tpu.memory_space<hbm>> -> memref<1x32xf32, #tpu.memory_space<hbm>>
      tpu.enqueue_dma source(%dma_start3A_463 : memref<1x32xf32, #tpu.memory_space<hbm>>) target(%dma_start3A_461 : memref<1x32xf32, #tpu.memory_space<vmem>>) target_semaphore(%arg12 : memref<!tpu.dma_semaphore, #tpu.memory_space<semaphore_mem>>)
      %slice3A_464 = vector.extract_strided_slice %get3A_415 {offsets = [4], sizes = [1], strides = [1]} : vector<16xi32> to vector<1xi32>
      %squeeze3A_465 = vector.extract %slice3A_464[0] : i32 from vector<1xi32>
      %dma_start3A_466 = arith.constant 36 : i32
      %dma_start3A_467 = arith.constant 0 : i32
      %dma_start3A_468 = tpu.memref_slice %arg11[%dma_start3A_466, %dma_start3A_467] : memref<64x32xf32, #tpu.memory_space<vmem>> -> memref<1x32xf32, #tpu.memory_space<vmem>>
      %dma_start3A_469 = arith.constant 0 : i32
      %dma_start3A_470 = tpu.memref_slice %arg5[%squeeze3A_465, %dma_start3A_469] : memref<100000x32xf32, #tpu.memory_space<hbm>> -> memref<1x32xf32, #tpu.memory_space<hbm>>
      %dma_start3A_471 = arith.constant 36 : i32
      %dma_start3A_472 = arith.constant 0 : i32
      %dma_start3A_473 = tpu.memref_slice %arg11[%dma_start3A_471, %dma_start3A_472] : memref<64x32xf32, #tpu.memory_space<vmem>> -> memref<1x32xf32, #tpu.memory_space<vmem>>
      %dma_start3A_474 = arith.constant 0 : i32
      %dma_start3A_475 = tpu.memref_slice %arg5[%squeeze3A_465, %dma_start3A_474] : memref<100000x32xf32, #tpu.memory_space<hbm>> -> memref<1x32xf32, #tpu.memory_space<hbm>>
      tpu.enqueue_dma source(%dma_start3A_475 : memref<1x32xf32, #tpu.memory_space<hbm>>) target(%dma_start3A_473 : memref<1x32xf32, #tpu.memory_space<vmem>>) target_semaphore(%arg12 : memref<!tpu.dma_semaphore, #tpu.memory_space<semaphore_mem>>)
      %slice3A_476 = vector.extract_strided_slice %get3A_415 {offsets = [5], sizes = [1], strides = [1]} : vector<16xi32> to vector<1xi32>
      %squeeze3A_477 = vector.extract %slice3A_476[0] : i32 from vector<1xi32>
      %dma_start3A_478 = arith.constant 37 : i32
      %dma_start3A_479 = arith.constant 0 : i32
      %dma_start3A_480 = tpu.memref_slice %arg11[%dma_start3A_478, %dma_start3A_479] : memref<64x32xf32, #tpu.memory_space<vmem>> -> memref<1x32xf32, #tpu.memory_space<vmem>>
      %dma_start3A_481 = arith.constant 0 : i32
      %dma_start3A_482 = tpu.memref_slice %arg5[%squeeze3A_477, %dma_start3A_481] : memref<100000x32xf32, #tpu.memory_space<hbm>> -> memref<1x32xf32, #tpu.memory_space<hbm>>
      %dma_start3A_483 = arith.constant 37 : i32
      %dma_start3A_484 = arith.constant 0 : i32
      %dma_start3A_485 = tpu.memref_slice %arg11[%dma_start3A_483, %dma_start3A_484] : memref<64x32xf32, #tpu.memory_space<vmem>> -> memref<1x32xf32, #tpu.memory_space<vmem>>
      %dma_start3A_486 = arith.constant 0 : i32
      %dma_start3A_487 = tpu.memref_slice %arg5[%squeeze3A_477, %dma_start3A_486] : memref<100000x32xf32, #tpu.memory_space<hbm>> -> memref<1x32xf32, #tpu.memory_space<hbm>>
      tpu.enqueue_dma source(%dma_start3A_487 : memref<1x32xf32, #tpu.memory_space<hbm>>) target(%dma_start3A_485 : memref<1x32xf32, #tpu.memory_space<vmem>>) target_semaphore(%arg12 : memref<!tpu.dma_semaphore, #tpu.memory_space<semaphore_mem>>)
      %slice3A_488 = vector.extract_strided_slice %get3A_415 {offsets = [6], sizes = [1], strides = [1]} : vector<16xi32> to vector<1xi32>
      %squeeze3A_489 = vector.extract %slice3A_488[0] : i32 from vector<1xi32>
      %dma_start3A_490 = arith.constant 38 : i32
      %dma_start3A_491 = arith.constant 0 : i32
      %dma_start3A_492 = tpu.memref_slice %arg11[%dma_start3A_490, %dma_start3A_491] : memref<64x32xf32, #tpu.memory_space<vmem>> -> memref<1x32xf32, #tpu.memory_space<vmem>>
      %dma_start3A_493 = arith.constant 0 : i32
      %dma_start3A_494 = tpu.memref_slice %arg5[%squeeze3A_489, %dma_start3A_493] : memref<100000x32xf32, #tpu.memory_space<hbm>> -> memref<1x32xf32, #tpu.memory_space<hbm>>
      %dma_start3A_495 = arith.constant 38 : i32
      %dma_start3A_496 = arith.constant 0 : i32
      %dma_start3A_497 = tpu.memref_slice %arg11[%dma_start3A_495, %dma_start3A_496] : memref<64x32xf32, #tpu.memory_space<vmem>> -> memref<1x32xf32, #tpu.memory_space<vmem>>
      %dma_start3A_498 = arith.constant 0 : i32
      %dma_start3A_499 = tpu.memref_slice %arg5[%squeeze3A_489, %dma_start3A_498] : memref<100000x32xf32, #tpu.memory_space<hbm>> -> memref<1x32xf32, #tpu.memory_space<hbm>>
      tpu.enqueue_dma source(%dma_start3A_499 : memref<1x32xf32, #tpu.memory_space<hbm>>) target(%dma_start3A_497 : memref<1x32xf32, #tpu.memory_space<vmem>>) target_semaphore(%arg12 : memref<!tpu.dma_semaphore, #tpu.memory_space<semaphore_mem>>)
      %slice3A_500 = vector.extract_strided_slice %get3A_415 {offsets = [7], sizes = [1], strides = [1]} : vector<16xi32> to vector<1xi32>
      %squeeze3A_501 = vector.extract %slice3A_500[0] : i32 from vector<1xi32>
      %dma_start3A_502 = arith.constant 39 : i32
      %dma_start3A_503 = arith.constant 0 : i32
      %dma_start3A_504 = tpu.memref_slice %arg11[%dma_start3A_502, %dma_start3A_503] : memref<64x32xf32, #tpu.memory_space<vmem>> -> memref<1x32xf32, #tpu.memory_space<vmem>>
      %dma_start3A_505 = arith.constant 0 : i32
      %dma_start3A_506 = tpu.memref_slice %arg5[%squeeze3A_501, %dma_start3A_505] : memref<100000x32xf32, #tpu.memory_space<hbm>> -> memref<1x32xf32, #tpu.memory_space<hbm>>
      %dma_start3A_507 = arith.constant 39 : i32
      %dma_start3A_508 = arith.constant 0 : i32
      %dma_start3A_509 = tpu.memref_slice %arg11[%dma_start3A_507, %dma_start3A_508] : memref<64x32xf32, #tpu.memory_space<vmem>> -> memref<1x32xf32, #tpu.memory_space<vmem>>
      %dma_start3A_510 = arith.constant 0 : i32
      %dma_start3A_511 = tpu.memref_slice %arg5[%squeeze3A_501, %dma_start3A_510] : memref<100000x32xf32, #tpu.memory_space<hbm>> -> memref<1x32xf32, #tpu.memory_space<hbm>>
      tpu.enqueue_dma source(%dma_start3A_511 : memref<1x32xf32, #tpu.memory_space<hbm>>) target(%dma_start3A_509 : memref<1x32xf32, #tpu.memory_space<vmem>>) target_semaphore(%arg12 : memref<!tpu.dma_semaphore, #tpu.memory_space<semaphore_mem>>)
      %slice3A_512 = vector.extract_strided_slice %get3A_415 {offsets = [8], sizes = [1], strides = [1]} : vector<16xi32> to vector<1xi32>
      %squeeze3A_513 = vector.extract %slice3A_512[0] : i32 from vector<1xi32>
      %dma_start3A_514 = arith.constant 40 : i32
      %dma_start3A_515 = arith.constant 0 : i32
      %dma_start3A_516 = tpu.memref_slice %arg11[%dma_start3A_514, %dma_start3A_515] : memref<64x32xf32, #tpu.memory_space<vmem>> -> memref<1x32xf32, #tpu.memory_space<vmem>>
      %dma_start3A_517 = arith.constant 0 : i32
      %dma_start3A_518 = tpu.memref_slice %arg5[%squeeze3A_513, %dma_start3A_517] : memref<100000x32xf32, #tpu.memory_space<hbm>> -> memref<1x32xf32, #tpu.memory_space<hbm>>
      %dma_start3A_519 = arith.constant 40 : i32
      %dma_start3A_520 = arith.constant 0 : i32
      %dma_start3A_521 = tpu.memref_slice %arg11[%dma_start3A_519, %dma_start3A_520] : memref<64x32xf32, #tpu.memory_space<vmem>> -> memref<1x32xf32, #tpu.memory_space<vmem>>
      %dma_start3A_522 = arith.constant 0 : i32
      %dma_start3A_523 = tpu.memref_slice %arg5[%squeeze3A_513, %dma_start3A_522] : memref<100000x32xf32, #tpu.memory_space<hbm>> -> memref<1x32xf32, #tpu.memory_space<hbm>>
      tpu.enqueue_dma source(%dma_start3A_523 : memref<1x32xf32, #tpu.memory_space<hbm>>) target(%dma_start3A_521 : memref<1x32xf32, #tpu.memory_space<vmem>>) target_semaphore(%arg12 : memref<!tpu.dma_semaphore, #tpu.memory_space<semaphore_mem>>)
      %slice3A_524 = vector.extract_strided_slice %get3A_415 {offsets = [9], sizes = [1], strides = [1]} : vector<16xi32> to vector<1xi32>
      %squeeze3A_525 = vector.extract %slice3A_524[0] : i32 from vector<1xi32>
      %dma_start3A_526 = arith.constant 41 : i32
      %dma_start3A_527 = arith.constant 0 : i32
      %dma_start3A_528 = tpu.memref_slice %arg11[%dma_start3A_526, %dma_start3A_527] : memref<64x32xf32, #tpu.memory_space<vmem>> -> memref<1x32xf32, #tpu.memory_space<vmem>>
      %dma_start3A_529 = arith.constant 0 : i32
      %dma_start3A_530 = tpu.memref_slice %arg5[%squeeze3A_525, %dma_start3A_529] : memref<100000x32xf32, #tpu.memory_space<hbm>> -> memref<1x32xf32, #tpu.memory_space<hbm>>
      %dma_start3A_531 = arith.constant 41 : i32
      %dma_start3A_532 = arith.constant 0 : i32
      %dma_start3A_533 = tpu.memref_slice %arg11[%dma_start3A_531, %dma_start3A_532] : memref<64x32xf32, #tpu.memory_space<vmem>> -> memref<1x32xf32, #tpu.memory_space<vmem>>
      %dma_start3A_534 = arith.constant 0 : i32
      %dma_start3A_535 = tpu.memref_slice %arg5[%squeeze3A_525, %dma_start3A_534] : memref<100000x32xf32, #tpu.memory_space<hbm>> -> memref<1x32xf32, #tpu.memory_space<hbm>>
      tpu.enqueue_dma source(%dma_start3A_535 : memref<1x32xf32, #tpu.memory_space<hbm>>) target(%dma_start3A_533 : memref<1x32xf32, #tpu.memory_space<vmem>>) target_semaphore(%arg12 : memref<!tpu.dma_semaphore, #tpu.memory_space<semaphore_mem>>)
      %slice3A_536 = vector.extract_strided_slice %get3A_415 {offsets = [10], sizes = [1], strides = [1]} : vector<16xi32> to vector<1xi32>
      %squeeze3A_537 = vector.extract %slice3A_536[0] : i32 from vector<1xi32>
      %dma_start3A_538 = arith.constant 42 : i32
      %dma_start3A_539 = arith.constant 0 : i32
      %dma_start3A_540 = tpu.memref_slice %arg11[%dma_start3A_538, %dma_start3A_539] : memref<64x32xf32, #tpu.memory_space<vmem>> -> memref<1x32xf32, #tpu.memory_space<vmem>>
      %dma_start3A_541 = arith.constant 0 : i32
      %dma_start3A_542 = tpu.memref_slice %arg5[%squeeze3A_537, %dma_start3A_541] : memref<100000x32xf32, #tpu.memory_space<hbm>> -> memref<1x32xf32, #tpu.memory_space<hbm>>
      %dma_start3A_543 = arith.constant 42 : i32
      %dma_start3A_544 = arith.constant 0 : i32
      %dma_start3A_545 = tpu.memref_slice %arg11[%dma_start3A_543, %dma_start3A_544] : memref<64x32xf32, #tpu.memory_space<vmem>> -> memref<1x32xf32, #tpu.memory_space<vmem>>
      %dma_start3A_546 = arith.constant 0 : i32
      %dma_start3A_547 = tpu.memref_slice %arg5[%squeeze3A_537, %dma_start3A_546] : memref<100000x32xf32, #tpu.memory_space<hbm>> -> memref<1x32xf32, #tpu.memory_space<hbm>>
      tpu.enqueue_dma source(%dma_start3A_547 : memref<1x32xf32, #tpu.memory_space<hbm>>) target(%dma_start3A_545 : memref<1x32xf32, #tpu.memory_space<vmem>>) target_semaphore(%arg12 : memref<!tpu.dma_semaphore, #tpu.memory_space<semaphore_mem>>)
      %slice3A_548 = vector.extract_strided_slice %get3A_415 {offsets = [11], sizes = [1], strides = [1]} : vector<16xi32> to vector<1xi32>
      %squeeze3A_549 = vector.extract %slice3A_548[0] : i32 from vector<1xi32>
      %dma_start3A_550 = arith.constant 43 : i32
      %dma_start3A_551 = arith.constant 0 : i32
      %dma_start3A_552 = tpu.memref_slice %arg11[%dma_start3A_550, %dma_start3A_551] : memref<64x32xf32, #tpu.memory_space<vmem>> -> memref<1x32xf32, #tpu.memory_space<vmem>>
      %dma_start3A_553 = arith.constant 0 : i32
      %dma_start3A_554 = tpu.memref_slice %arg5[%squeeze3A_549, %dma_start3A_553] : memref<100000x32xf32, #tpu.memory_space<hbm>> -> memref<1x32xf32, #tpu.memory_space<hbm>>
      %dma_start3A_555 = arith.constant 43 : i32
      %dma_start3A_556 = arith.constant 0 : i32
      %dma_start3A_557 = tpu.memref_slice %arg11[%dma_start3A_555, %dma_start3A_556] : memref<64x32xf32, #tpu.memory_space<vmem>> -> memref<1x32xf32, #tpu.memory_space<vmem>>
      %dma_start3A_558 = arith.constant 0 : i32
      %dma_start3A_559 = tpu.memref_slice %arg5[%squeeze3A_549, %dma_start3A_558] : memref<100000x32xf32, #tpu.memory_space<hbm>> -> memref<1x32xf32, #tpu.memory_space<hbm>>
      tpu.enqueue_dma source(%dma_start3A_559 : memref<1x32xf32, #tpu.memory_space<hbm>>) target(%dma_start3A_557 : memref<1x32xf32, #tpu.memory_space<vmem>>) target_semaphore(%arg12 : memref<!tpu.dma_semaphore, #tpu.memory_space<semaphore_mem>>)
      %slice3A_560 = vector.extract_strided_slice %get3A_415 {offsets = [12], sizes = [1], strides = [1]} : vector<16xi32> to vector<1xi32>
      %squeeze3A_561 = vector.extract %slice3A_560[0] : i32 from vector<1xi32>
      %dma_start3A_562 = arith.constant 44 : i32
      %dma_start3A_563 = arith.constant 0 : i32
      %dma_start3A_564 = tpu.memref_slice %arg11[%dma_start3A_562, %dma_start3A_563] : memref<64x32xf32, #tpu.memory_space<vmem>> -> memref<1x32xf32, #tpu.memory_space<vmem>>
      %dma_start3A_565 = arith.constant 0 : i32
      %dma_start3A_566 = tpu.memref_slice %arg5[%squeeze3A_561, %dma_start3A_565] : memref<100000x32xf32, #tpu.memory_space<hbm>> -> memref<1x32xf32, #tpu.memory_space<hbm>>
      %dma_start3A_567 = arith.constant 44 : i32
      %dma_start3A_568 = arith.constant 0 : i32
      %dma_start3A_569 = tpu.memref_slice %arg11[%dma_start3A_567, %dma_start3A_568] : memref<64x32xf32, #tpu.memory_space<vmem>> -> memref<1x32xf32, #tpu.memory_space<vmem>>
      %dma_start3A_570 = arith.constant 0 : i32
      %dma_start3A_571 = tpu.memref_slice %arg5[%squeeze3A_561, %dma_start3A_570] : memref<100000x32xf32, #tpu.memory_space<hbm>> -> memref<1x32xf32, #tpu.memory_space<hbm>>
      tpu.enqueue_dma source(%dma_start3A_571 : memref<1x32xf32, #tpu.memory_space<hbm>>) target(%dma_start3A_569 : memref<1x32xf32, #tpu.memory_space<vmem>>) target_semaphore(%arg12 : memref<!tpu.dma_semaphore, #tpu.memory_space<semaphore_mem>>)
      %slice3A_572 = vector.extract_strided_slice %get3A_415 {offsets = [13], sizes = [1], strides = [1]} : vector<16xi32> to vector<1xi32>
      %squeeze3A_573 = vector.extract %slice3A_572[0] : i32 from vector<1xi32>
      %dma_start3A_574 = arith.constant 45 : i32
      %dma_start3A_575 = arith.constant 0 : i32
      %dma_start3A_576 = tpu.memref_slice %arg11[%dma_start3A_574, %dma_start3A_575] : memref<64x32xf32, #tpu.memory_space<vmem>> -> memref<1x32xf32, #tpu.memory_space<vmem>>
      %dma_start3A_577 = arith.constant 0 : i32
      %dma_start3A_578 = tpu.memref_slice %arg5[%squeeze3A_573, %dma_start3A_577] : memref<100000x32xf32, #tpu.memory_space<hbm>> -> memref<1x32xf32, #tpu.memory_space<hbm>>
      %dma_start3A_579 = arith.constant 45 : i32
      %dma_start3A_580 = arith.constant 0 : i32
      %dma_start3A_581 = tpu.memref_slice %arg11[%dma_start3A_579, %dma_start3A_580] : memref<64x32xf32, #tpu.memory_space<vmem>> -> memref<1x32xf32, #tpu.memory_space<vmem>>
      %dma_start3A_582 = arith.constant 0 : i32
      %dma_start3A_583 = tpu.memref_slice %arg5[%squeeze3A_573, %dma_start3A_582] : memref<100000x32xf32, #tpu.memory_space<hbm>> -> memref<1x32xf32, #tpu.memory_space<hbm>>
      tpu.enqueue_dma source(%dma_start3A_583 : memref<1x32xf32, #tpu.memory_space<hbm>>) target(%dma_start3A_581 : memref<1x32xf32, #tpu.memory_space<vmem>>) target_semaphore(%arg12 : memref<!tpu.dma_semaphore, #tpu.memory_space<semaphore_mem>>)
      %slice3A_584 = vector.extract_strided_slice %get3A_415 {offsets = [14], sizes = [1], strides = [1]} : vector<16xi32> to vector<1xi32>
      %squeeze3A_585 = vector.extract %slice3A_584[0] : i32 from vector<1xi32>
      %dma_start3A_586 = arith.constant 46 : i32
      %dma_start3A_587 = arith.constant 0 : i32
      %dma_start3A_588 = tpu.memref_slice %arg11[%dma_start3A_586, %dma_start3A_587] : memref<64x32xf32, #tpu.memory_space<vmem>> -> memref<1x32xf32, #tpu.memory_space<vmem>>
      %dma_start3A_589 = arith.constant 0 : i32
      %dma_start3A_590 = tpu.memref_slice %arg5[%squeeze3A_585, %dma_start3A_589] : memref<100000x32xf32, #tpu.memory_space<hbm>> -> memref<1x32xf32, #tpu.memory_space<hbm>>
      %dma_start3A_591 = arith.constant 46 : i32
      %dma_start3A_592 = arith.constant 0 : i32
      %dma_start3A_593 = tpu.memref_slice %arg11[%dma_start3A_591, %dma_start3A_592] : memref<64x32xf32, #tpu.memory_space<vmem>> -> memref<1x32xf32, #tpu.memory_space<vmem>>
      %dma_start3A_594 = arith.constant 0 : i32
      %dma_start3A_595 = tpu.memref_slice %arg5[%squeeze3A_585, %dma_start3A_594] : memref<100000x32xf32, #tpu.memory_space<hbm>> -> memref<1x32xf32, #tpu.memory_space<hbm>>
      tpu.enqueue_dma source(%dma_start3A_595 : memref<1x32xf32, #tpu.memory_space<hbm>>) target(%dma_start3A_593 : memref<1x32xf32, #tpu.memory_space<vmem>>) target_semaphore(%arg12 : memref<!tpu.dma_semaphore, #tpu.memory_space<semaphore_mem>>)
      %slice3A_596 = vector.extract_strided_slice %get3A_415 {offsets = [15], sizes = [1], strides = [1]} : vector<16xi32> to vector<1xi32>
      %squeeze3A_597 = vector.extract %slice3A_596[0] : i32 from vector<1xi32>
      %dma_start3A_598 = arith.constant 47 : i32
      %dma_start3A_599 = arith.constant 0 : i32
      %dma_start3A_600 = tpu.memref_slice %arg11[%dma_start3A_598, %dma_start3A_599] : memref<64x32xf32, #tpu.memory_space<vmem>> -> memref<1x32xf32, #tpu.memory_space<vmem>>
      %dma_start3A_601 = arith.constant 0 : i32
      %dma_start3A_602 = tpu.memref_slice %arg5[%squeeze3A_597, %dma_start3A_601] : memref<100000x32xf32, #tpu.memory_space<hbm>> -> memref<1x32xf32, #tpu.memory_space<hbm>>
      %dma_start3A_603 = arith.constant 47 : i32
      %dma_start3A_604 = arith.constant 0 : i32
      %dma_start3A_605 = tpu.memref_slice %arg11[%dma_start3A_603, %dma_start3A_604] : memref<64x32xf32, #tpu.memory_space<vmem>> -> memref<1x32xf32, #tpu.memory_space<vmem>>
      %dma_start3A_606 = arith.constant 0 : i32
      %dma_start3A_607 = tpu.memref_slice %arg5[%squeeze3A_597, %dma_start3A_606] : memref<100000x32xf32, #tpu.memory_space<hbm>> -> memref<1x32xf32, #tpu.memory_space<hbm>>
      tpu.enqueue_dma source(%dma_start3A_607 : memref<1x32xf32, #tpu.memory_space<hbm>>) target(%dma_start3A_605 : memref<1x32xf32, #tpu.memory_space<vmem>>) target_semaphore(%arg12 : memref<!tpu.dma_semaphore, #tpu.memory_space<semaphore_mem>>)
      %mul3A_608 = arith.constant 64 : i32
      %mul3A_609 = arith.muli %scan3A_14, %mul3A_608 : i32
      %add3A_610 = arith.constant 48 : i32
      %add3A_611 = arith.addi %mul3A_609, %add3A_610 : i32
      %get3A_612 = arith.index_cast %add3A_611 : i32 to index
      %get3A_613 = tpu.vector_load %arg9[%get3A_612] {strides = array<i32>} : memref<512xi32, #tpu.memory_space<vmem>>, vector<16xi32>,
      %get3A_614 = vector.shape_cast %get3A_613 : vector<16xi32> to vector<16xi32>
      %slice3A_615 = vector.extract_strided_slice %get3A_614 {offsets = [0], sizes = [1], strides = [1]} : vector<16xi32> to vector<1xi32>
      %squeeze3A_616 = vector.extract %slice3A_615[0] : i32 from vector<1xi32>
      %dma_start3A_617 = arith.constant 48 : i32
      %dma_start3A_618 = arith.constant 0 : i32
      %dma_start3A_619 = tpu.memref_slice %arg11[%dma_start3A_617, %dma_start3A_618] : memref<64x32xf32, #tpu.memory_space<vmem>> -> memref<1x32xf32, #tpu.memory_space<vmem>>
      %dma_start3A_620 = arith.constant 0 : i32
      %dma_start3A_621 = tpu.memref_slice %arg5[%squeeze3A_616, %dma_start3A_620] : memref<100000x32xf32, #tpu.memory_space<hbm>> -> memref<1x32xf32, #tpu.memory_space<hbm>>
      %dma_start3A_622 = arith.constant 48 : i32
      %dma_start3A_623 = arith.constant 0 : i32
      %dma_start3A_624 = tpu.memref_slice %arg11[%dma_start3A_622, %dma_start3A_623] : memref<64x32xf32, #tpu.memory_space<vmem>> -> memref<1x32xf32, #tpu.memory_space<vmem>>
      %dma_start3A_625 = arith.constant 0 : i32
      %dma_start3A_626 = tpu.memref_slice %arg5[%squeeze3A_616, %dma_start3A_625] : memref<100000x32xf32, #tpu.memory_space<hbm>> -> memref<1x32xf32, #tpu.memory_space<hbm>>
      tpu.enqueue_dma source(%dma_start3A_626 : memref<1x32xf32, #tpu.memory_space<hbm>>) target(%dma_start3A_624 : memref<1x32xf32, #tpu.memory_space<vmem>>) target_semaphore(%arg12 : memref<!tpu.dma_semaphore, #tpu.memory_space<semaphore_mem>>)
      %slice3A_627 = vector.extract_strided_slice %get3A_614 {offsets = [1], sizes = [1], strides = [1]} : vector<16xi32> to vector<1xi32>
      %squeeze3A_628 = vector.extract %slice3A_627[0] : i32 from vector<1xi32>
      %dma_start3A_629 = arith.constant 49 : i32
      %dma_start3A_630 = arith.constant 0 : i32
      %dma_start3A_631 = tpu.memref_slice %arg11[%dma_start3A_629, %dma_start3A_630] : memref<64x32xf32, #tpu.memory_space<vmem>> -> memref<1x32xf32, #tpu.memory_space<vmem>>
      %dma_start3A_632 = arith.constant 0 : i32
      %dma_start3A_633 = tpu.memref_slice %arg5[%squeeze3A_628, %dma_start3A_632] : memref<100000x32xf32, #tpu.memory_space<hbm>> -> memref<1x32xf32, #tpu.memory_space<hbm>>
      %dma_start3A_634 = arith.constant 49 : i32
      %dma_start3A_635 = arith.constant 0 : i32
      %dma_start3A_636 = tpu.memref_slice %arg11[%dma_start3A_634, %dma_start3A_635] : memref<64x32xf32, #tpu.memory_space<vmem>> -> memref<1x32xf32, #tpu.memory_space<vmem>>
      %dma_start3A_637 = arith.constant 0 : i32
      %dma_start3A_638 = tpu.memref_slice %arg5[%squeeze3A_628, %dma_start3A_637] : memref<100000x32xf32, #tpu.memory_space<hbm>> -> memref<1x32xf32, #tpu.memory_space<hbm>>
      tpu.enqueue_dma source(%dma_start3A_638 : memref<1x32xf32, #tpu.memory_space<hbm>>) target(%dma_start3A_636 : memref<1x32xf32, #tpu.memory_space<vmem>>) target_semaphore(%arg12 : memref<!tpu.dma_semaphore, #tpu.memory_space<semaphore_mem>>)
      %slice3A_639 = vector.extract_strided_slice %get3A_614 {offsets = [2], sizes = [1], strides = [1]} : vector<16xi32> to vector<1xi32>
      %squeeze3A_640 = vector.extract %slice3A_639[0] : i32 from vector<1xi32>
      %dma_start3A_641 = arith.constant 50 : i32
      %dma_start3A_642 = arith.constant 0 : i32
      %dma_start3A_643 = tpu.memref_slice %arg11[%dma_start3A_641, %dma_start3A_642] : memref<64x32xf32, #tpu.memory_space<vmem>> -> memref<1x32xf32, #tpu.memory_space<vmem>>
      %dma_start3A_644 = arith.constant 0 : i32
      %dma_start3A_645 = tpu.memref_slice %arg5[%squeeze3A_640, %dma_start3A_644] : memref<100000x32xf32, #tpu.memory_space<hbm>> -> memref<1x32xf32, #tpu.memory_space<hbm>>
      %dma_start3A_646 = arith.constant 50 : i32
      %dma_start3A_647 = arith.constant 0 : i32
      %dma_start3A_648 = tpu.memref_slice %arg11[%dma_start3A_646, %dma_start3A_647] : memref<64x32xf32, #tpu.memory_space<vmem>> -> memref<1x32xf32, #tpu.memory_space<vmem>>
      %dma_start3A_649 = arith.constant 0 : i32
      %dma_start3A_650 = tpu.memref_slice %arg5[%squeeze3A_640, %dma_start3A_649] : memref<100000x32xf32, #tpu.memory_space<hbm>> -> memref<1x32xf32, #tpu.memory_space<hbm>>
      tpu.enqueue_dma source(%dma_start3A_650 : memref<1x32xf32, #tpu.memory_space<hbm>>) target(%dma_start3A_648 : memref<1x32xf32, #tpu.memory_space<vmem>>) target_semaphore(%arg12 : memref<!tpu.dma_semaphore, #tpu.memory_space<semaphore_mem>>)
      %slice3A_651 = vector.extract_strided_slice %get3A_614 {offsets = [3], sizes = [1], strides = [1]} : vector<16xi32> to vector<1xi32>
      %squeeze3A_652 = vector.extract %slice3A_651[0] : i32 from vector<1xi32>
      %dma_start3A_653 = arith.constant 51 : i32
      %dma_start3A_654 = arith.constant 0 : i32
      %dma_start3A_655 = tpu.memref_slice %arg11[%dma_start3A_653, %dma_start3A_654] : memref<64x32xf32, #tpu.memory_space<vmem>> -> memref<1x32xf32, #tpu.memory_space<vmem>>
      %dma_start3A_656 = arith.constant 0 : i32
      %dma_start3A_657 = tpu.memref_slice %arg5[%squeeze3A_652, %dma_start3A_656] : memref<100000x32xf32, #tpu.memory_space<hbm>> -> memref<1x32xf32, #tpu.memory_space<hbm>>
      %dma_start3A_658 = arith.constant 51 : i32
      %dma_start3A_659 = arith.constant 0 : i32
      %dma_start3A_660 = tpu.memref_slice %arg11[%dma_start3A_658, %dma_start3A_659] : memref<64x32xf32, #tpu.memory_space<vmem>> -> memref<1x32xf32, #tpu.memory_space<vmem>>
      %dma_start3A_661 = arith.constant 0 : i32
      %dma_start3A_662 = tpu.memref_slice %arg5[%squeeze3A_652, %dma_start3A_661] : memref<100000x32xf32, #tpu.memory_space<hbm>> -> memref<1x32xf32, #tpu.memory_space<hbm>>
      tpu.enqueue_dma source(%dma_start3A_662 : memref<1x32xf32, #tpu.memory_space<hbm>>) target(%dma_start3A_660 : memref<1x32xf32, #tpu.memory_space<vmem>>) target_semaphore(%arg12 : memref<!tpu.dma_semaphore, #tpu.memory_space<semaphore_mem>>)
      %slice3A_663 = vector.extract_strided_slice %get3A_614 {offsets = [4], sizes = [1], strides = [1]} : vector<16xi32> to vector<1xi32>
      %squeeze3A_664 = vector.extract %slice3A_663[0] : i32 from vector<1xi32>
      %dma_start3A_665 = arith.constant 52 : i32
      %dma_start3A_666 = arith.constant 0 : i32
      %dma_start3A_667 = tpu.memref_slice %arg11[%dma_start3A_665, %dma_start3A_666] : memref<64x32xf32, #tpu.memory_space<vmem>> -> memref<1x32xf32, #tpu.memory_space<vmem>>
      %dma_start3A_668 = arith.constant 0 : i32
      %dma_start3A_669 = tpu.memref_slice %arg5[%squeeze3A_664, %dma_start3A_668] : memref<100000x32xf32, #tpu.memory_space<hbm>> -> memref<1x32xf32, #tpu.memory_space<hbm>>
      %dma_start3A_670 = arith.constant 52 : i32
      %dma_start3A_671 = arith.constant 0 : i32
      %dma_start3A_672 = tpu.memref_slice %arg11[%dma_start3A_670, %dma_start3A_671] : memref<64x32xf32, #tpu.memory_space<vmem>> -> memref<1x32xf32, #tpu.memory_space<vmem>>
      %dma_start3A_673 = arith.constant 0 : i32
      %dma_start3A_674 = tpu.memref_slice %arg5[%squeeze3A_664, %dma_start3A_673] : memref<100000x32xf32, #tpu.memory_space<hbm>> -> memref<1x32xf32, #tpu.memory_space<hbm>>
      tpu.enqueue_dma source(%dma_start3A_674 : memref<1x32xf32, #tpu.memory_space<hbm>>) target(%dma_start3A_672 : memref<1x32xf32, #tpu.memory_space<vmem>>) target_semaphore(%arg12 : memref<!tpu.dma_semaphore, #tpu.memory_space<semaphore_mem>>)
      %slice3A_675 = vector.extract_strided_slice %get3A_614 {offsets = [5], sizes = [1], strides = [1]} : vector<16xi32> to vector<1xi32>
      %squeeze3A_676 = vector.extract %slice3A_675[0] : i32 from vector<1xi32>
      %dma_start3A_677 = arith.constant 53 : i32
      %dma_start3A_678 = arith.constant 0 : i32
      %dma_start3A_679 = tpu.memref_slice %arg11[%dma_start3A_677, %dma_start3A_678] : memref<64x32xf32, #tpu.memory_space<vmem>> -> memref<1x32xf32, #tpu.memory_space<vmem>>
      %dma_start3A_680 = arith.constant 0 : i32
      %dma_start3A_681 = tpu.memref_slice %arg5[%squeeze3A_676, %dma_start3A_680] : memref<100000x32xf32, #tpu.memory_space<hbm>> -> memref<1x32xf32, #tpu.memory_space<hbm>>
      %dma_start3A_682 = arith.constant 53 : i32
      %dma_start3A_683 = arith.constant 0 : i32
      %dma_start3A_684 = tpu.memref_slice %arg11[%dma_start3A_682, %dma_start3A_683] : memref<64x32xf32, #tpu.memory_space<vmem>> -> memref<1x32xf32, #tpu.memory_space<vmem>>
      %dma_start3A_685 = arith.constant 0 : i32
      %dma_start3A_686 = tpu.memref_slice %arg5[%squeeze3A_676, %dma_start3A_685] : memref<100000x32xf32, #tpu.memory_space<hbm>> -> memref<1x32xf32, #tpu.memory_space<hbm>>
      tpu.enqueue_dma source(%dma_start3A_686 : memref<1x32xf32, #tpu.memory_space<hbm>>) target(%dma_start3A_684 : memref<1x32xf32, #tpu.memory_space<vmem>>) target_semaphore(%arg12 : memref<!tpu.dma_semaphore, #tpu.memory_space<semaphore_mem>>)
      %slice3A_687 = vector.extract_strided_slice %get3A_614 {offsets = [6], sizes = [1], strides = [1]} : vector<16xi32> to vector<1xi32>
      %squeeze3A_688 = vector.extract %slice3A_687[0] : i32 from vector<1xi32>
      %dma_start3A_689 = arith.constant 54 : i32
      %dma_start3A_690 = arith.constant 0 : i32
      %dma_start3A_691 = tpu.memref_slice %arg11[%dma_start3A_689, %dma_start3A_690] : memref<64x32xf32, #tpu.memory_space<vmem>> -> memref<1x32xf32, #tpu.memory_space<vmem>>
      %dma_start3A_692 = arith.constant 0 : i32
      %dma_start3A_693 = tpu.memref_slice %arg5[%squeeze3A_688, %dma_start3A_692] : memref<100000x32xf32, #tpu.memory_space<hbm>> -> memref<1x32xf32, #tpu.memory_space<hbm>>
      %dma_start3A_694 = arith.constant 54 : i32
      %dma_start3A_695 = arith.constant 0 : i32
      %dma_start3A_696 = tpu.memref_slice %arg11[%dma_start3A_694, %dma_start3A_695] : memref<64x32xf32, #tpu.memory_space<vmem>> -> memref<1x32xf32, #tpu.memory_space<vmem>>
      %dma_start3A_697 = arith.constant 0 : i32
      %dma_start3A_698 = tpu.memref_slice %arg5[%squeeze3A_688, %dma_start3A_697] : memref<100000x32xf32, #tpu.memory_space<hbm>> -> memref<1x32xf32, #tpu.memory_space<hbm>>
      tpu.enqueue_dma source(%dma_start3A_698 : memref<1x32xf32, #tpu.memory_space<hbm>>) target(%dma_start3A_696 : memref<1x32xf32, #tpu.memory_space<vmem>>) target_semaphore(%arg12 : memref<!tpu.dma_semaphore, #tpu.memory_space<semaphore_mem>>)
      %slice3A_699 = vector.extract_strided_slice %get3A_614 {offsets = [7], sizes = [1], strides = [1]} : vector<16xi32> to vector<1xi32>
      %squeeze3A_700 = vector.extract %slice3A_699[0] : i32 from vector<1xi32>
      %dma_start3A_701 = arith.constant 55 : i32
      %dma_start3A_702 = arith.constant 0 : i32
      %dma_start3A_703 = tpu.memref_slice %arg11[%dma_start3A_701, %dma_start3A_702] : memref<64x32xf32, #tpu.memory_space<vmem>> -> memref<1x32xf32, #tpu.memory_space<vmem>>
      %dma_start3A_704 = arith.constant 0 : i32
      %dma_start3A_705 = tpu.memref_slice %arg5[%squeeze3A_700, %dma_start3A_704] : memref<100000x32xf32, #tpu.memory_space<hbm>> -> memref<1x32xf32, #tpu.memory_space<hbm>>
      %dma_start3A_706 = arith.constant 55 : i32
      %dma_start3A_707 = arith.constant 0 : i32
      %dma_start3A_708 = tpu.memref_slice %arg11[%dma_start3A_706, %dma_start3A_707] : memref<64x32xf32, #tpu.memory_space<vmem>> -> memref<1x32xf32, #tpu.memory_space<vmem>>
      %dma_start3A_709 = arith.constant 0 : i32
      %dma_start3A_710 = tpu.memref_slice %arg5[%squeeze3A_700, %dma_start3A_709] : memref<100000x32xf32, #tpu.memory_space<hbm>> -> memref<1x32xf32, #tpu.memory_space<hbm>>
      tpu.enqueue_dma source(%dma_start3A_710 : memref<1x32xf32, #tpu.memory_space<hbm>>) target(%dma_start3A_708 : memref<1x32xf32, #tpu.memory_space<vmem>>) target_semaphore(%arg12 : memref<!tpu.dma_semaphore, #tpu.memory_space<semaphore_mem>>)
      %slice3A_711 = vector.extract_strided_slice %get3A_614 {offsets = [8], sizes = [1], strides = [1]} : vector<16xi32> to vector<1xi32>
      %squeeze3A_712 = vector.extract %slice3A_711[0] : i32 from vector<1xi32>
      %dma_start3A_713 = arith.constant 56 : i32
      %dma_start3A_714 = arith.constant 0 : i32
      %dma_start3A_715 = tpu.memref_slice %arg11[%dma_start3A_713, %dma_start3A_714] : memref<64x32xf32, #tpu.memory_space<vmem>> -> memref<1x32xf32, #tpu.memory_space<vmem>>
      %dma_start3A_716 = arith.constant 0 : i32
      %dma_start3A_717 = tpu.memref_slice %arg5[%squeeze3A_712, %dma_start3A_716] : memref<100000x32xf32, #tpu.memory_space<hbm>> -> memref<1x32xf32, #tpu.memory_space<hbm>>
      %dma_start3A_718 = arith.constant 56 : i32
      %dma_start3A_719 = arith.constant 0 : i32
      %dma_start3A_720 = tpu.memref_slice %arg11[%dma_start3A_718, %dma_start3A_719] : memref<64x32xf32, #tpu.memory_space<vmem>> -> memref<1x32xf32, #tpu.memory_space<vmem>>
      %dma_start3A_721 = arith.constant 0 : i32
      %dma_start3A_722 = tpu.memref_slice %arg5[%squeeze3A_712, %dma_start3A_721] : memref<100000x32xf32, #tpu.memory_space<hbm>> -> memref<1x32xf32, #tpu.memory_space<hbm>>
      tpu.enqueue_dma source(%dma_start3A_722 : memref<1x32xf32, #tpu.memory_space<hbm>>) target(%dma_start3A_720 : memref<1x32xf32, #tpu.memory_space<vmem>>) target_semaphore(%arg12 : memref<!tpu.dma_semaphore, #tpu.memory_space<semaphore_mem>>)
      %slice3A_723 = vector.extract_strided_slice %get3A_614 {offsets = [9], sizes = [1], strides = [1]} : vector<16xi32> to vector<1xi32>
      %squeeze3A_724 = vector.extract %slice3A_723[0] : i32 from vector<1xi32>
      %dma_start3A_725 = arith.constant 57 : i32
      %dma_start3A_726 = arith.constant 0 : i32
      %dma_start3A_727 = tpu.memref_slice %arg11[%dma_start3A_725, %dma_start3A_726] : memref<64x32xf32, #tpu.memory_space<vmem>> -> memref<1x32xf32, #tpu.memory_space<vmem>>
      %dma_start3A_728 = arith.constant 0 : i32
      %dma_start3A_729 = tpu.memref_slice %arg5[%squeeze3A_724, %dma_start3A_728] : memref<100000x32xf32, #tpu.memory_space<hbm>> -> memref<1x32xf32, #tpu.memory_space<hbm>>
      %dma_start3A_730 = arith.constant 57 : i32
      %dma_start3A_731 = arith.constant 0 : i32
      %dma_start3A_732 = tpu.memref_slice %arg11[%dma_start3A_730, %dma_start3A_731] : memref<64x32xf32, #tpu.memory_space<vmem>> -> memref<1x32xf32, #tpu.memory_space<vmem>>
      %dma_start3A_733 = arith.constant 0 : i32
      %dma_start3A_734 = tpu.memref_slice %arg5[%squeeze3A_724, %dma_start3A_733] : memref<100000x32xf32, #tpu.memory_space<hbm>> -> memref<1x32xf32, #tpu.memory_space<hbm>>
      tpu.enqueue_dma source(%dma_start3A_734 : memref<1x32xf32, #tpu.memory_space<hbm>>) target(%dma_start3A_732 : memref<1x32xf32, #tpu.memory_space<vmem>>) target_semaphore(%arg12 : memref<!tpu.dma_semaphore, #tpu.memory_space<semaphore_mem>>)
      %slice3A_735 = vector.extract_strided_slice %get3A_614 {offsets = [10], sizes = [1], strides = [1]} : vector<16xi32> to vector<1xi32>
      %squeeze3A_736 = vector.extract %slice3A_735[0] : i32 from vector<1xi32>
      %dma_start3A_737 = arith.constant 58 : i32
      %dma_start3A_738 = arith.constant 0 : i32
      %dma_start3A_739 = tpu.memref_slice %arg11[%dma_start3A_737, %dma_start3A_738] : memref<64x32xf32, #tpu.memory_space<vmem>> -> memref<1x32xf32, #tpu.memory_space<vmem>>
      %dma_start3A_740 = arith.constant 0 : i32
      %dma_start3A_741 = tpu.memref_slice %arg5[%squeeze3A_736, %dma_start3A_740] : memref<100000x32xf32, #tpu.memory_space<hbm>> -> memref<1x32xf32, #tpu.memory_space<hbm>>
      %dma_start3A_742 = arith.constant 58 : i32
      %dma_start3A_743 = arith.constant 0 : i32
      %dma_start3A_744 = tpu.memref_slice %arg11[%dma_start3A_742, %dma_start3A_743] : memref<64x32xf32, #tpu.memory_space<vmem>> -> memref<1x32xf32, #tpu.memory_space<vmem>>
      %dma_start3A_745 = arith.constant 0 : i32
      %dma_start3A_746 = tpu.memref_slice %arg5[%squeeze3A_736, %dma_start3A_745] : memref<100000x32xf32, #tpu.memory_space<hbm>> -> memref<1x32xf32, #tpu.memory_space<hbm>>
      tpu.enqueue_dma source(%dma_start3A_746 : memref<1x32xf32, #tpu.memory_space<hbm>>) target(%dma_start3A_744 : memref<1x32xf32, #tpu.memory_space<vmem>>) target_semaphore(%arg12 : memref<!tpu.dma_semaphore, #tpu.memory_space<semaphore_mem>>)
      %slice3A_747 = vector.extract_strided_slice %get3A_614 {offsets = [11], sizes = [1], strides = [1]} : vector<16xi32> to vector<1xi32>
      %squeeze3A_748 = vector.extract %slice3A_747[0] : i32 from vector<1xi32>
      %dma_start3A_749 = arith.constant 59 : i32
      %dma_start3A_750 = arith.constant 0 : i32
      %dma_start3A_751 = tpu.memref_slice %arg11[%dma_start3A_749, %dma_start3A_750] : memref<64x32xf32, #tpu.memory_space<vmem>> -> memref<1x32xf32, #tpu.memory_space<vmem>>
      %dma_start3A_752 = arith.constant 0 : i32
      %dma_start3A_753 = tpu.memref_slice %arg5[%squeeze3A_748, %dma_start3A_752] : memref<100000x32xf32, #tpu.memory_space<hbm>> -> memref<1x32xf32, #tpu.memory_space<hbm>>
      %dma_start3A_754 = arith.constant 59 : i32
      %dma_start3A_755 = arith.constant 0 : i32
      %dma_start3A_756 = tpu.memref_slice %arg11[%dma_start3A_754, %dma_start3A_755] : memref<64x32xf32, #tpu.memory_space<vmem>> -> memref<1x32xf32, #tpu.memory_space<vmem>>
      %dma_start3A_757 = arith.constant 0 : i32
      %dma_start3A_758 = tpu.memref_slice %arg5[%squeeze3A_748, %dma_start3A_757] : memref<100000x32xf32, #tpu.memory_space<hbm>> -> memref<1x32xf32, #tpu.memory_space<hbm>>
      tpu.enqueue_dma source(%dma_start3A_758 : memref<1x32xf32, #tpu.memory_space<hbm>>) target(%dma_start3A_756 : memref<1x32xf32, #tpu.memory_space<vmem>>) target_semaphore(%arg12 : memref<!tpu.dma_semaphore, #tpu.memory_space<semaphore_mem>>)
      %slice3A_759 = vector.extract_strided_slice %get3A_614 {offsets = [12], sizes = [1], strides = [1]} : vector<16xi32> to vector<1xi32>
      %squeeze3A_760 = vector.extract %slice3A_759[0] : i32 from vector<1xi32>
      %dma_start3A_761 = arith.constant 60 : i32
      %dma_start3A_762 = arith.constant 0 : i32
      %dma_start3A_763 = tpu.memref_slice %arg11[%dma_start3A_761, %dma_start3A_762] : memref<64x32xf32, #tpu.memory_space<vmem>> -> memref<1x32xf32, #tpu.memory_space<vmem>>
      %dma_start3A_764 = arith.constant 0 : i32
      %dma_start3A_765 = tpu.memref_slice %arg5[%squeeze3A_760, %dma_start3A_764] : memref<100000x32xf32, #tpu.memory_space<hbm>> -> memref<1x32xf32, #tpu.memory_space<hbm>>
      %dma_start3A_766 = arith.constant 60 : i32
      %dma_start3A_767 = arith.constant 0 : i32
      %dma_start3A_768 = tpu.memref_slice %arg11[%dma_start3A_766, %dma_start3A_767] : memref<64x32xf32, #tpu.memory_space<vmem>> -> memref<1x32xf32, #tpu.memory_space<vmem>>
      %dma_start3A_769 = arith.constant 0 : i32
      %dma_start3A_770 = tpu.memref_slice %arg5[%squeeze3A_760, %dma_start3A_769] : memref<100000x32xf32, #tpu.memory_space<hbm>> -> memref<1x32xf32, #tpu.memory_space<hbm>>
      tpu.enqueue_dma source(%dma_start3A_770 : memref<1x32xf32, #tpu.memory_space<hbm>>) target(%dma_start3A_768 : memref<1x32xf32, #tpu.memory_space<vmem>>) target_semaphore(%arg12 : memref<!tpu.dma_semaphore, #tpu.memory_space<semaphore_mem>>)
      %slice3A_771 = vector.extract_strided_slice %get3A_614 {offsets = [13], sizes = [1], strides = [1]} : vector<16xi32> to vector<1xi32>
      %squeeze3A_772 = vector.extract %slice3A_771[0] : i32 from vector<1xi32>
      %dma_start3A_773 = arith.constant 61 : i32
      %dma_start3A_774 = arith.constant 0 : i32
      %dma_start3A_775 = tpu.memref_slice %arg11[%dma_start3A_773, %dma_start3A_774] : memref<64x32xf32, #tpu.memory_space<vmem>> -> memref<1x32xf32, #tpu.memory_space<vmem>>
      %dma_start3A_776 = arith.constant 0 : i32
      %dma_start3A_777 = tpu.memref_slice %arg5[%squeeze3A_772, %dma_start3A_776] : memref<100000x32xf32, #tpu.memory_space<hbm>> -> memref<1x32xf32, #tpu.memory_space<hbm>>
      %dma_start3A_778 = arith.constant 61 : i32
      %dma_start3A_779 = arith.constant 0 : i32
      %dma_start3A_780 = tpu.memref_slice %arg11[%dma_start3A_778, %dma_start3A_779] : memref<64x32xf32, #tpu.memory_space<vmem>> -> memref<1x32xf32, #tpu.memory_space<vmem>>
      %dma_start3A_781 = arith.constant 0 : i32
      %dma_start3A_782 = tpu.memref_slice %arg5[%squeeze3A_772, %dma_start3A_781] : memref<100000x32xf32, #tpu.memory_space<hbm>> -> memref<1x32xf32, #tpu.memory_space<hbm>>
      tpu.enqueue_dma source(%dma_start3A_782 : memref<1x32xf32, #tpu.memory_space<hbm>>) target(%dma_start3A_780 : memref<1x32xf32, #tpu.memory_space<vmem>>) target_semaphore(%arg12 : memref<!tpu.dma_semaphore, #tpu.memory_space<semaphore_mem>>)
      %slice3A_783 = vector.extract_strided_slice %get3A_614 {offsets = [14], sizes = [1], strides = [1]} : vector<16xi32> to vector<1xi32>
      %squeeze3A_784 = vector.extract %slice3A_783[0] : i32 from vector<1xi32>
      %dma_start3A_785 = arith.constant 62 : i32
      %dma_start3A_786 = arith.constant 0 : i32
      %dma_start3A_787 = tpu.memref_slice %arg11[%dma_start3A_785, %dma_start3A_786] : memref<64x32xf32, #tpu.memory_space<vmem>> -> memref<1x32xf32, #tpu.memory_space<vmem>>
      %dma_start3A_788 = arith.constant 0 : i32
      %dma_start3A_789 = tpu.memref_slice %arg5[%squeeze3A_784, %dma_start3A_788] : memref<100000x32xf32, #tpu.memory_space<hbm>> -> memref<1x32xf32, #tpu.memory_space<hbm>>
      %dma_start3A_790 = arith.constant 62 : i32
      %dma_start3A_791 = arith.constant 0 : i32
      %dma_start3A_792 = tpu.memref_slice %arg11[%dma_start3A_790, %dma_start3A_791] : memref<64x32xf32, #tpu.memory_space<vmem>> -> memref<1x32xf32, #tpu.memory_space<vmem>>
      %dma_start3A_793 = arith.constant 0 : i32
      %dma_start3A_794 = tpu.memref_slice %arg5[%squeeze3A_784, %dma_start3A_793] : memref<100000x32xf32, #tpu.memory_space<hbm>> -> memref<1x32xf32, #tpu.memory_space<hbm>>
      tpu.enqueue_dma source(%dma_start3A_794 : memref<1x32xf32, #tpu.memory_space<hbm>>) target(%dma_start3A_792 : memref<1x32xf32, #tpu.memory_space<vmem>>) target_semaphore(%arg12 : memref<!tpu.dma_semaphore, #tpu.memory_space<semaphore_mem>>)
      %slice3A_795 = vector.extract_strided_slice %get3A_614 {offsets = [15], sizes = [1], strides = [1]} : vector<16xi32> to vector<1xi32>
      %squeeze3A_796 = vector.extract %slice3A_795[0] : i32 from vector<1xi32>
      %dma_start3A_797 = arith.constant 63 : i32
      %dma_start3A_798 = arith.constant 0 : i32
      %dma_start3A_799 = tpu.memref_slice %arg11[%dma_start3A_797, %dma_start3A_798] : memref<64x32xf32, #tpu.memory_space<vmem>> -> memref<1x32xf32, #tpu.memory_space<vmem>>
      %dma_start3A_800 = arith.constant 0 : i32
      %dma_start3A_801 = tpu.memref_slice %arg5[%squeeze3A_796, %dma_start3A_800] : memref<100000x32xf32, #tpu.memory_space<hbm>> -> memref<1x32xf32, #tpu.memory_space<hbm>>
      %dma_start3A_802 = arith.constant 63 : i32
      %dma_start3A_803 = arith.constant 0 : i32
      %dma_start3A_804 = tpu.memref_slice %arg11[%dma_start3A_802, %dma_start3A_803] : memref<64x32xf32, #tpu.memory_space<vmem>> -> memref<1x32xf32, #tpu.memory_space<vmem>>
      %dma_start3A_805 = arith.constant 0 : i32
      %dma_start3A_806 = tpu.memref_slice %arg5[%squeeze3A_796, %dma_start3A_805] : memref<100000x32xf32, #tpu.memory_space<hbm>> -> memref<1x32xf32, #tpu.memory_space<hbm>>
      tpu.enqueue_dma source(%dma_start3A_806 : memref<1x32xf32, #tpu.memory_space<hbm>>) target(%dma_start3A_804 : memref<1x32xf32, #tpu.memory_space<vmem>>) target_semaphore(%arg12 : memref<!tpu.dma_semaphore, #tpu.memory_space<semaphore_mem>>)
      %dma_wait3A = arith.constant 0 : i32
      %dma_wait3A_807 = arith.constant 0 : i32
      %dma_wait3A_808 = tpu.memref_slice %arg5[%dma_wait3A, %dma_wait3A_807] : memref<100000x32xf32, #tpu.memory_space<hbm>> -> memref<64x32xf32, #tpu.memory_space<hbm>>
      %dma_wait3A_809 = arith.constant 0 : i32
      %dma_wait3A_810 = arith.constant 0 : i32
      %dma_wait3A_811 = tpu.memref_slice %arg5[%dma_wait3A_809, %dma_wait3A_810] : memref<100000x32xf32, #tpu.memory_space<hbm>> -> memref<64x32xf32, #tpu.memory_space<hbm>>
      tpu.wait_dma2 semaphore(%arg12 : memref<!tpu.dma_semaphore, #tpu.memory_space<semaphore_mem>>) src(%dma_wait3A_811 : memref<64x32xf32, #tpu.memory_space<hbm>>) dst(%arg11 : memref<64x32xf32, #tpu.memory_space<vmem>>)
      %mul3A_812 = arith.constant 64 : i32
      %mul3A_813 = arith.muli %scan3A_14, %mul3A_812 : i32
      %add3A_814 = arith.addi %mul3A_2, %mul3A_813 : i32
      "tpu.region"() ({
        %run_scoped3A = tpu.sem_alloc : memref<!tpu.dma_semaphore, #tpu.memory_space<semaphore_mem>>
        %dma_start3A_815 = arith.constant 0 : i32
        %dma_start3A_816 = tpu.memref_slice %arg7[%add3A_814, %dma_start3A_815] : memref<16384x32xf32, #tpu.memory_space<hbm>> -> memref<64x32xf32, #tpu.memory_space<hbm>>
        %dma_start3A_817 = arith.constant 0 : i32
        %dma_start3A_818 = tpu.memref_slice %arg7[%add3A_814, %dma_start3A_817] : memref<16384x32xf32, #tpu.memory_space<hbm>> -> memref<64x32xf32, #tpu.memory_space<hbm>>
        tpu.enqueue_dma source(%arg11 : memref<64x32xf32, #tpu.memory_space<vmem>>) target(%dma_start3A_818 : memref<64x32xf32, #tpu.memory_space<hbm>>) target_semaphore(%run_scoped3A : memref<!tpu.dma_semaphore, #tpu.memory_space<semaphore_mem>>)
        %dma_wait3A_819 = arith.constant 0 : i32
        %dma_wait3A_820 = tpu.memref_slice %arg7[%add3A_814, %dma_wait3A_819] : memref<16384x32xf32, #tpu.memory_space<hbm>> -> memref<64x32xf32, #tpu.memory_space<hbm>>
        %dma_wait3A_821 = arith.constant 0 : i32
        %dma_wait3A_822 = tpu.memref_slice %arg7[%add3A_814, %dma_wait3A_821] : memref<16384x32xf32, #tpu.memory_space<hbm>> -> memref<64x32xf32, #tpu.memory_space<hbm>>
        tpu.wait_dma2 semaphore(%run_scoped3A : memref<!tpu.dma_semaphore, #tpu.memory_space<semaphore_mem>>) src(%arg11 : memref<64x32xf32, #tpu.memory_space<vmem>>) dst(%dma_wait3A_822 : memref<64x32xf32, #tpu.memory_space<hbm>>)
        tpu.yield
      }) : () -> ()
    }
    %scan3A_13 = arith.constant 8 : i32
    return
  }
}

</mosaic_0001>

<sc_bundles>
// kernel: _sc_gather_ti.3.cloned.1.call-start
scs
__scs_entry_jumppad:
0x0: {  	(pc) =	sbr.rel $0x88, $3  }
0x1: {  	(tag) =	ssettag $0x0;
	lr =	simm.s32 $0x1  }
0x2: {  	[smem:$0x3F9D] =	sst lr;
	_ =	strace $0xD0000000  }
0x3: {  	_ = 	snop  }
0x4: {  	_ = 	snop  }
0x5: {  	_ = 	snop  }
0x6: {  	_ = 	snop  }
0x7: {  	_ = 	snop  }
__scs_overlays_trampoline_lowered:
0x8: {  	[smem:$0x3FAC] =	sst s0  }
0x9: {  	[smem:$0x3FAD] =	sst s1  }
0xa: {  	[smem:$0x3FAE] =	sst s2  }
0xb: {  	[smem:$0x3FAF] =	sst s3  }
0xc: {  	[smem:$0x3FB0] =	sst s4  }
0xd: {  	[smem:$0x3FB1] =	sst s5  }
0xe: {  	[smem:$0x3FB2] =	sst s6  }
0xf: {  	[smem:$0x3FB3] =	sst s7  }
0x10: {  	[smem:$0x3FB4] =	sst s8  }
0x11: {  	[smem:$0x3FB5] =	sst s9;
	s0 =	simm.s32 @!p0 $0x0  }
0x12: {  	s1 =	sld [smem:$0x3F9B];
	s0 =	simm.s32 @p0 $0x1  }
0x13: {  	[smem:$0x3FB6] =	sst s0;
	s0 =	simm.s32 @!p1 $0x0  }
0x14: {  	s2 =	sld [smem:$0x3F9A];
	s0 =	simm.s32 @p1 $0x1  }
0x15: {  	[smem:$0x3FB7] =	sst s0;
	s0 =	simm.s32 @!p2 $0x0  }
0x16: {  	s3 =	sld [smem:$0x3FDB];
	s0 =	simm.s32 @p2 $0x1  }
0x17: {  	s4 =	simm.s32 $0x1BF5;
	[smem:$0x3FB9] =	sst s0  }
0x18: {  	s0 =	sld [smem:$0x3F9C];
	_ =	swait.ge [sflag:s4], $0x0  }
0x19: {  	s7 =	sld [smem:$0x3F9D]  }
0x1a: {  	s8 =	sadd.s32 $0xFFFFE003, lr  }
0x1b: {  	s9 =	sadd.s32 $0xFFFFFEF7, lr;
	s5 =	simm.s32 $0xFFFFFFFF;
	p2 =	slt.u32 s8, $0xFFFFF086  }
0x1c: {  	p1 =	slt.u32 s9, $0xF7A;
	s5 =	simm.s32 @!p2 $0x0  }
0x1d: {  	s5 =	simm.s32 @p1 $0x1;
	p0 =	seq.s32 s7, s2  }
0x1e: {  	s7 =	smul.u32 @!p0 $0xF7A, s2;
	p2 =	seq.s32 @!p0 s5, $0x0  }
0x1f: {  	s9 =	smul.u32 $0xF7A, s1;
	s8 =	simm.s32 @!p0 $0x1BF5;
	p2 =	por !p2, p0  }
0x20: {  	[sflag:s8] =	ssyncset.s32 @!p0 $0xFFFFF086;
	s6 =	sadd.s32 @!p0 s3, s7;
	s7 =	simm.s32 @!p0 $0x108  }
0x21: {  	s3 =	sadd.s32 s3, s9;
	s6 =	sadd.s32 @!p0 $0x88, s6;
	s7 =	simm.s32 @p2 $0x1082  }
0x22: {  	[simem:s7], [sflag:s8] =	dma.local @!p0 [hbm:s6], $0xF7A  }
0x23: {  	s9 =	sor.u32 $0xD0000000, s2;
	s6 =	simm.s32 $0x108;
	_ =	swait.ge @!p0 [sflag:s8], $0x0  }
0x24: {  	s3 =	sadd.s32 $0x88, s3;
	s6 =	simm.s32 @!p1 $0x1082;
	[sflag:s4] =	ssyncset.s32 $0xFFFFF086  }
0x25: {  	[simem:s6], [sflag:s4] =	dma.local [hbm:s3], $0xF7A  }
0x26: {  	[smem:$0x3F9D] =	sst s1;
	(tag) =	ssettag s2;
	_ =	strace s9  }
0x27: {  	s1 =	sld [smem:$0x3FAD]  }
0x28: {  	s2 =	sld [smem:$0x3FAE]  }
0x29: {  	s4 =	sld [smem:$0x3FB0]  }
0x2a: {  	p0 =	seq.s32 s5, $0x0;
	s5 =	sld [smem:$0x3FB1]  }
0x2b: {  	s6 =	sld [smem:$0x3FB2]  }
0x2c: {  	s7 =	sld [smem:$0x3FB3]  }
0x2d: {  	s3 =	simm.s32 $0x108;
	s8 =	sld [smem:$0x3FB4]  }
0x2e: {  	s3 =	simm.s32 @!p0 $0x1082;
	s9 =	sld [smem:$0x3FB5]  }
0x2f: {  	lr =	sadd.s32 s0, s3;
	s0 =	sld [smem:$0x3FAC]  }
0x30: {  	s3 =	sld [smem:$0x3FAF]  }
0x31: {  	[smem:$0x3FB8] =	sst s10  }
0x32: {  	s10 =	sld [smem:$0x3FB6];
	_ =	sdelay $0x3  }
0x33: {  	p0 =	seq.s32 s10, $0x1;
	s10 =	sld [smem:$0x3FB8];
	_ =	sdelay $0x3  }
0x34: {  	[smem:$0x3FB8] =	sst s10  }
0x35: {  	s10 =	sld [smem:$0x3FB7];
	_ =	sdelay $0x3  }
0x36: {  	p1 =	seq.s32 s10, $0x1;
	s10 =	sld [smem:$0x3FB8];
	_ =	sdelay $0x3  }
0x37: {  	[smem:$0x3FB8] =	sst s10  }
0x38: {  	s10 =	sld [smem:$0x3FB9]  }
0x39: {  	_ = 	snop;
	(pc) =	sbr.ind lr, $3  }
0x3a: {  	_ = 	snop  }
0x3b: {  	_ = 	snop  }
0x3c: {  	p2 =	seq.s32 s10, $0x1;
	s10 =	sld [smem:$0x3FB8]  }
0x3d: {  	_ =	shalt  }
0x3e: {  	_ =	shalt  }
0x3f: {  	_ =	shalt  }
0x40: {  	_ =	shalt  }
0x41: {  	_ =	shalt  }
0x42: {  	_ =	shalt  }
0x43: {  	_ =	shalt  }
0x44: {  	_ =	shalt  }
0x45: {  	_ =	shalt  }
0x46: {  	_ =	shalt  }
0x47: {  	_ =	shalt  }
0x48: {  	_ =	shalt  }
0x49: {  	_ =	shalt  }
0x4a: {  	_ =	shalt  }
0x4b: {  	_ =	shalt  }
0x4c: {  	_ =	shalt  }
0x4d: {  	_ =	shalt  }
0x4e: {  	_ =	shalt  }
0x4f: {  	_ =	shalt  }
0x50: {  	_ =	shalt  }
0x51: {  	_ =	shalt  }
0x52: {  	_ =	shalt  }
0x53: {  	_ =	shalt  }
0x54: {  	_ =	shalt  }
0x55: {  	_ =	shalt  }
0x56: {  	_ =	shalt  }
0x57: {  	_ =	shalt  }
0x58: {  	_ =	shalt  }
0x59: {  	_ =	shalt  }
0x5a: {  	_ =	shalt  }
0x5b: {  	_ =	shalt  }
0x5c: {  	_ =	shalt  }
0x5d: {  	_ =	shalt  }
0x5e: {  	_ =	shalt  }
0x5f: {  	_ =	shalt  }
0x60: {  	_ =	shalt  }
0x61: {  	_ =	shalt  }
0x62: {  	_ =	shalt  }
0x63: {  	_ =	shalt  }
0x64: {  	_ =	shalt  }
0x65: {  	_ =	shalt  }
0x66: {  	_ =	shalt  }
0x67: {  	_ =	shalt  }
0x68: {  	_ =	shalt  }
0x69: {  	_ =	shalt  }
0x6a: {  	_ =	shalt  }
0x6b: {  	_ =	shalt  }
0x6c: {  	_ =	shalt  }
0x6d: {  	_ =	shalt  }
0x6e: {  	_ =	shalt  }
0x6f: {  	_ =	shalt  }
0x70: {  	_ =	shalt  }
0x71: {  	_ =	shalt  }
0x72: {  	_ =	shalt  }
0x73: {  	_ =	shalt  }
0x74: {  	_ =	shalt  }
0x75: {  	_ =	shalt  }
0x76: {  	_ =	shalt  }
0x77: {  	_ =	shalt  }
0x78: {  	_ =	shalt  }
0x79: {  	_ =	shalt  }
0x7a: {  	_ =	shalt  }
0x7b: {  	_ =	shalt  }
0x7c: {  	_ =	shalt  }
0x7d: {  	_ =	shalt  }
0x7e: {  	_ =	shalt  }
0x7f: {  	_ =	shalt  }
0x80: {  	_ =	shalt  }
0x81: {  	_ =	shalt  }
0x82: {  	_ =	shalt  }
0x83: {  	_ =	shalt  }
0x84: {  	_ =	shalt  }
0x85: {  	_ =	shalt  }
0x86: {  	_ =	shalt  }
0x87: {  	_ =	shalt  }
.Lfunc_end0:
.L_simem_size_0:
called_computation_lowered:
.L_overlay_start_0:
0x88: {  	s2 =	sld [smem:$0x3FD9]  }
0x89: {  	s3 =	sld [smem:$0x3FFE];
	_ =	sdelay $0x1  }
0x8a: {  	s1 =	srdreg.scid  }
0x8b: {  	s0 =	sand.u32 $0x1, s1  }
0x8c: {  	s14 =	sshll.u32 s0, $0xA;
	s2 =	sadd.s32 s3, s2  }
0x8d: {  	s2 =	sadd.s32 s2, s14  }
0x8e: {  	[smem:$0x3FC4] =	sst s2  }
0x8f: {  	_ = 	snop  }
0x90: {  	s2 =	sld [smem:$0x3FD0];
	_ =	sdelay $0x1  }
0x91: {  	s15 =	sld [smem:$0x3FC9]  }
0x92: {  	s5 =	simm.s32 $0xA;
	s6 =	simm.s32 $0x10;
	s4 =	sld [smem:$0x3FC8]  }
0x93: {  	[smem:s6], [sflag:s5] =	dma.local [hbm:s2], $0x1  }
0x94: {  	_ =	swait.eq [sflag:s5], $0x1  }
0x95: {  	[sflag:s5] =	ssyncset.done $0x0  }
0x96: {  	[sflag:s5] =	ssyncadd.s32 $0xFFFFFFFF  }
0x97: {  	s16 =	sld [smem:$0x11];
	(tm) =	ssettm $0x1  }
0x98: {  	s17 =	sld [smem:$0x3FFB];
	_ =	sdelay $0x3  }
0x99: {  	_ =	strace s17  }
0x9a: {  	s5 =	sld [smem:$0x3FFC];
	_ =	sdelay $0x3  }
0x9b: {  	_ =	strace s5  }
0x9c: {  	s5 =	sld [smem:$0x3FFD];
	_ =	sdelay $0x3  }
0x9d: {  	_ =	strace s5  }
0x9e: {  	_ =	strace $0x8FFFFFFF  }
0x9f: {  	s18 =	sld [smem:$0x3FDB];
	_ =	sdelay $0x1  }
0xa0: {  	s19 =	simm.s32 $_scs_section_size  }
0xa1: {  	s7 =	simm.s32 $_size__tile_overlayer_lowered;
	s8 =	simm.s32 $_tile_overlayer_lowered  }
0xa2: {  	s22 =	simm.s32 $0x1BFF;
	s21 =	sshll.u32 s8, $0x1;
	s5 =	sadd.s32 s19, s18  }
0xa3: {  	s9 =	simm.s32 $0x0;
	s20 =	sshll.u32 s7, $0x1;
	s7 =	sadd.s32 s21, s5  }
0xa4: {  	[timem:s9], [sflag:s22] =	dma.local [hbm:s7], s20  }
0xa5: {  	_ =	swait.ge [sflag:s22], s20  }
0xa6: {  	s6 =	ssub.s32 $0x0, s20;
	[sflag:s22] =	ssyncset.done $0x0  }
0xa7: {  	[sflag:s22] =	ssyncadd.s32 s6;
	_ =	sdelay $0x1  }
0xa8: {  	s23 =	simm.s32 $0x1B8B  }
0xa9: {  	_ =	swait.ge [sflag:s23], $0x1  }
0xaa: {  	[sflag:s23] =	ssyncset.done $0x0  }
0xab: {  	s25 =	simm.s32 $0x1B8E;
	s24 =	sld [smem:$0x3FFE];
	[sflag:s23] =	ssyncadd.s32 $0xFFFFFFFF  }
0xac: {  	s26 =	simm.s32 $execute0_lowered;
	[smem:$0x3FD2] =	sst s25  }
0xad: {  	s7 =	sshll.u32 s26, $0x1;
	_ =	strace $0x80000046;
	[dreg:$0x1] =	wrdreg $0xFFFFFFFF  }
0xae: {  	s28 =	simm.s32 $_size_execute0_lowered;
	s5 =	sadd.s32 s5, s7;
	[dreg:$0x0] =	wrdreg $0x0  }
0xaf: {  	s7 =	sshll.u32 s28, $0x1;
	[dreg:$0x2] =	wrdreg s5  }
0xb0: {  	[dreg:$0x3] =	wrdreg s7  }
0xb1: {  	[dreg:$0x4] =	wrdreg $0xC0  }
0xb2: {  	_ =	task [dreg:s9], $0x5FFFF  }
0xb3: {  	[dreg:$0x1] =	wrdreg $0xFFFFFFFF  }
0xb4: {  	[dreg:$0x0] =	wrdreg $0x60  }
0xb5: {  	[dreg:$0x2] =	wrdreg s15  }
0xb6: {  	[dreg:$0x3] =	wrdreg s4  }
0xb7: {  	[dreg:$0x4] =	wrdreg s16  }
0xb8: {  	[dreg:$0x5] =	wrdreg s24  }
0xb9: {  	[dreg:$0x6] =	wrdreg $0x9  }
0xba: {  	_ =	task.clear_ibuf [dreg:s9], $0x7FFFF;
	_ =	strace $0x90000046  }
0xbb: {  	s29 =	simm.s32 $0x9;
	_ =	strace $0x80000048  }
0xbc: {  	_ =	swait.ge [sflag:s29], $0x1  }
0xbd: {  	[sflag:s29] =	ssyncadd.s32 $0xFFFFFFFF  }
0xbe: {  	_ =	strace $0x90000048  }
0xbf: {  	_ =	sfence  }
0xc0: {  	s30 =	sld [smem:$0x0];
	_ =	sdelay $0x2  }
0xc1: {  	s31 =	sshll.u32 s1, $0xD;
	s1 =	sshrl.u32 s1, $0x2  }
0xc2: {  	s3 =	sand.u32 $0x4000, s31;
	s1 =	sadd.s32 s1, s30  }
0xc3: {  	s0 =	sor.u32 s3, s0;
	s1 =	sshll.u32 s1, $0x11  }
0xc4: {  	s0 =	sor.u32 s1, s0  }
0xc5: {  	s0 =	sadd.s32 $0x8F2B, s0  }
0xc6: {  	[sflag:s0] =	ssyncadd.remote.s32 $0x1  }
0xc7: {  	_ =	sfence.sel $0xFFFF  }
0xc8: {  	[dreg:$0x0] =	wrdreg $0xFFFFFFFF;
	(pc) =	sbr.abs _section_cstart, $3  }
0xc9: {  	[dreg:$0x1] =	wrdreg $0xFFFFFFFF  }
0xca: {  	_ =	task.clear_ibuf [dreg:s9], $0x2FFFF;
	_ =	strace $0x9FFFFFFF  }
0xcb: {  	(tm) =	ssettm $0x7FFFFFFF  }
tec
execute0_lowered:
.L_overlay_start_1:
0x0: {  	(tag) =	ssettag $0x1  }
0x1: {  	s5 =	rddreg [dreg:$0x0]  }
0x2: {  	s6 =	rddreg [dreg:$0x1]  }
0x3: {  	s2 =	rddreg [dreg:$0x2];
	s3 =	srdreg.scid  }
0x4: {  	s4 =	rddreg [dreg:$0x3];
	s7 =	sand.u32 $0x1, s3;
	s3 =	simm.s32 $0x0  }
0x5: {  	s19 =	simm.s32 $0x480;
	[smem:$0x7FF] =	sst s3  }
0x6: {  	s20 =	simm.s32 $0x500;
	_ =	strace $0x80000047;
	[dreg:$0x6] =	wrdreg s19  }
0x7: {  	s21 =	simm.s32 $0x580;
	[dreg:$0x7] =	wrdreg s20  }
0x8: {  	s22 =	simm.s32 $0x600;
	[dreg:$0x8] =	wrdreg s21  }
0x9: {  	s23 =	simm.s32 $0x680;
	[dreg:$0x9] =	wrdreg s22  }
0xa: {  	s24 =	simm.s32 $0x700;
	[dreg:$0xa] =	wrdreg s23  }
0xb: {  	s25 =	simm.s32 $0x780;
	[dreg:$0xb] =	wrdreg s24  }
0xc: {  	s26 =	simm.s32 $0x800;
	[dreg:$0xc] =	wrdreg s25  }
0xd: {  	s28 =	simm.s32 $0x880;
	[dreg:$0xd] =	wrdreg s26  }
0xe: {  	s29 =	simm.s32 $0x900;
	[dreg:$0xe] =	wrdreg s28  }
0xf: {  	s30 =	simm.s32 $0x980;
	[dreg:$0xf] =	wrdreg s29  }
0x10: {  	s31 =	simm.s32 $0xA00;
	[dreg:$0x10] =	wrdreg s30  }
0x11: {  	s1 =	simm.s32 $0xA80;
	[dreg:$0x11] =	wrdreg s31  }
0x12: {  	s10 =	simm.s32 $0xB80;
	[dreg:$0x12] =	wrdreg s1  }
0x13: {  	s11 =	simm.s32 $0xC00;
	[dreg:$0x14] =	wrdreg s10  }
0x14: {  	s12 =	simm.s32 $0xC80;
	[dreg:$0x15] =	wrdreg s11  }
0x15: {  	s13 =	simm.s32 $0xD00;
	[dreg:$0x16] =	wrdreg s12  }
0x16: {  	s14 =	simm.s32 $0xD80;
	[dreg:$0x17] =	wrdreg s13  }
0x17: {  	s15 =	simm.s32 $0xE00;
	[dreg:$0x18] =	wrdreg s14  }
0x18: {  	s16 =	simm.s32 $0xE80;
	[dreg:$0x19] =	wrdreg s15  }
0x19: {  	s17 =	simm.s32 $0xF00;
	[dreg:$0x1a] =	wrdreg s16  }
0x1a: {  	s18 =	simm.s32 $0xF80;
	[dreg:$0x1b] =	wrdreg s17  }
0x1b: {  	[dreg:$0x1c] =	wrdreg s18;
	s19 =	simm.s32 $0x1000  }
0x1c: {  	s20 =	simm.s32 $0x1080;
	[dreg:$0x1d] =	wrdreg s19  }
0x1d: {  	s21 =	simm.s32 $0x1100;
	[dreg:$0x1e] =	wrdreg s20  }
0x1e: {  	s22 =	simm.s32 $0x1180;
	[dreg:$0x1f] =	wrdreg s21  }
0x1f: {  	s23 =	simm.s32 $0x1200;
	[smem:$0x798] =	sst s22  }
0x20: {  	s24 =	simm.s32 $0x1280;
	[smem:$0x799] =	sst s23  }
0x21: {  	s25 =	simm.s32 $0x1300;
	[smem:$0x79A] =	sst s24  }
0x22: {  	s26 =	simm.s32 $0x1380;
	[smem:$0x79B] =	sst s25  }
0x23: {  	s28 =	simm.s32 $0x1400;
	[smem:$0x79C] =	sst s26  }
0x24: {  	s29 =	simm.s32 $0x1480;
	[smem:$0x79D] =	sst s28  }
0x25: {  	s30 =	simm.s32 $0x1500;
	[smem:$0x79E] =	sst s29  }
0x26: {  	s31 =	simm.s32 $0x1580;
	[smem:$0x79F] =	sst s30  }
0x27: {  	s1 =	simm.s32 $0x1600;
	[smem:$0x7A0] =	sst s31  }
0x28: {  	s10 =	simm.s32 $0x1700;
	[smem:$0x7A1] =	sst s1  }
0x29: {  	s11 =	simm.s32 $0x1780;
	[smem:$0x7A3] =	sst s10  }
0x2a: {  	s12 =	simm.s32 $0x1800;
	[smem:$0x7A4] =	sst s11  }
0x2b: {  	s13 =	simm.s32 $0x1880;
	[smem:$0x7A5] =	sst s12  }
0x2c: {  	s0 =	stileid.u32;
	s14 =	simm.s32 $0x1900;
	[smem:$0x7A6] =	sst s13  }
0x2d: {  	s8 =	sshll.u32 s0, $0xE;
	s15 =	simm.s32 $0x1980;
	[smem:$0x7A7] =	sst s14  }
0x2e: {  	s8 =	sadd.s32 s8, s4;
	s16 =	simm.s32 $0x1A00;
	[smem:$0x7A8] =	sst s15  }
0x2f: {  	s9 =	sshll.u32 s7, $0xD;
	s17 =	simm.s32 $0x1A80;
	[smem:$0x7A9] =	sst s16  }
0x30: {  	s8 =	sadd.s32 s9, s8;
	s18 =	simm.s32 $0x1B00;
	[smem:$0x7AA] =	sst s17  }
0x31: {  	s9 =	sadd.s32 $0x187400, s8;
	[smem:$0x7AB] =	sst s18  }
0x32: {  	s8 =	sadd.s32 $0x1C7400, s8;
	[dreg:$0x5] =	wrdreg s9  }
0x33: {  	s19 =	simm.s32 $0x1B80;
	[smem:$0x797] =	sst s8  }
0x34: {  	s20 =	simm.s32 $0x1C00;
	[smem:$0x7AC] =	sst s19  }
0x35: {  	s21 =	simm.s32 $0x1C80;
	[smem:$0x7AD] =	sst s20  }
0x36: {  	s22 =	simm.s32 $0x1D00;
	[smem:$0x7AE] =	sst s21  }
0x37: {  	s23 =	simm.s32 $0x1D80;
	[smem:$0x7AF] =	sst s22  }
0x38: {  	s24 =	simm.s32 $0x1E00;
	[smem:$0x7B0] =	sst s23  }
0x39: {  	s25 =	simm.s32 $0x1E80;
	[smem:$0x7B1] =	sst s24  }
0x3a: {  	s26 =	simm.s32 $0x1F00;
	[smem:$0x7B2] =	sst s25  }
0x3b: {  	s28 =	simm.s32 $0x1F80;
	[smem:$0x7B3] =	sst s26  }
0x3c: {  	s29 =	simm.s32 $0x2000;
	[smem:$0x7B4] =	sst s28  }
0x3d: {  	s30 =	simm.s32 $0x2080;
	[smem:$0x7B5] =	sst s29  }
0x3e: {  	s31 =	simm.s32 $0x2100;
	[smem:$0x7B6] =	sst s30  }
0x3f: {  	s1 =	simm.s32 $0x2180;
	[smem:$0x7B7] =	sst s31  }
0x40: {  	s10 =	simm.s32 $0x2280;
	[smem:$0x7B8] =	sst s1  }
0x41: {  	s11 =	simm.s32 $0x2300;
	[smem:$0x7BA] =	sst s10  }
0x42: {  	s12 =	simm.s32 $0x2380;
	[smem:$0x7BB] =	sst s11  }
0x43: {  	s13 =	simm.s32 $0x2480;
	[smem:$0x7BC] =	sst s12  }
0x44: {  	s14 =	simm.s32 $0x2500;
	[smem:$0x7BD] =	sst s13  }
0x45: {  	s15 =	simm.s32 $0x2580;
	[smem:$0x7BE] =	sst s14  }
0x46: {  	s16 =	simm.s32 $0x2600;
	[smem:$0x7BF] =	sst s15  }
0x47: {  	s17 =	simm.s32 $0x2680;
	[smem:$0x7C0] =	sst s16  }
0x48: {  	s18 =	simm.s32 $0x2700;
	[smem:$0x7C1] =	sst s17  }
0x49: {  	s9 =	simm.s32 $0xB00;
	[smem:$0x7C2] =	sst s18  }
0x4a: {  	s19 =	simm.s32 $0x2780;
	[dreg:$0x13] =	wrdreg s9  }
0x4b: {  	s20 =	simm.s32 $0x2800;
	[smem:$0x7C3] =	sst s19  }
0x4c: {  	s21 =	simm.s32 $0x2880;
	[smem:$0x7C4] =	sst s20  }
0x4d: {  	s22 =	simm.s32 $0x2900;
	[smem:$0x7C5] =	sst s21  }
0x4e: {  	s23 =	simm.s32 $0x2980;
	[smem:$0x7C6] =	sst s22  }
0x4f: {  	s24 =	simm.s32 $0x2A00;
	[smem:$0x7C7] =	sst s23  }
0x50: {  	s25 =	simm.s32 $0x2A80;
	[smem:$0x7C8] =	sst s24  }
0x51: {  	s26 =	simm.s32 $0x2B00;
	[smem:$0x7C9] =	sst s25  }
0x52: {  	s28 =	simm.s32 $0x2B80;
	[smem:$0x7CA] =	sst s26  }
0x53: {  	s29 =	simm.s32 $0x2C00;
	[smem:$0x7CB] =	sst s28  }
0x54: {  	s30 =	simm.s32 $0x2C80;
	[smem:$0x7CC] =	sst s29  }
0x55: {  	s31 =	simm.s32 $0x2D00;
	[smem:$0x7CD] =	sst s30  }
0x56: {  	s1 =	simm.s32 $0x2D80;
	[smem:$0x7CE] =	sst s31  }
0x57: {  	s10 =	simm.s32 $0x2E80;
	[smem:$0x7CF] =	sst s1  }
0x58: {  	s11 =	simm.s32 $0x2F00;
	[smem:$0x7D1] =	sst s10  }
0x59: {  	s12 =	simm.s32 $0x2F80;
	[smem:$0x7D2] =	sst s11  }
0x5a: {  	s13 =	simm.s32 $0x3000;
	[smem:$0x7D3] =	sst s12  }
0x5b: {  	s14 =	simm.s32 $0x3080;
	[smem:$0x7D4] =	sst s13  }
0x5c: {  	s15 =	simm.s32 $0x3100;
	[smem:$0x7D5] =	sst s14  }
0x5d: {  	s16 =	simm.s32 $0x3180;
	[smem:$0x7D6] =	sst s15  }
0x5e: {  	s17 =	simm.s32 $0x3200;
	[smem:$0x7D7] =	sst s16  }
0x5f: {  	s18 =	simm.s32 $0x3280;
	[smem:$0x7D8] =	sst s17  }
0x60: {  	s9 =	simm.s32 $0x1680;
	[smem:$0x7D9] =	sst s18  }
0x61: {  	s19 =	simm.s32 $0x3300;
	[smem:$0x7A2] =	sst s9  }
0x62: {  	s20 =	simm.s32 $0x3380;
	[smem:$0x7DA] =	sst s19  }
0x63: {  	s21 =	simm.s32 $0x3400;
	[smem:$0x7DB] =	sst s20  }
0x64: {  	s22 =	simm.s32 $0x3480;
	[smem:$0x7DC] =	sst s21  }
0x65: {  	s23 =	simm.s32 $0x3500;
	[smem:$0x7DD] =	sst s22  }
0x66: {  	s24 =	simm.s32 $0x3580;
	[smem:$0x7DE] =	sst s23  }
0x67: {  	s25 =	simm.s32 $0x3600;
	[smem:$0x7DF] =	sst s24  }
0x68: {  	s26 =	simm.s32 $0x3680;
	[smem:$0x7E0] =	sst s25  }
0x69: {  	s28 =	simm.s32 $0x3700;
	[smem:$0x7E1] =	sst s26  }
0x6a: {  	s29 =	simm.s32 $0x3780;
	[smem:$0x7E2] =	sst s28  }
0x6b: {  	s30 =	simm.s32 $0x3800;
	[smem:$0x7E3] =	sst s29  }
0x6c: {  	s31 =	simm.s32 $0x3880;
	[smem:$0x7E4] =	sst s30  }
0x6d: {  	s1 =	simm.s32 $0x3900;
	[smem:$0x7E5] =	sst s31  }
0x6e: {  	s10 =	simm.s32 $0x3A00;
	[smem:$0x7E6] =	sst s1  }
0x6f: {  	s11 =	simm.s32 $0x3A80;
	[smem:$0x7E8] =	sst s10  }
0x70: {  	s12 =	simm.s32 $0x3B00;
	[smem:$0x7E9] =	sst s11  }
0x71: {  	s13 =	simm.s32 $0x3B80;
	[smem:$0x7EA] =	sst s12  }
0x72: {  	s14 =	simm.s32 $0x3C00;
	[smem:$0x7EB] =	sst s13  }
0x73: {  	s15 =	simm.s32 $0x3C80;
	[smem:$0x7EC] =	sst s14  }
0x74: {  	s17 =	simm.s32 $0x3D00;
	[smem:$0x7ED] =	sst s15  }
0x75: {  	s18 =	simm.s32 $0x3D80;
	[smem:$0x7EE] =	sst s17  }
0x76: {  	s9 =	simm.s32 $0x2200;
	[smem:$0x7EF] =	sst s18  }
0x77: {  	s19 =	simm.s32 $0x3E00;
	[smem:$0x7B9] =	sst s9  }
0x78: {  	s21 =	simm.s32 $0x3E80;
	[smem:$0x7F0] =	sst s19  }
0x79: {  	s22 =	simm.s32 $0x3F00;
	[smem:$0x7F1] =	sst s21  }
0x7a: {  	s23 =	simm.s32 $0x3F80;
	[smem:$0x7F2] =	sst s22  }
0x7b: {  	s4 =	sadd.s32 $0xA00, s4;
	s24 =	simm.s32 $0x4000;
	[smem:$0x7F3] =	sst s23  }
0x7c: {  	s8 =	simm.s32 $0x2;
	s26 =	simm.s32 $0x4080;
	[smem:$0x7F5] =	sst s24  }
0x7d: {  	s16 =	ssub.s32 $0x2, s7;
	s29 =	simm.s32 $0x4100;
	[smem:$0x7F7] =	sst s26  }
0x7e: {  	s7 =	sshll.u32 s7, $0x9;
	s30 =	simm.s32 $0x4180;
	[smem:$0x7F8] =	sst s29  }
0x7f: {  	s10 =	sshrl.u32 s16, $0x1;
	s31 =	simm.s32 $0x4200;
	[smem:$0x7F9] =	sst s30  }
0x80: {  	s20 =	sshll.u32 s0, $0xA;
	s11 =	simm.s32 $0x4280;
	[smem:$0x7FA] =	sst s31  }
0x81: {  	s12 =	simm.s32 $0x4300;
	s13 =	simm.s32 $0x4380;
	[smem:$0x7FB] =	sst s11  }
0x82: {  	s9 =	simm.s32 $0x2E00;
	s7 =	sor.u32 s7, s20;
	[smem:$0x7FC] =	sst s12  }
0x83: {  	s11 =	simm.s32 $0x1;
	s12 =	simm.s32 $0x2400;
	[smem:$0x7FD] =	sst s13  }
0x84: {  	[smem:$0x7D0] =	sst s9;
	s9 =	simm.s32 $0x3980;
	s7 =	sshrl.u32 s7, $0x3  }
0x85: {  	s13 =	simm.s32 $0x0;
	[smem:$0x7E7] =	sst s9;
	s25 =	sadd.s32 s5, s7  }
0x86: {  	s9 =	ssub.s32 s16, s10;
	s28 =	sadd.s32 s6, s7;
	[smem:$0x7F4] =	sst s25  }
0x87: {  	s10 =	simm.s32 $0x400;
	[smem:$0x7F6] =	sst s28;
	s7 =	smax.u32 s9, $0x1  }
.LBB2_1:
0x88: {  	s0 =	sld [smem:$0x7F4];
	_ =	sdelay $0x2  }
0x89: {  	[tilespmem:s3], [sflag:$0x2] =	stream.linear.gather [hbm4b:s0+s3], $0x200, $0x38;
	[tilespmem:$0x4400] =	vst v63  }
0x8a: {  	_ =	swait.ge [sflag:s8], $0x200  }
0x8b: {  	s18 =	sld [smem:$0x7F6]  }
0x8c: {  	[sflag:s8] =	ssyncset.done $0x0  }
0x8d: {  	s1 =	simm.s32 $0x200;
	[sflag:s8] =	ssyncadd.s32 $0xFFFFFE00  }
0x8e: {  	[tilespmem:s1], [sflag:$0x2] =	stream.linear.gather [hbm4b:s18+s3], $0x200, $0x38;
	[tilespmem:$0x4400] =	vst v63  }
0x8f: {  	_ =	swait.ge [sflag:s8], $0x200  }
0x90: {  	[sflag:s8] =	ssyncset.done $0x0  }
0x91: {  	s14 =	simm.s32 $0x20;
	[sflag:s8] =	ssyncadd.s32 $0xFFFFFE00  }
0x92: {  	v0 =	vld [tilespmem:s14+$0xFFFFFFE0];
	_ =	sdelay $0x4  }
0x93: {  	v0 =	vshll.u32 v0, $0x4  }
0x94: {  	(v2sf) =	vpush v0, $0x0;
	_ =	sdelay $0x1  }
0x95: {  	(v2sf) =	vpush v0, $0x1;
	_ =	sdelay $0x1  }
0x96: {  	(v2sf) =	vpush v0, $0x2;
	_ =	sdelay $0x2  }
0x97: {  	(v2sf) =	vpush v0, $0x3;
	_ =	sdelay $0x7  }
0x98: {  	s15 =	spop (v2sf);
	(v2sf) =	vpush v0, $0x4;
	_ =	sdelay $0x1  }
0x99: {  	s16 =	spop (v2sf);
	(v2sf) =	vpush v0, $0x5;
	_ =	sdelay $0x1  }
0x9a: {  	s21 =	spop (v2sf);
	(v2sf) =	vpush v0, $0x6;
	_ =	sdelay $0x2  }
0x9b: {  	s15 =	sand.u32 $0x1FFFFFF0, s15;
	s23 =	spop (v2sf);
	(v2sf) =	vpush v0, $0x7  }
0x9c: {  	s15 =	sadd.s32 s2, s15;
	s16 =	sand.u32 $0x1FFFFFF0, s16  }
0x9d: {  	[tilespmem:s10], [sflag:$0x1] =	stream.linear.gather [hbm4b:s15+s3], $0x80, $0x38;
	[tilespmem:$0x4400] =	vst v63  }
0x9e: {  	s19 =	rddreg [dreg:$0x6];
	s16 =	sadd.s32 s2, s16  }
0x9f: {  	[tilespmem:s19], [sflag:$0x1] =	stream.linear.gather [hbm4b:s16+s3], $0x80, $0x38;
	[tilespmem:$0x4400] =	vst v63  }
0xa0: {  	s16 =	sand.u32 $0x1FFFFFF0, s21  }
0xa1: {  	s20 =	rddreg [dreg:$0x7];
	s16 =	sadd.s32 s2, s16  }
0xa2: {  	[tilespmem:s20], [sflag:$0x1] =	stream.linear.gather [hbm4b:s16+s3], $0x80, $0x38;
	[tilespmem:$0x4400] =	vst v63  }
0xa3: {  	s25 =	spop (v2sf);
	(v2sf) =	vpush v0, $0x8  }
0xa4: {  	s16 =	sand.u32 $0x1FFFFFF0, s23  }
0xa5: {  	s22 =	rddreg [dreg:$0x8];
	s16 =	sadd.s32 s2, s16;
	s28 =	spop (v2sf);
	(v2sf) =	vpush v0, $0x9  }
0xa6: {  	[tilespmem:s22], [sflag:$0x1] =	stream.linear.gather [hbm4b:s16+s3], $0x80, $0x38;
	[tilespmem:$0x4400] =	vst v63  }
0xa7: {  	s16 =	sand.u32 $0x1FFFFFF0, s25;
	s30 =	spop (v2sf);
	(v2sf) =	vpush v0, $0xA  }
0xa8: {  	s24 =	rddreg [dreg:$0x9];
	s16 =	sadd.s32 s2, s16  }
0xa9: {  	[tilespmem:s24], [sflag:$0x1] =	stream.linear.gather [hbm4b:s16+s3], $0x80, $0x38;
	[tilespmem:$0x4400] =	vst v63  }
0xaa: {  	s0 =	spop (v2sf);
	(v2sf) =	vpush v0, $0xB  }
0xab: {  	s16 =	sand.u32 $0x1FFFFFF0, s28  }
0xac: {  	s26 =	rddreg [dreg:$0xa];
	s16 =	sadd.s32 s2, s16  }
0xad: {  	[tilespmem:s26], [sflag:$0x1] =	stream.linear.gather [hbm4b:s16+s3], $0x80, $0x38;
	[tilespmem:$0x4400] =	vst v63  }
0xae: {  	s16 =	sand.u32 $0x1FFFFFF0, s30  }
0xaf: {  	s29 =	rddreg [dreg:$0xb];
	s16 =	sadd.s32 s2, s16  }
0xb0: {  	[tilespmem:s29], [sflag:$0x1] =	stream.linear.gather [hbm4b:s16+s3], $0x80, $0x38;
	[tilespmem:$0x4400] =	vst v63  }
0xb1: {  	s16 =	sand.u32 $0x1FFFFFF0, s0  }
0xb2: {  	s31 =	rddreg [dreg:$0xc];
	s16 =	sadd.s32 s2, s16;
	s5 =	spop (v2sf);
	(v2sf) =	vpush v0, $0xC  }
0xb3: {  	[tilespmem:s31], [sflag:$0x1] =	stream.linear.gather [hbm4b:s16+s3], $0x80, $0x38;
	[tilespmem:$0x4400] =	vst v63  }
0xb4: {  	s9 =	spop (v2sf);
	(v2sf) =	vpush v0, $0xD  }
0xb5: {  	s16 =	sand.u32 $0x1FFFFFF0, s5  }
0xb6: {  	s1 =	rddreg [dreg:$0xd];
	s16 =	sadd.s32 s2, s16;
	s18 =	spop (v2sf)  }
0xb7: {  	(v2sf) =	vpush v0, $0xE;
	[tilespmem:s1], [sflag:$0x1] =	stream.linear.gather [hbm4b:s16+s3], $0x80, $0x38;
	[tilespmem:$0x4400] =	vst v63  }
0xb8: {  	s16 =	sand.u32 $0x1FFFFFF0, s9  }
0xb9: {  	s6 =	rddreg [dreg:$0xe];
	s20 =	spop (v2sf);
	(v2sf) =	vpush v0, $0xF;
	s16 =	sadd.s32 s2, s16  }
0xba: {  	[tilespmem:s6], [sflag:$0x1] =	stream.linear.gather [hbm4b:s16+s3], $0x80, $0x38;
	[tilespmem:$0x4400] =	vst v63  }
0xbb: {  	s16 =	sand.u32 $0x1FFFFFF0, s18  }
0xbc: {  	s17 =	rddreg [dreg:$0xf];
	s16 =	sadd.s32 s2, s16  }
0xbd: {  	[tilespmem:s17], [sflag:$0x1] =	stream.linear.gather [hbm4b:s16+s3], $0x80, $0x38;
	[tilespmem:$0x4400] =	vst v63  }
0xbe: {  	s16 =	sand.u32 $0x1FFFFFF0, s20  }
0xbf: {  	s19 =	rddreg [dreg:$0x10];
	s16 =	sadd.s32 s2, s16  }
0xc0: {  	[tilespmem:s19], [sflag:$0x1] =	stream.linear.gather [hbm4b:s16+s3], $0x80, $0x38;
	[tilespmem:$0x4400] =	vst v63  }
0xc1: {  	s22 =	spop (v2sf)  }
0xc2: {  	s16 =	sand.u32 $0x1FFFFFF0, s22  }
0xc3: {  	s21 =	rddreg [dreg:$0x11];
	s24 =	spop (v2sf);
	s16 =	sadd.s32 s2, s16  }
0xc4: {  	[tilespmem:s21], [sflag:$0x1] =	stream.linear.gather [hbm4b:s16+s3], $0x80, $0x38;
	[tilespmem:$0x4400] =	vst v63  }
0xc5: {  	s16 =	sand.u32 $0x1FFFFFF0, s24  }
0xc6: {  	s23 =	rddreg [dreg:$0x12];
	s26 =	spop (v2sf);
	s16 =	sadd.s32 s2, s16  }
0xc7: {  	[tilespmem:s23], [sflag:$0x1] =	stream.linear.gather [hbm4b:s16+s3], $0x80, $0x38;
	[tilespmem:$0x4400] =	vst v63  }
0xc8: {  	s28 =	spop (v2sf);
	s16 =	sand.u32 $0x1FFFFFF0, s26  }
0xc9: {  	s25 =	rddreg [dreg:$0x13];
	s15 =	sand.u32 $0x1FFFFFF0, s28;
	s16 =	sadd.s32 s2, s16  }
0xca: {  	[tilespmem:s25], [sflag:$0x1] =	stream.linear.gather [hbm4b:s16+s3], $0x80, $0x38;
	[tilespmem:$0x4400] =	vst v63  }
0xcb: {  	s29 =	rddreg [dreg:$0x14];
	s15 =	sadd.s32 s2, s15  }
0xcc: {  	[tilespmem:s29], [sflag:$0x1] =	stream.linear.gather [hbm4b:s15+s3], $0x80, $0x38;
	[tilespmem:$0x4400] =	vst v63  }
0xcd: {  	v61 =	vld [tilespmem:s14+$0xFFFFFFF0];
	_ =	sdelay $0x4  }
0xce: {  	v0 =	vshll.u32 v61, $0x4  }
0xcf: {  	(v2sf) =	vpush v0, $0x0;
	_ =	sdelay $0x1  }
0xd0: {  	(v2sf) =	vpush v0, $0x1;
	_ =	sdelay $0x1  }
0xd1: {  	(v2sf) =	vpush v0, $0x2;
	_ =	sdelay $0x2  }
0xd2: {  	(v2sf) =	vpush v0, $0x3;
	_ =	sdelay $0x7  }
0xd3: {  	s31 =	spop (v2sf);
	(v2sf) =	vpush v0, $0x4;
	_ =	sdelay $0x1  }
0xd4: {  	s1 =	spop (v2sf);
	(v2sf) =	vpush v0, $0x5;
	_ =	sdelay $0x1  }
0xd5: {  	s6 =	spop (v2sf);
	(v2sf) =	vpush v0, $0x6;
	_ =	sdelay $0x1  }
0xd6: {  	s16 =	sand.u32 $0x1FFFFFF0, s31  }
0xd7: {  	s30 =	rddreg [dreg:$0x15];
	s16 =	sadd.s32 s2, s16;
	s17 =	spop (v2sf);
	(v2sf) =	vpush v0, $0x7  }
0xd8: {  	[tilespmem:s30], [sflag:$0x1] =	stream.linear.gather [hbm4b:s16+s3], $0x80, $0x38;
	[tilespmem:$0x4400] =	vst v63  }
0xd9: {  	s16 =	sand.u32 $0x1FFFFFF0, s1  }
0xda: {  	s0 =	rddreg [dreg:$0x16];
	s16 =	sadd.s32 s2, s16  }
0xdb: {  	[tilespmem:s0], [sflag:$0x1] =	stream.linear.gather [hbm4b:s16+s3], $0x80, $0x38;
	[tilespmem:$0x4400] =	vst v63  }
0xdc: {  	s16 =	sand.u32 $0x1FFFFFF0, s6  }
0xdd: {  	s5 =	rddreg [dreg:$0x17];
	s16 =	sadd.s32 s2, s16  }
0xde: {  	[tilespmem:s5], [sflag:$0x1] =	stream.linear.gather [hbm4b:s16+s3], $0x80, $0x38;
	[tilespmem:$0x4400] =	vst v63  }
0xdf: {  	s19 =	spop (v2sf);
	(v2sf) =	vpush v0, $0x8  }
0xe0: {  	s16 =	sand.u32 $0x1FFFFFF0, s17  }
0xe1: {  	s9 =	rddreg [dreg:$0x18];
	s16 =	sadd.s32 s2, s16;
	s21 =	spop (v2sf);
	(v2sf) =	vpush v0, $0x9  }
0xe2: {  	[tilespmem:s9], [sflag:$0x1] =	stream.linear.gather [hbm4b:s16+s3], $0x80, $0x38;
	[tilespmem:$0x4400] =	vst v63  }
0xe3: {  	s16 =	sand.u32 $0x1FFFFFF0, s19;
	s23 =	spop (v2sf);
	(v2sf) =	vpush v0, $0xA  }
0xe4: {  	s18 =	rddreg [dreg:$0x19];
	s16 =	sadd.s32 s2, s16  }
0xe5: {  	[tilespmem:s18], [sflag:$0x1] =	stream.linear.gather [hbm4b:s16+s3], $0x80, $0x38;
	[tilespmem:$0x4400] =	vst v63  }
0xe6: {  	s25 =	spop (v2sf);
	(v2sf) =	vpush v0, $0xB  }
0xe7: {  	s16 =	sand.u32 $0x1FFFFFF0, s21  }
0xe8: {  	s20 =	rddreg [dreg:$0x1a];
	s16 =	sadd.s32 s2, s16  }
0xe9: {  	[tilespmem:s20], [sflag:$0x1] =	stream.linear.gather [hbm4b:s16+s3], $0x80, $0x38;
	[tilespmem:$0x4400] =	vst v63  }
0xea: {  	s16 =	sand.u32 $0x1FFFFFF0, s23  }
0xeb: {  	s22 =	rddreg [dreg:$0x1b];
	s16 =	sadd.s32 s2, s16  }
0xec: {  	[tilespmem:s22], [sflag:$0x1] =	stream.linear.gather [hbm4b:s16+s3], $0x80, $0x38;
	[tilespmem:$0x4400] =	vst v63  }
0xed: {  	s16 =	sand.u32 $0x1FFFFFF0, s25  }
0xee: {  	s24 =	rddreg [dreg:$0x1c];
	s16 =	sadd.s32 s2, s16;
	s28 =	spop (v2sf);
	(v2sf) =	vpush v0, $0xC  }
0xef: {  	[tilespmem:s24], [sflag:$0x1] =	stream.linear.gather [hbm4b:s16+s3], $0x80, $0x38;
	[tilespmem:$0x4400] =	vst v63  }
0xf0: {  	s30 =	spop (v2sf);
	(v2sf) =	vpush v0, $0xD  }
0xf1: {  	s16 =	sand.u32 $0x1FFFFFF0, s28  }
0xf2: {  	s26 =	rddreg [dreg:$0x1d];
	s16 =	sadd.s32 s2, s16;
	s0 =	spop (v2sf)  }
0xf3: {  	(v2sf) =	vpush v0, $0xE;
	[tilespmem:s26], [sflag:$0x1] =	stream.linear.gather [hbm4b:s16+s3], $0x80, $0x38;
	[tilespmem:$0x4400] =	vst v63  }
0xf4: {  	s16 =	sand.u32 $0x1FFFFFF0, s30  }
0xf5: {  	s29 =	rddreg [dreg:$0x1e];
	s5 =	spop (v2sf);
	(v2sf) =	vpush v0, $0xF;
	s16 =	sadd.s32 s2, s16  }
0xf6: {  	[tilespmem:s29], [sflag:$0x1] =	stream.linear.gather [hbm4b:s16+s3], $0x80, $0x38;
	[tilespmem:$0x4400] =	vst v63  }
0xf7: {  	s31 =	rddreg [dreg:$0x1f];
	s16 =	sand.u32 $0x1FFFFFF0, s0  }
0xf8: {  	s1 =	sld [smem:$0x798];
	s16 =	sadd.s32 s2, s16  }
0xf9: {  	[tilespmem:s31], [sflag:$0x1] =	stream.linear.gather [hbm4b:s16+s3], $0x80, $0x38;
	[tilespmem:$0x4400] =	vst v63  }
0xfa: {  	s16 =	sand.u32 $0x1FFFFFF0, s5  }
0xfb: {  	s16 =	sadd.s32 s2, s16  }
0xfc: {  	[tilespmem:s1], [sflag:$0x1] =	stream.linear.gather [hbm4b:s16+s3], $0x80, $0x38;
	[tilespmem:$0x4400] =	vst v63  }
0xfd: {  	s6 =	sld [smem:$0x799];
	s9 =	spop (v2sf)  }
0xfe: {  	s16 =	sand.u32 $0x1FFFFFF0, s9  }
0xff: {  	s17 =	sld [smem:$0x79A];
	s18 =	spop (v2sf);
	s16 =	sadd.s32 s2, s16  }
0x100: {  	[tilespmem:s6], [sflag:$0x1] =	stream.linear.gather [hbm4b:s16+s3], $0x80, $0x38;
	[tilespmem:$0x4400] =	vst v63  }
0x101: {  	s16 =	sand.u32 $0x1FFFFFF0, s18  }
0x102: {  	s19 =	sld [smem:$0x79B];
	s20 =	spop (v2sf);
	s16 =	sadd.s32 s2, s16  }
0x103: {  	[tilespmem:s17], [sflag:$0x1] =	stream.linear.gather [hbm4b:s16+s3], $0x80, $0x38;
	[tilespmem:$0x4400] =	vst v63  }
0x104: {  	s21 =	spop (v2sf);
	s16 =	sand.u32 $0x1FFFFFF0, s20  }
0x105: {  	s22 =	sld [smem:$0x79C];
	s15 =	sand.u32 $0x1FFFFFF0, s21;
	s16 =	sadd.s32 s2, s16  }
0x106: {  	[tilespmem:s19], [sflag:$0x1] =	stream.linear.gather [hbm4b:s16+s3], $0x80, $0x38;
	[tilespmem:$0x4400] =	vst v63  }
0x107: {  	s15 =	sadd.s32 s2, s15  }
0x108: {  	[tilespmem:s22], [sflag:$0x1] =	stream.linear.gather [hbm4b:s15+s3], $0x80, $0x38;
	[tilespmem:$0x4400] =	vst v63  }
0x109: {  	v62 =	vld [tilespmem:s14+$0x0];
	_ =	sdelay $0x4  }
0x10a: {  	v0 =	vshll.u32 v62, $0x4  }
0x10b: {  	(v2sf) =	vpush v0, $0x0;
	_ =	sdelay $0x1  }
0x10c: {  	(v2sf) =	vpush v0, $0x1;
	_ =	sdelay $0x1  }
0x10d: {  	(v2sf) =	vpush v0, $0x2;
	_ =	sdelay $0x2  }
0x10e: {  	(v2sf) =	vpush v0, $0x3;
	_ =	sdelay $0x7  }
0x10f: {  	s24 =	spop (v2sf);
	(v2sf) =	vpush v0, $0x4;
	_ =	sdelay $0x1  }
0x110: {  	s26 =	spop (v2sf);
	(v2sf) =	vpush v0, $0x5;
	_ =	sdelay $0x1  }
0x111: {  	s29 =	spop (v2sf);
	(v2sf) =	vpush v0, $0x6  }
0x112: {  	s23 =	sld [smem:$0x79D]  }
0x113: {  	s16 =	sand.u32 $0x1FFFFFF0, s24  }
0x114: {  	s25 =	sld [smem:$0x79E];
	s16 =	sadd.s32 s2, s16;
	s31 =	spop (v2sf);
	(v2sf) =	vpush v0, $0x7  }
0x115: {  	[tilespmem:s23], [sflag:$0x1] =	stream.linear.gather [hbm4b:s16+s3], $0x80, $0x38;
	[tilespmem:$0x4400] =	vst v63  }
0x116: {  	s16 =	sand.u32 $0x1FFFFFF0, s26  }
0x117: {  	s28 =	sld [smem:$0x79F];
	s16 =	sadd.s32 s2, s16  }
0x118: {  	[tilespmem:s25], [sflag:$0x1] =	stream.linear.gather [hbm4b:s16+s3], $0x80, $0x38;
	[tilespmem:$0x4400] =	vst v63  }
0x119: {  	s16 =	sand.u32 $0x1FFFFFF0, s29  }
0x11a: {  	s16 =	sadd.s32 s2, s16  }
0x11b: {  	[tilespmem:s28], [sflag:$0x1] =	stream.linear.gather [hbm4b:s16+s3], $0x80, $0x38;
	[tilespmem:$0x4400] =	vst v63  }
0x11c: {  	s30 =	sld [smem:$0x7A0];
	s1 =	spop (v2sf);
	(v2sf) =	vpush v0, $0x8  }
0x11d: {  	s16 =	sand.u32 $0x1FFFFFF0, s31  }
0x11e: {  	s0 =	sld [smem:$0x7A1];
	s16 =	sadd.s32 s2, s16;
	s6 =	spop (v2sf);
	(v2sf) =	vpush v0, $0x9  }
0x11f: {  	[tilespmem:s30], [sflag:$0x1] =	stream.linear.gather [hbm4b:s16+s3], $0x80, $0x38;
	[tilespmem:$0x4400] =	vst v63  }
0x120: {  	s16 =	sand.u32 $0x1FFFFFF0, s1;
	s17 =	spop (v2sf);
	(v2sf) =	vpush v0, $0xA  }
0x121: {  	s16 =	sadd.s32 s2, s16  }
0x122: {  	[tilespmem:s0], [sflag:$0x1] =	stream.linear.gather [hbm4b:s16+s3], $0x80, $0x38;
	[tilespmem:$0x4400] =	vst v63  }
0x123: {  	s5 =	sld [smem:$0x7A2];
	s19 =	spop (v2sf);
	(v2sf) =	vpush v0, $0xB  }
0x124: {  	s16 =	sand.u32 $0x1FFFFFF0, s6  }
0x125: {  	s9 =	sld [smem:$0x7A3];
	s16 =	sadd.s32 s2, s16  }
0x126: {  	[tilespmem:s5], [sflag:$0x1] =	stream.linear.gather [hbm4b:s16+s3], $0x80, $0x38;
	[tilespmem:$0x4400] =	vst v63  }
0x127: {  	s16 =	sand.u32 $0x1FFFFFF0, s17  }
0x128: {  	s18 =	sld [smem:$0x7A4];
	s16 =	sadd.s32 s2, s16  }
0x129: {  	[tilespmem:s9], [sflag:$0x1] =	stream.linear.gather [hbm4b:s16+s3], $0x80, $0x38;
	[tilespmem:$0x4400] =	vst v63  }
0x12a: {  	s16 =	sand.u32 $0x1FFFFFF0, s19  }
0x12b: {  	s16 =	sadd.s32 s2, s16;
	s21 =	spop (v2sf);
	(v2sf) =	vpush v0, $0xC  }
0x12c: {  	[tilespmem:s18], [sflag:$0x1] =	stream.linear.gather [hbm4b:s16+s3], $0x80, $0x38;
	[tilespmem:$0x4400] =	vst v63  }
0x12d: {  	s20 =	sld [smem:$0x7A5];
	s23 =	spop (v2sf);
	(v2sf) =	vpush v0, $0xD  }
0x12e: {  	s16 =	sand.u32 $0x1FFFFFF0, s21  }
0x12f: {  	s22 =	sld [smem:$0x7A6];
	s16 =	sadd.s32 s2, s16;
	s25 =	spop (v2sf)  }
0x130: {  	(v2sf) =	vpush v0, $0xE;
	[tilespmem:s20], [sflag:$0x1] =	stream.linear.gather [hbm4b:s16+s3], $0x80, $0x38;
	[tilespmem:$0x4400] =	vst v63  }
0x131: {  	s16 =	sand.u32 $0x1FFFFFF0, s23  }
0x132: {  	s24 =	sld [smem:$0x7A7];
	s28 =	spop (v2sf);
	(v2sf) =	vpush v0, $0xF;
	s16 =	sadd.s32 s2, s16  }
0x133: {  	[tilespmem:s22], [sflag:$0x1] =	stream.linear.gather [hbm4b:s16+s3], $0x80, $0x38;
	[tilespmem:$0x4400] =	vst v63  }
0x134: {  	s16 =	sand.u32 $0x1FFFFFF0, s25  }
0x135: {  	s26 =	sld [smem:$0x7A8];
	s16 =	sadd.s32 s2, s16  }
0x136: {  	[tilespmem:s24], [sflag:$0x1] =	stream.linear.gather [hbm4b:s16+s3], $0x80, $0x38;
	[tilespmem:$0x4400] =	vst v63  }
0x137: {  	s16 =	sand.u32 $0x1FFFFFF0, s28  }
0x138: {  	s16 =	sadd.s32 s2, s16  }
0x139: {  	[tilespmem:s26], [sflag:$0x1] =	stream.linear.gather [hbm4b:s16+s3], $0x80, $0x38;
	[tilespmem:$0x4400] =	vst v63  }
0x13a: {  	s29 =	sld [smem:$0x7A9];
	s30 =	spop (v2sf)  }
0x13b: {  	s16 =	sand.u32 $0x1FFFFFF0, s30  }
0x13c: {  	s31 =	sld [smem:$0x7AA];
	s0 =	spop (v2sf);
	s16 =	sadd.s32 s2, s16  }
0x13d: {  	[tilespmem:s29], [sflag:$0x1] =	stream.linear.gather [hbm4b:s16+s3], $0x80, $0x38;
	[tilespmem:$0x4400] =	vst v63  }
0x13e: {  	s16 =	sand.u32 $0x1FFFFFF0, s0  }
0x13f: {  	s1 =	sld [smem:$0x7AB];
	s5 =	spop (v2sf);
	s16 =	sadd.s32 s2, s16  }
0x140: {  	[tilespmem:s31], [sflag:$0x1] =	stream.linear.gather [hbm4b:s16+s3], $0x80, $0x38;
	[tilespmem:$0x4400] =	vst v63  }
0x141: {  	s6 =	spop (v2sf);
	s16 =	sand.u32 $0x1FFFFFF0, s5  }
0x142: {  	s9 =	sld [smem:$0x7AC];
	s15 =	sand.u32 $0x1FFFFFF0, s6;
	s16 =	sadd.s32 s2, s16  }
0x143: {  	[tilespmem:s1], [sflag:$0x1] =	stream.linear.gather [hbm4b:s16+s3], $0x80, $0x38;
	[tilespmem:$0x4400] =	vst v63  }
0x144: {  	s15 =	sadd.s32 s2, s15  }
0x145: {  	[tilespmem:s9], [sflag:$0x1] =	stream.linear.gather [hbm4b:s15+s3], $0x80, $0x38;
	[tilespmem:$0x4400] =	vst v63  }
0x146: {  	v63 =	vld [tilespmem:s14+$0x10];
	_ =	sdelay $0x4  }
0x147: {  	v0 =	vshll.u32 v63, $0x4  }
0x148: {  	(v2sf) =	vpush v0, $0x0;
	_ =	sdelay $0x1  }
0x149: {  	(v2sf) =	vpush v0, $0x1;
	_ =	sdelay $0x1  }
0x14a: {  	(v2sf) =	vpush v0, $0x2;
	_ =	sdelay $0x2  }
0x14b: {  	(v2sf) =	vpush v0, $0x3;
	_ =	sdelay $0x7  }
0x14c: {  	s18 =	spop (v2sf);
	(v2sf) =	vpush v0, $0x4;
	_ =	sdelay $0x1  }
0x14d: {  	s20 =	spop (v2sf);
	(v2sf) =	vpush v0, $0x5;
	_ =	sdelay $0x1  }
0x14e: {  	s22 =	spop (v2sf);
	(v2sf) =	vpush v0, $0x6  }
0x14f: {  	s17 =	sld [smem:$0x7AD]  }
0x150: {  	s16 =	sand.u32 $0x1FFFFFF0, s18  }
0x151: {  	s19 =	sld [smem:$0x7AE];
	s16 =	sadd.s32 s2, s16;
	s24 =	spop (v2sf);
	(v2sf) =	vpush v0, $0x7  }
0x152: {  	[tilespmem:s17], [sflag:$0x1] =	stream.linear.gather [hbm4b:s16+s3], $0x80, $0x38;
	[tilespmem:$0x4400] =	vst v63  }
0x153: {  	s16 =	sand.u32 $0x1FFFFFF0, s20  }
0x154: {  	s21 =	sld [smem:$0x7AF];
	s16 =	sadd.s32 s2, s16  }
0x155: {  	[tilespmem:s19], [sflag:$0x1] =	stream.linear.gather [hbm4b:s16+s3], $0x80, $0x38;
	[tilespmem:$0x4400] =	vst v63  }
0x156: {  	s16 =	sand.u32 $0x1FFFFFF0, s22  }
0x157: {  	s16 =	sadd.s32 s2, s16  }
0x158: {  	[tilespmem:s21], [sflag:$0x1] =	stream.linear.gather [hbm4b:s16+s3], $0x80, $0x38;
	[tilespmem:$0x4400] =	vst v63  }
0x159: {  	s23 =	sld [smem:$0x7B0];
	s26 =	spop (v2sf);
	(v2sf) =	vpush v0, $0x8  }
0x15a: {  	s16 =	sand.u32 $0x1FFFFFF0, s24  }
0x15b: {  	s25 =	sld [smem:$0x7B1];
	s16 =	sadd.s32 s2, s16;
	s29 =	spop (v2sf);
	(v2sf) =	vpush v0, $0x9  }
0x15c: {  	[tilespmem:s23], [sflag:$0x1] =	stream.linear.gather [hbm4b:s16+s3], $0x80, $0x38;
	[tilespmem:$0x4400] =	vst v63  }
0x15d: {  	s16 =	sand.u32 $0x1FFFFFF0, s26;
	s31 =	spop (v2sf);
	(v2sf) =	vpush v0, $0xA  }
0x15e: {  	s16 =	sadd.s32 s2, s16  }
0x15f: {  	[tilespmem:s25], [sflag:$0x1] =	stream.linear.gather [hbm4b:s16+s3], $0x80, $0x38;
	[tilespmem:$0x4400] =	vst v63  }
0x160: {  	s28 =	sld [smem:$0x7B2];
	s1 =	spop (v2sf);
	(v2sf) =	vpush v0, $0xB  }
0x161: {  	s16 =	sand.u32 $0x1FFFFFF0, s29  }
0x162: {  	s30 =	sld [smem:$0x7B3];
	s16 =	sadd.s32 s2, s16  }
0x163: {  	[tilespmem:s28], [sflag:$0x1] =	stream.linear.gather [hbm4b:s16+s3], $0x80, $0x38;
	[tilespmem:$0x4400] =	vst v63  }
0x164: {  	s16 =	sand.u32 $0x1FFFFFF0, s31  }
0x165: {  	s0 =	sld [smem:$0x7B4];
	s16 =	sadd.s32 s2, s16  }
0x166: {  	[tilespmem:s30], [sflag:$0x1] =	stream.linear.gather [hbm4b:s16+s3], $0x80, $0x38;
	[tilespmem:$0x4400] =	vst v63  }
0x167: {  	s16 =	sand.u32 $0x1FFFFFF0, s1  }
0x168: {  	s16 =	sadd.s32 s2, s16;
	s6 =	spop (v2sf);
	(v2sf) =	vpush v0, $0xC  }
0x169: {  	[tilespmem:s0], [sflag:$0x1] =	stream.linear.gather [hbm4b:s16+s3], $0x80, $0x38;
	[tilespmem:$0x4400] =	vst v63  }
0x16a: {  	s5 =	sld [smem:$0x7B5];
	s17 =	spop (v2sf);
	(v2sf) =	vpush v0, $0xD  }
0x16b: {  	s16 =	sand.u32 $0x1FFFFFF0, s6  }
0x16c: {  	s9 =	sld [smem:$0x7B6];
	s16 =	sadd.s32 s2, s16;
	s19 =	spop (v2sf)  }
0x16d: {  	(v2sf) =	vpush v0, $0xE;
	[tilespmem:s5], [sflag:$0x1] =	stream.linear.gather [hbm4b:s16+s3], $0x80, $0x38;
	[tilespmem:$0x4400] =	vst v63  }
0x16e: {  	s16 =	sand.u32 $0x1FFFFFF0, s17  }
0x16f: {  	s18 =	sld [smem:$0x7B7];
	s21 =	spop (v2sf);
	(v2sf) =	vpush v0, $0xF;
	s16 =	sadd.s32 s2, s16  }
0x170: {  	[tilespmem:s9], [sflag:$0x1] =	stream.linear.gather [hbm4b:s16+s3], $0x80, $0x38;
	[tilespmem:$0x4400] =	vst v63  }
0x171: {  	s16 =	sand.u32 $0x1FFFFFF0, s19  }
0x172: {  	s20 =	sld [smem:$0x7B8];
	s16 =	sadd.s32 s2, s16  }
0x173: {  	[tilespmem:s18], [sflag:$0x1] =	stream.linear.gather [hbm4b:s16+s3], $0x80, $0x38;
	[tilespmem:$0x4400] =	vst v63  }
0x174: {  	s16 =	sand.u32 $0x1FFFFFF0, s21  }
0x175: {  	s16 =	sadd.s32 s2, s16  }
0x176: {  	[tilespmem:s20], [sflag:$0x1] =	stream.linear.gather [hbm4b:s16+s3], $0x80, $0x38;
	[tilespmem:$0x4400] =	vst v63  }
0x177: {  	s22 =	sld [smem:$0x7B9];
	s23 =	spop (v2sf)  }
0x178: {  	s16 =	sand.u32 $0x1FFFFFF0, s23  }
0x179: {  	s24 =	sld [smem:$0x7BA];
	s25 =	spop (v2sf);
	s16 =	sadd.s32 s2, s16  }
0x17a: {  	[tilespmem:s22], [sflag:$0x1] =	stream.linear.gather [hbm4b:s16+s3], $0x80, $0x38;
	[tilespmem:$0x4400] =	vst v63  }
0x17b: {  	s16 =	sand.u32 $0x1FFFFFF0, s25  }
0x17c: {  	s26 =	sld [smem:$0x7BB];
	s28 =	spop (v2sf);
	s16 =	sadd.s32 s2, s16  }
0x17d: {  	[tilespmem:s24], [sflag:$0x1] =	stream.linear.gather [hbm4b:s16+s3], $0x80, $0x38;
	[tilespmem:$0x4400] =	vst v63  }
0x17e: {  	s29 =	spop (v2sf);
	s16 =	sand.u32 $0x1FFFFFF0, s28  }
0x17f: {  	s30 =	sld [smem:$0x7BC];
	s15 =	sand.u32 $0x1FFFFFF0, s29;
	s16 =	sadd.s32 s2, s16  }
0x180: {  	[tilespmem:s26], [sflag:$0x1] =	stream.linear.gather [hbm4b:s16+s3], $0x80, $0x38;
	[tilespmem:$0x4400] =	vst v63  }
0x181: {  	s15 =	sadd.s32 s2, s15  }
0x182: {  	[tilespmem:s30], [sflag:$0x1] =	stream.linear.gather [hbm4b:s15+s3], $0x80, $0x38;
	[tilespmem:$0x4400] =	vst v63  }
0x183: {  	_ =	swait.ge [sflag:s11], $0x2000  }
0x184: {  	s31 =	rddreg [dreg:$0x5];
	[sflag:s11] =	ssyncset.done $0x0  }
0x185: {  	[sflag:s11] =	ssyncadd.s32 $0xFFFFE000;
	s15 =	sadd.s32 $0x0, s31  }
0x186: {  	[hbm4b:s15+s3] =	stream.linear.scatter [tilespmem:s10], [sflag:$0x2], $0x2000, $0x38;
	[tilespmem:$0x4400] =	vst v63  }
0x187: {  	_ =	swait.ge [sflag:s8], $0x2000  }
0x188: {  	s15 =	simm.s32 $0x400;
	[sflag:s8] =	ssyncset.done $0x0  }
.LBB2_2:
0x189: {  	[sflag:s8] =	ssyncadd.s32 $0xFFFFE000;
	s14 =	sadd.s32 $0x40, s14  }
0x18a: {  	v0 =	vld [tilespmem:s14+$0xFFFFFFE0];
	_ =	sdelay $0x4  }
0x18b: {  	v0 =	vshll.u32 v0, $0x4  }
0x18c: {  	(v2sf) =	vpush v0, $0x0  }
0x18d: {  	(v2sf) =	vpush v0, $0x1  }
0x18e: {  	(v2sf) =	vpush v0, $0x2  }
0x18f: {  	s19 =	rddreg [dreg:$0x12]  }
0x190: {  	s20 =	rddreg [dreg:$0x11];
	(v2sf) =	vpush v0, $0x3  }
0x191: {  	s21 =	rddreg [dreg:$0x10]  }
0x192: {  	s22 =	rddreg [dreg:$0xf];
	(v2sf) =	vpush v0, $0x4  }
0x193: {  	s23 =	rddreg [dreg:$0xe]  }
0x194: {  	s24 =	rddreg [dreg:$0xd];
	(v2sf) =	vpush v0, $0x5  }
0x195: {  	s25 =	rddreg [dreg:$0xc]  }
0x196: {  	s26 =	rddreg [dreg:$0xb];
	(v2sf) =	vpush v0, $0x6  }
0x197: {  	s28 =	rddreg [dreg:$0xa]  }
0x198: {  	s29 =	rddreg [dreg:$0x9];
	(v2sf) =	vpush v0, $0x7  }
0x199: {  	s30 =	rddreg [dreg:$0x8]  }
0x19a: {  	s31 =	rddreg [dreg:$0x7];
	(v2sf) =	vpush v0, $0x8  }
0x19b: {  	s0 =	rddreg [dreg:$0x6];
	s17 =	spop (v2sf)  }
0x19c: {  	s1 =	sand.u32 $0x1FFFFFF0, s17;
	s17 =	simm.s32 $0x0;
	s9 =	spop (v2sf);
	(v2sf) =	vpush v0, $0x9  }
0x19d: {  	s1 =	sadd.s32 s2, s1;
	s9 =	sand.u32 $0x1FFFFFF0, s9;
	s5 =	spop (v2sf)  }
0x19e: {  	(v2sf) =	vpush v0, $0xA;
	[tilespmem:s10], [sflag:$0x1] =	stream.linear.gather [hbm4b:s1+s17], $0x80, $0x38;
	[tilespmem:$0x4400] =	vst v63  }
0x19f: {  	s9 =	sadd.s32 s2, s9;
	s5 =	sand.u32 $0x1FFFFFF0, s5;
	s6 =	spop (v2sf)  }
0x1a0: {  	(v2sf) =	vpush v0, $0xB;
	[tilespmem:s0], [sflag:$0x1] =	stream.linear.gather [hbm4b:s9+s17], $0x80, $0x38;
	[tilespmem:$0x4400] =	vst v63  }
0x1a1: {  	s5 =	sadd.s32 s2, s5;
	s6 =	sand.u32 $0x1FFFFFF0, s6;
	s9 =	spop (v2sf)  }
0x1a2: {  	(v2sf) =	vpush v0, $0xC;
	[tilespmem:s31], [sflag:$0x1] =	stream.linear.gather [hbm4b:s5+s17], $0x80, $0x38;
	[tilespmem:$0x4400] =	vst v63  }
0x1a3: {  	s6 =	sadd.s32 s2, s6;
	s9 =	sand.u32 $0x1FFFFFF0, s9;
	s31 =	spop (v2sf)  }
0x1a4: {  	(v2sf) =	vpush v0, $0xD;
	[tilespmem:s30], [sflag:$0x1] =	stream.linear.gather [hbm4b:s6+s17], $0x80, $0x38;
	[tilespmem:$0x4400] =	vst v63  }
0x1a5: {  	s1 =	sadd.s32 s2, s9;
	s9 =	spop (v2sf);
	s6 =	sand.u32 $0x1FFFFFF0, s31  }
0x1a6: {  	(v2sf) =	vpush v0, $0xE;
	[tilespmem:s29], [sflag:$0x1] =	stream.linear.gather [hbm4b:s1+s17], $0x80, $0x38;
	[tilespmem:$0x4400] =	vst v63  }
0x1a7: {  	s30 =	sand.u32 $0x1FFFFFF0, s9;
	s31 =	spop (v2sf);
	s29 =	sadd.s32 s2, s6  }
0x1a8: {  	(v2sf) =	vpush v0, $0xF;
	[tilespmem:s28], [sflag:$0x1] =	stream.linear.gather [hbm4b:s29+s17], $0x80, $0x38;
	[tilespmem:$0x4400] =	vst v63  }
0x1a9: {  	s9 =	sand.u32 $0x1FFFFFF0, s31;
	s6 =	sadd.s32 s2, s30;
	s28 =	spop (v2sf)  }
0x1aa: {  	[tilespmem:s26], [sflag:$0x1] =	stream.linear.gather [hbm4b:s6+s17], $0x80, $0x38;
	[tilespmem:$0x4400] =	vst v63  }
0x1ab: {  	s29 =	sadd.s32 s2, s9;
	s30 =	sand.u32 $0x1FFFFFF0, s28;
	s31 =	spop (v2sf)  }
0x1ac: {  	[tilespmem:s25], [sflag:$0x1] =	stream.linear.gather [hbm4b:s29+s17], $0x80, $0x38;
	[tilespmem:$0x4400] =	vst v63  }
0x1ad: {  	s1 =	sadd.s32 s2, s30;
	s6 =	sand.u32 $0x1FFFFFF0, s31;
	s9 =	spop (v2sf)  }
0x1ae: {  	[tilespmem:s24], [sflag:$0x1] =	stream.linear.gather [hbm4b:s1+s17], $0x80, $0x38;
	[tilespmem:$0x4400] =	vst v63  }
0x1af: {  	s25 =	sadd.s32 s2, s6;
	s26 =	sand.u32 $0x1FFFFFF0, s9;
	s28 =	spop (v2sf)  }
0x1b0: {  	[tilespmem:s23], [sflag:$0x1] =	stream.linear.gather [hbm4b:s25+s17], $0x80, $0x38;
	[tilespmem:$0x4400] =	vst v63  }
0x1b1: {  	s29 =	sadd.s32 s2, s26;
	s30 =	sand.u32 $0x1FFFFFF0, s28;
	s31 =	spop (v2sf)  }
0x1b2: {  	[tilespmem:s22], [sflag:$0x1] =	stream.linear.gather [hbm4b:s29+s17], $0x80, $0x38;
	[tilespmem:$0x4400] =	vst v63  }
0x1b3: {  	s1 =	sadd.s32 s2, s30;
	s5 =	sand.u32 $0x1FFFFFF0, s31;
	s6 =	spop (v2sf)  }
0x1b4: {  	[tilespmem:s21], [sflag:$0x1] =	stream.linear.gather [hbm4b:s1+s17], $0x80, $0x38;
	[tilespmem:$0x4400] =	vst v63  }
0x1b5: {  	s9 =	sadd.s32 s2, s5;
	s22 =	spop (v2sf);
	s21 =	sand.u32 $0x1FFFFFF0, s6  }
0x1b6: {  	[tilespmem:s20], [sflag:$0x1] =	stream.linear.gather [hbm4b:s9+s17], $0x80, $0x38;
	[tilespmem:$0x4400] =	vst v63  }
0x1b7: {  	s24 =	sand.u32 $0x1FFFFFF0, s22;
	s25 =	spop (v2sf);
	s23 =	sadd.s32 s2, s21  }
0x1b8: {  	[tilespmem:s19], [sflag:$0x1] =	stream.linear.gather [hbm4b:s23+s17], $0x80, $0x38;
	[tilespmem:$0x4400] =	vst v63  }
0x1b9: {  	s18 =	rddreg [dreg:$0x13];
	s26 =	sadd.s32 s2, s24;
	s28 =	sand.u32 $0x1FFFFFF0, s25  }
0x1ba: {  	[tilespmem:s18], [sflag:$0x1] =	stream.linear.gather [hbm4b:s26+s17], $0x80, $0x38;
	[tilespmem:$0x4400] =	vst v63  }
0x1bb: {  	s29 =	rddreg [dreg:$0x14];
	s30 =	sadd.s32 s2, s28  }
0x1bc: {  	[tilespmem:s29], [sflag:$0x1] =	stream.linear.gather [hbm4b:s30+s17], $0x80, $0x38;
	[tilespmem:$0x4400] =	vst v63  }
0x1bd: {  	v61 =	vld [tilespmem:s14+$0xFFFFFFF0];
	_ =	sdelay $0x4  }
0x1be: {  	v0 =	vshll.u32 v61, $0x4  }
0x1bf: {  	(v2sf) =	vpush v0, $0x0  }
0x1c0: {  	(v2sf) =	vpush v0, $0x1  }
0x1c1: {  	s0 =	rddreg [dreg:$0x1a];
	(v2sf) =	vpush v0, $0x2  }
0x1c2: {  	s5 =	rddreg [dreg:$0x18]  }
0x1c3: {  	s22 =	rddreg [dreg:$0x1f];
	(v2sf) =	vpush v0, $0x3  }
0x1c4: {  	s24 =	rddreg [dreg:$0x1d]  }
0x1c5: {  	s25 =	rddreg [dreg:$0x1c];
	(v2sf) =	vpush v0, $0x4  }
0x1c6: {  	s1 =	rddreg [dreg:$0x19]  }
0x1c7: {  	s21 =	sld [smem:$0x798];
	(v2sf) =	vpush v0, $0x5  }
0x1c8: {  	s28 =	rddreg [dreg:$0x15]  }
0x1c9: {  	s20 =	sld [smem:$0x799];
	(v2sf) =	vpush v0, $0x6  }
0x1ca: {  	s9 =	rddreg [dreg:$0x17]  }
0x1cb: {  	s19 =	sld [smem:$0x79A];
	(v2sf) =	vpush v0, $0x7  }
0x1cc: {  	s23 =	rddreg [dreg:$0x1e]  }
0x1cd: {  	s18 =	sld [smem:$0x79B];
	(v2sf) =	vpush v0, $0x8  }
0x1ce: {  	s26 =	rddreg [dreg:$0x1b];
	s31 =	spop (v2sf)  }
0x1cf: {  	s30 =	rddreg [dreg:$0x16];
	s29 =	sand.u32 $0x1FFFFFF0, s31;
	s6 =	spop (v2sf);
	(v2sf) =	vpush v0, $0x9  }
0x1d0: {  	s29 =	sadd.s32 s2, s29;
	s31 =	sand.u32 $0x1FFFFFF0, s6;
	s6 =	spop (v2sf)  }
0x1d1: {  	(v2sf) =	vpush v0, $0xA;
	[tilespmem:s28], [sflag:$0x1] =	stream.linear.gather [hbm4b:s29+s17], $0x80, $0x38;
	[tilespmem:$0x4400] =	vst v63  }
0x1d2: {  	s28 =	sadd.s32 s2, s31;
	s6 =	sand.u32 $0x1FFFFFF0, s6;
	s31 =	spop (v2sf)  }
0x1d3: {  	(v2sf) =	vpush v0, $0xB;
	[tilespmem:s30], [sflag:$0x1] =	stream.linear.gather [hbm4b:s28+s17], $0x80, $0x38;
	[tilespmem:$0x4400] =	vst v63  }
0x1d4: {  	s6 =	sadd.s32 s2, s6;
	s30 =	sand.u32 $0x1FFFFFF0, s31;
	s31 =	spop (v2sf)  }
0x1d5: {  	(v2sf) =	vpush v0, $0xC;
	[tilespmem:s9], [sflag:$0x1] =	stream.linear.gather [hbm4b:s6+s17], $0x80, $0x38;
	[tilespmem:$0x4400] =	vst v63  }
0x1d6: {  	s9 =	sadd.s32 s2, s30;
	s30 =	sand.u32 $0x1FFFFFF0, s31;
	s31 =	spop (v2sf)  }
0x1d7: {  	(v2sf) =	vpush v0, $0xD;
	[tilespmem:s5], [sflag:$0x1] =	stream.linear.gather [hbm4b:s9+s17], $0x80, $0x38;
	[tilespmem:$0x4400] =	vst v63  }
0x1d8: {  	s6 =	sadd.s32 s2, s30;
	s28 =	spop (v2sf);
	s9 =	sand.u32 $0x1FFFFFF0, s31  }
0x1d9: {  	(v2sf) =	vpush v0, $0xE;
	[tilespmem:s1], [sflag:$0x1] =	stream.linear.gather [hbm4b:s6+s17], $0x80, $0x38;
	[tilespmem:$0x4400] =	vst v63  }
0x1da: {  	s30 =	sand.u32 $0x1FFFFFF0, s28;
	s31 =	spop (v2sf);
	s29 =	sadd.s32 s2, s9  }
0x1db: {  	(v2sf) =	vpush v0, $0xF;
	[tilespmem:s0], [sflag:$0x1] =	stream.linear.gather [hbm4b:s29+s17], $0x80, $0x38;
	[tilespmem:$0x4400] =	vst v63  }
0x1dc: {  	s5 =	sand.u32 $0x1FFFFFF0, s31;
	s1 =	sadd.s32 s2, s30;
	s6 =	spop (v2sf)  }
0x1dd: {  	[tilespmem:s26], [sflag:$0x1] =	stream.linear.gather [hbm4b:s1+s17], $0x80, $0x38;
	[tilespmem:$0x4400] =	vst v63  }
0x1de: {  	s9 =	sadd.s32 s2, s5;
	s26 =	sand.u32 $0x1FFFFFF0, s6;
	s28 =	spop (v2sf)  }
0x1df: {  	[tilespmem:s25], [sflag:$0x1] =	stream.linear.gather [hbm4b:s9+s17], $0x80, $0x38;
	[tilespmem:$0x4400] =	vst v63  }
0x1e0: {  	s29 =	sadd.s32 s2, s26;
	s30 =	sand.u32 $0x1FFFFFF0, s28;
	s31 =	spop (v2sf)  }
0x1e1: {  	[tilespmem:s24], [sflag:$0x1] =	stream.linear.gather [hbm4b:s29+s17], $0x80, $0x38;
	[tilespmem:$0x4400] =	vst v63  }
0x1e2: {  	s6 =	sadd.s32 s2, s30;
	s9 =	sand.u32 $0x1FFFFFF0, s31;
	s24 =	spop (v2sf)  }
0x1e3: {  	[tilespmem:s23], [sflag:$0x1] =	stream.linear.gather [hbm4b:s6+s17], $0x80, $0x38;
	[tilespmem:$0x4400] =	vst v63  }
0x1e4: {  	s25 =	sadd.s32 s2, s9;
	s26 =	sand.u32 $0x1FFFFFF0, s24;
	s28 =	spop (v2sf)  }
0x1e5: {  	[tilespmem:s22], [sflag:$0x1] =	stream.linear.gather [hbm4b:s25+s17], $0x80, $0x38;
	[tilespmem:$0x4400] =	vst v63  }
0x1e6: {  	s29 =	sadd.s32 s2, s26;
	s30 =	sand.u32 $0x1FFFFFF0, s28;
	s31 =	spop (v2sf)  }
0x1e7: {  	[tilespmem:s21], [sflag:$0x1] =	stream.linear.gather [hbm4b:s29+s17], $0x80, $0x38;
	[tilespmem:$0x4400] =	vst v63  }
0x1e8: {  	s6 =	sadd.s32 s2, s30;
	s9 =	sand.u32 $0x1FFFFFF0, s31;
	s21 =	spop (v2sf)  }
0x1e9: {  	[tilespmem:s20], [sflag:$0x1] =	stream.linear.gather [hbm4b:s6+s17], $0x80, $0x38;
	[tilespmem:$0x4400] =	vst v63  }
0x1ea: {  	s22 =	sadd.s32 s2, s9;
	s23 =	sand.u32 $0x1FFFFFF0, s21;
	s24 =	spop (v2sf)  }
0x1eb: {  	[tilespmem:s19], [sflag:$0x1] =	stream.linear.gather [hbm4b:s22+s17], $0x80, $0x38;
	[tilespmem:$0x4400] =	vst v63  }
0x1ec: {  	s28 =	sld [smem:$0x79C];
	s25 =	sadd.s32 s2, s23;
	s26 =	sand.u32 $0x1FFFFFF0, s24  }
0x1ed: {  	[tilespmem:s18], [sflag:$0x1] =	stream.linear.gather [hbm4b:s25+s17], $0x80, $0x38;
	[tilespmem:$0x4400] =	vst v63  }
0x1ee: {  	s29 =	sadd.s32 s2, s26  }
0x1ef: {  	[tilespmem:s28], [sflag:$0x1] =	stream.linear.gather [hbm4b:s29+s17], $0x80, $0x38;
	[tilespmem:$0x4400] =	vst v63  }
0x1f0: {  	v62 =	vld [tilespmem:s14+$0x0];
	_ =	sdelay $0x4  }
0x1f1: {  	v0 =	vshll.u32 v62, $0x4  }
0x1f2: {  	(v2sf) =	vpush v0, $0x0  }
0x1f3: {  	(v2sf) =	vpush v0, $0x1  }
0x1f4: {  	s5 =	sld [smem:$0x7A0];
	(v2sf) =	vpush v0, $0x2  }
0x1f5: {  	s0 =	sld [smem:$0x7A2]  }
0x1f6: {  	s1 =	sld [smem:$0x7A1];
	(v2sf) =	vpush v0, $0x3  }
0x1f7: {  	s9 =	sld [smem:$0x79D]  }
0x1f8: {  	s21 =	sld [smem:$0x7A8];
	(v2sf) =	vpush v0, $0x4  }
0x1f9: {  	s20 =	sld [smem:$0x7A9]  }
0x1fa: {  	s23 =	sld [smem:$0x7A6];
	(v2sf) =	vpush v0, $0x5  }
0x1fb: {  	s24 =	sld [smem:$0x7A5]  }
0x1fc: {  	s6 =	sld [smem:$0x79F];
	(v2sf) =	vpush v0, $0x6  }
0x1fd: {  	s26 =	sld [smem:$0x7A3]  }
0x1fe: {  	s19 =	sld [smem:$0x7AA];
	(v2sf) =	vpush v0, $0x7  }
0x1ff: {  	s22 =	sld [smem:$0x7A7]  }
0x200: {  	s18 =	sld [smem:$0x7AB];
	(v2sf) =	vpush v0, $0x8  }
0x201: {  	s25 =	sld [smem:$0x7A4];
	s30 =	spop (v2sf)  }
0x202: {  	s29 =	sld [smem:$0x79E];
	s28 =	sand.u32 $0x1FFFFFF0, s30;
	s31 =	spop (v2sf);
	(v2sf) =	vpush v0, $0x9  }
0x203: {  	s28 =	sadd.s32 s2, s28;
	s30 =	sand.u32 $0x1FFFFFF0, s31;
	s31 =	spop (v2sf)  }
0x204: {  	(v2sf) =	vpush v0, $0xA;
	[tilespmem:s9], [sflag:$0x1] =	stream.linear.gather [hbm4b:s28+s17], $0x80, $0x38;
	[tilespmem:$0x4400] =	vst v63  }
0x205: {  	s9 =	sadd.s32 s2, s30;
	s28 =	sand.u32 $0x1FFFFFF0, s31;
	s31 =	spop (v2sf)  }
0x206: {  	(v2sf) =	vpush v0, $0xB;
	[tilespmem:s29], [sflag:$0x1] =	stream.linear.gather [hbm4b:s9+s17], $0x80, $0x38;
	[tilespmem:$0x4400] =	vst v63  }
0x207: {  	s30 =	sand.u32 $0x1FFFFFF0, s31;
	s31 =	spop (v2sf);
	s9 =	sadd.s32 s2, s28  }
0x208: {  	(v2sf) =	vpush v0, $0xC;
	[tilespmem:s6], [sflag:$0x1] =	stream.linear.gather [hbm4b:s9+s17], $0x80, $0x38;
	[tilespmem:$0x4400] =	vst v63  }
0x209: {  	s9 =	sadd.s32 s2, s30;
	s30 =	sand.u32 $0x1FFFFFF0, s31;
	s31 =	spop (v2sf)  }
0x20a: {  	(v2sf) =	vpush v0, $0xD;
	[tilespmem:s5], [sflag:$0x1] =	stream.linear.gather [hbm4b:s9+s17], $0x80, $0x38;
	[tilespmem:$0x4400] =	vst v63  }
0x20b: {  	s6 =	sadd.s32 s2, s30;
	s28 =	spop (v2sf);
	s9 =	sand.u32 $0x1FFFFFF0, s31  }
0x20c: {  	(v2sf) =	vpush v0, $0xE;
	[tilespmem:s1], [sflag:$0x1] =	stream.linear.gather [hbm4b:s6+s17], $0x80, $0x38;
	[tilespmem:$0x4400] =	vst v63  }
0x20d: {  	s30 =	sand.u32 $0x1FFFFFF0, s28;
	s31 =	spop (v2sf);
	s29 =	sadd.s32 s2, s9  }
0x20e: {  	(v2sf) =	vpush v0, $0xF;
	[tilespmem:s0], [sflag:$0x1] =	stream.linear.gather [hbm4b:s29+s17], $0x80, $0x38;
	[tilespmem:$0x4400] =	vst v63  }
0x20f: {  	s5 =	sand.u32 $0x1FFFFFF0, s31;
	s1 =	sadd.s32 s2, s30;
	s6 =	spop (v2sf)  }
0x210: {  	[tilespmem:s26], [sflag:$0x1] =	stream.linear.gather [hbm4b:s1+s17], $0x80, $0x38;
	[tilespmem:$0x4400] =	vst v63  }
0x211: {  	s9 =	sadd.s32 s2, s5;
	s26 =	sand.u32 $0x1FFFFFF0, s6;
	s28 =	spop (v2sf)  }
0x212: {  	[tilespmem:s25], [sflag:$0x1] =	stream.linear.gather [hbm4b:s9+s17], $0x80, $0x38;
	[tilespmem:$0x4400] =	vst v63  }
0x213: {  	s29 =	sadd.s32 s2, s26;
	s30 =	sand.u32 $0x1FFFFFF0, s28;
	s31 =	spop (v2sf)  }
0x214: {  	[tilespmem:s24], [sflag:$0x1] =	stream.linear.gather [hbm4b:s29+s17], $0x80, $0x38;
	[tilespmem:$0x4400] =	vst v63  }
0x215: {  	s6 =	sadd.s32 s2, s30;
	s9 =	sand.u32 $0x1FFFFFF0, s31;
	s24 =	spop (v2sf)  }
0x216: {  	[tilespmem:s23], [sflag:$0x1] =	stream.linear.gather [hbm4b:s6+s17], $0x80, $0x38;
	[tilespmem:$0x4400] =	vst v63  }
0x217: {  	s25 =	sadd.s32 s2, s9;
	s26 =	sand.u32 $0x1FFFFFF0, s24;
	s28 =	spop (v2sf)  }
0x218: {  	[tilespmem:s22], [sflag:$0x1] =	stream.linear.gather [hbm4b:s25+s17], $0x80, $0x38;
	[tilespmem:$0x4400] =	vst v63  }
0x219: {  	s29 =	sadd.s32 s2, s26;
	s30 =	sand.u32 $0x1FFFFFF0, s28;
	s31 =	spop (v2sf)  }
0x21a: {  	[tilespmem:s21], [sflag:$0x1] =	stream.linear.gather [hbm4b:s29+s17], $0x80, $0x38;
	[tilespmem:$0x4400] =	vst v63  }
0x21b: {  	s6 =	sadd.s32 s2, s30;
	s9 =	sand.u32 $0x1FFFFFF0, s31;
	s21 =	spop (v2sf)  }
0x21c: {  	[tilespmem:s20], [sflag:$0x1] =	stream.linear.gather [hbm4b:s6+s17], $0x80, $0x38;
	[tilespmem:$0x4400] =	vst v63  }
0x21d: {  	s22 =	sadd.s32 s2, s9;
	s23 =	sand.u32 $0x1FFFFFF0, s21;
	s24 =	spop (v2sf)  }
0x21e: {  	[tilespmem:s19], [sflag:$0x1] =	stream.linear.gather [hbm4b:s22+s17], $0x80, $0x38;
	[tilespmem:$0x4400] =	vst v63  }
0x21f: {  	s28 =	sld [smem:$0x7AC];
	s25 =	sadd.s32 s2, s23;
	s26 =	sand.u32 $0x1FFFFFF0, s24  }
0x220: {  	[tilespmem:s18], [sflag:$0x1] =	stream.linear.gather [hbm4b:s25+s17], $0x80, $0x38;
	[tilespmem:$0x4400] =	vst v63  }
0x221: {  	s29 =	sadd.s32 s2, s26  }
0x222: {  	[tilespmem:s28], [sflag:$0x1] =	stream.linear.gather [hbm4b:s29+s17], $0x80, $0x38;
	[tilespmem:$0x4400] =	vst v63  }
0x223: {  	v63 =	vld [tilespmem:s14+$0x10];
	_ =	sdelay $0x4  }
0x224: {  	v0 =	vshll.u32 v63, $0x4  }
0x225: {  	(v2sf) =	vpush v0, $0x0  }
0x226: {  	(v2sf) =	vpush v0, $0x1  }
0x227: {  	s5 =	sld [smem:$0x7B0];
	(v2sf) =	vpush v0, $0x2  }
0x228: {  	s0 =	sld [smem:$0x7B2]  }
0x229: {  	s1 =	sld [smem:$0x7B1];
	(v2sf) =	vpush v0, $0x3  }
0x22a: {  	s9 =	sld [smem:$0x7AD]  }
0x22b: {  	s21 =	sld [smem:$0x7B8];
	(v2sf) =	vpush v0, $0x4  }
0x22c: {  	s20 =	sld [smem:$0x7B9]  }
0x22d: {  	s23 =	sld [smem:$0x7B6];
	(v2sf) =	vpush v0, $0x5  }
0x22e: {  	s24 =	sld [smem:$0x7B5]  }
0x22f: {  	s6 =	sld [smem:$0x7AF];
	(v2sf) =	vpush v0, $0x6  }
0x230: {  	s26 =	sld [smem:$0x7B3]  }
0x231: {  	s19 =	sld [smem:$0x7BA];
	(v2sf) =	vpush v0, $0x7  }
0x232: {  	s22 =	sld [smem:$0x7B7]  }
0x233: {  	s18 =	sld [smem:$0x7BB];
	(v2sf) =	vpush v0, $0x8  }
0x234: {  	s25 =	sld [smem:$0x7B4];
	s30 =	spop (v2sf)  }
0x235: {  	s29 =	sld [smem:$0x7AE];
	s28 =	sand.u32 $0x1FFFFFF0, s30;
	s31 =	spop (v2sf);
	(v2sf) =	vpush v0, $0x9  }
0x236: {  	s28 =	sadd.s32 s2, s28;
	s30 =	sand.u32 $0x1FFFFFF0, s31;
	s31 =	spop (v2sf)  }
0x237: {  	(v2sf) =	vpush v0, $0xA;
	[tilespmem:s9], [sflag:$0x1] =	stream.linear.gather [hbm4b:s28+s17], $0x80, $0x38;
	[tilespmem:$0x4400] =	vst v63  }
0x238: {  	s9 =	sadd.s32 s2, s30;
	s28 =	sand.u32 $0x1FFFFFF0, s31;
	s31 =	spop (v2sf)  }
0x239: {  	(v2sf) =	vpush v0, $0xB;
	[tilespmem:s29], [sflag:$0x1] =	stream.linear.gather [hbm4b:s9+s17], $0x80, $0x38;
	[tilespmem:$0x4400] =	vst v63  }
0x23a: {  	s30 =	sand.u32 $0x1FFFFFF0, s31;
	s31 =	spop (v2sf);
	s9 =	sadd.s32 s2, s28  }
0x23b: {  	(v2sf) =	vpush v0, $0xC;
	[tilespmem:s6], [sflag:$0x1] =	stream.linear.gather [hbm4b:s9+s17], $0x80, $0x38;
	[tilespmem:$0x4400] =	vst v63  }
0x23c: {  	s9 =	sadd.s32 s2, s30;
	s30 =	sand.u32 $0x1FFFFFF0, s31;
	s31 =	spop (v2sf)  }
0x23d: {  	(v2sf) =	vpush v0, $0xD;
	[tilespmem:s5], [sflag:$0x1] =	stream.linear.gather [hbm4b:s9+s17], $0x80, $0x38;
	[tilespmem:$0x4400] =	vst v63  }
0x23e: {  	s6 =	sadd.s32 s2, s30;
	s28 =	spop (v2sf);
	s9 =	sand.u32 $0x1FFFFFF0, s31  }
0x23f: {  	(v2sf) =	vpush v0, $0xE;
	[tilespmem:s1], [sflag:$0x1] =	stream.linear.gather [hbm4b:s6+s17], $0x80, $0x38;
	[tilespmem:$0x4400] =	vst v63  }
0x240: {  	s30 =	sand.u32 $0x1FFFFFF0, s28;
	s31 =	spop (v2sf);
	s29 =	sadd.s32 s2, s9  }
0x241: {  	(v2sf) =	vpush v0, $0xF;
	[tilespmem:s0], [sflag:$0x1] =	stream.linear.gather [hbm4b:s29+s17], $0x80, $0x38;
	[tilespmem:$0x4400] =	vst v63  }
0x242: {  	s5 =	sadd.s32 s2, s30;
	s9 =	sand.u32 $0x1FFFFFF0, s31;
	s28 =	spop (v2sf)  }
0x243: {  	[tilespmem:s26], [sflag:$0x1] =	stream.linear.gather [hbm4b:s5+s17], $0x80, $0x38;
	[tilespmem:$0x4400] =	vst v63  }
0x244: {  	s30 =	sand.u32 $0x1FFFFFF0, s28;
	s29 =	sadd.s32 s2, s9;
	s31 =	spop (v2sf)  }
0x245: {  	[tilespmem:s25], [sflag:$0x1] =	stream.linear.gather [hbm4b:s29+s17], $0x80, $0x38;
	[tilespmem:$0x4400] =	vst v63  }
0x246: {  	s1 =	sadd.s32 s2, s30;
	s6 =	sand.u32 $0x1FFFFFF0, s31;
	s9 =	spop (v2sf)  }
0x247: {  	[tilespmem:s24], [sflag:$0x1] =	stream.linear.gather [hbm4b:s1+s17], $0x80, $0x38;
	[tilespmem:$0x4400] =	vst v63  }
0x248: {  	s25 =	sadd.s32 s2, s6;
	s26 =	sand.u32 $0x1FFFFFF0, s9;
	s28 =	spop (v2sf)  }
0x249: {  	[tilespmem:s23], [sflag:$0x1] =	stream.linear.gather [hbm4b:s25+s17], $0x80, $0x38;
	[tilespmem:$0x4400] =	vst v63  }
0x24a: {  	s29 =	sadd.s32 s2, s26;
	s30 =	sand.u32 $0x1FFFFFF0, s28;
	s31 =	spop (v2sf)  }
0x24b: {  	[tilespmem:s22], [sflag:$0x1] =	stream.linear.gather [hbm4b:s29+s17], $0x80, $0x38;
	[tilespmem:$0x4400] =	vst v63  }
0x24c: {  	s1 =	sadd.s32 s2, s30;
	s5 =	sand.u32 $0x1FFFFFF0, s31;
	s6 =	spop (v2sf)  }
0x24d: {  	[tilespmem:s21], [sflag:$0x1] =	stream.linear.gather [hbm4b:s1+s17], $0x80, $0x38;
	[tilespmem:$0x4400] =	vst v63  }
0x24e: {  	s9 =	sadd.s32 s2, s5;
	s22 =	spop (v2sf);
	s21 =	sand.u32 $0x1FFFFFF0, s6  }
0x24f: {  	[tilespmem:s20], [sflag:$0x1] =	stream.linear.gather [hbm4b:s9+s17], $0x80, $0x38;
	[tilespmem:$0x4400] =	vst v63  }
0x250: {  	s24 =	sand.u32 $0x1FFFFFF0, s22;
	s25 =	spop (v2sf);
	s23 =	sadd.s32 s2, s21  }
0x251: {  	[tilespmem:s19], [sflag:$0x1] =	stream.linear.gather [hbm4b:s23+s17], $0x80, $0x38;
	[tilespmem:$0x4400] =	vst v63  }
0x252: {  	s29 =	sld [smem:$0x7BC];
	s26 =	sadd.s32 s2, s24;
	s28 =	sand.u32 $0x1FFFFFF0, s25  }
0x253: {  	[tilespmem:s18], [sflag:$0x1] =	stream.linear.gather [hbm4b:s26+s17], $0x80, $0x38;
	[tilespmem:$0x4400] =	vst v63  }
0x254: {  	s30 =	sadd.s32 s2, s28  }
0x255: {  	[tilespmem:s29], [sflag:$0x1] =	stream.linear.gather [hbm4b:s30+s17], $0x80, $0x38;
	[tilespmem:$0x4400] =	vst v63  }
0x256: {  	p0 =	sne.s32 s15, $0x1C00;
	s16 =	smov.u32 s15;
	_ =	swait.ge [sflag:s11], $0x2000  }
.Ltmp0:
0x257: {  	s31 =	rddreg [dreg:$0x5];
	[sflag:s11] =	ssyncset.done $0x0;
	(pc) =	sbr.rel @p0 .LBB2_2-.Ltmp0, $4  }
0x258: {  	[sflag:s11] =	ssyncadd.s32 $0xFFFFE000;
	s0 =	sadd.s32 s16, s31  }
0x259: {  	[hbm4b:s0+s17] =	stream.linear.scatter [tilespmem:s10], [sflag:$0x2], $0x2000, $0x38;
	[tilespmem:$0x4400] =	vst v63  }
0x25a: {  	_ =	swait.ge [sflag:s8], $0x2000  }
0x25b: {  	s15 =	sadd.s32 $0x400, s15;
	[sflag:s8] =	ssyncset.done $0x0  }
0x25c: {  	[sflag:s8] =	ssyncadd.s32 $0xFFFFE000;
	s14 =	simm.s32 $0x220  }
0x25d: {  	v0 =	vld [tilespmem:s14+$0xFFFFFFE0];
	_ =	sdelay $0x4  }
0x25e: {  	v0 =	vshll.u32 v0, $0x4  }
0x25f: {  	(v2sf) =	vpush v0, $0x0  }
0x260: {  	(v2sf) =	vpush v0, $0x1  }
0x261: {  	(v2sf) =	vpush v0, $0x2  }
0x262: {  	s15 =	sld [smem:$0x7CA]  }
0x263: {  	s16 =	sld [smem:$0x7C9];
	(v2sf) =	vpush v0, $0x3  }
0x264: {  	s17 =	sld [smem:$0x7C8]  }
0x265: {  	s18 =	sld [smem:$0x7C7];
	(v2sf) =	vpush v0, $0x4  }
0x266: {  	s19 =	sld [smem:$0x7C6]  }
0x267: {  	s0 =	sld [smem:$0x7C5];
	(v2sf) =	vpush v0, $0x5  }
0x268: {  	s1 =	sld [smem:$0x7C4]  }
0x269: {  	s5 =	sld [smem:$0x7C3];
	(v2sf) =	vpush v0, $0x6  }
0x26a: {  	s6 =	sld [smem:$0x7C2]  }
0x26b: {  	s9 =	sld [smem:$0x7C1];
	(v2sf) =	vpush v0, $0x7  }
0x26c: {  	s20 =	sld [smem:$0x7C0]  }
0x26d: {  	s21 =	sld [smem:$0x7BF];
	(v2sf) =	vpush v0, $0x8  }
0x26e: {  	s22 =	sld [smem:$0x7BE];
	s23 =	spop (v2sf)  }
0x26f: {  	s24 =	sld [smem:$0x7BD];
	s23 =	sand.u32 $0x1FFFFFF0, s23;
	s25 =	spop (v2sf);
	(v2sf) =	vpush v0, $0x9  }
0x270: {  	s23 =	sadd.s32 s4, s23;
	s25 =	sand.u32 $0x1FFFFFF0, s25;
	s26 =	spop (v2sf)  }
0x271: {  	(v2sf) =	vpush v0, $0xA;
	[tilespmem:s12], [sflag:$0x1] =	stream.linear.gather [hbm4b:s23+s3], $0x80, $0x38;
	[tilespmem:$0x4400] =	vst v63  }
0x272: {  	s29 =	sadd.s32 s4, s25;
	s30 =	sand.u32 $0x1FFFFFF0, s26;
	s31 =	spop (v2sf)  }
0x273: {  	(v2sf) =	vpush v0, $0xB;
	[tilespmem:s24], [sflag:$0x1] =	stream.linear.gather [hbm4b:s29+s3], $0x80, $0x38;
	[tilespmem:$0x4400] =	vst v63  }
0x274: {  	s25 =	sadd.s32 s4, s30;
	s26 =	sand.u32 $0x1FFFFFF0, s31;
	s28 =	spop (v2sf)  }
0x275: {  	(v2sf) =	vpush v0, $0xC;
	[tilespmem:s22], [sflag:$0x1] =	stream.linear.gather [hbm4b:s25+s3], $0x80, $0x38;
	[tilespmem:$0x4400] =	vst v63  }
0x276: {  	s29 =	sadd.s32 s4, s26;
	s30 =	sand.u32 $0x1FFFFFF0, s28;
	s31 =	spop (v2sf)  }
0x277: {  	(v2sf) =	vpush v0, $0xD;
	[tilespmem:s21], [sflag:$0x1] =	stream.linear.gather [hbm4b:s29+s3], $0x80, $0x38;
	[tilespmem:$0x4400] =	vst v63  }
0x278: {  	s23 =	sand.u32 $0x1FFFFFF0, s31;
	s24 =	spop (v2sf);
	s22 =	sadd.s32 s4, s30  }
0x279: {  	(v2sf) =	vpush v0, $0xE;
	[tilespmem:s20], [sflag:$0x1] =	stream.linear.gather [hbm4b:s22+s3], $0x80, $0x38;
	[tilespmem:$0x4400] =	vst v63  }
0x27a: {  	s25 =	sadd.s32 s4, s23;
	s26 =	sand.u32 $0x1FFFFFF0, s24;
	s28 =	spop (v2sf)  }
0x27b: {  	(v2sf) =	vpush v0, $0xF;
	[tilespmem:s9], [sflag:$0x1] =	stream.linear.gather [hbm4b:s25+s3], $0x80, $0x38;
	[tilespmem:$0x4400] =	vst v63  }
0x27c: {  	s30 =	sand.u32 $0x1FFFFFF0, s28;
	s31 =	spop (v2sf);
	s29 =	sadd.s32 s4, s26  }
0x27d: {  	[tilespmem:s6], [sflag:$0x1] =	stream.linear.gather [hbm4b:s29+s3], $0x80, $0x38;
	[tilespmem:$0x4400] =	vst v63  }
0x27e: {  	s20 =	sand.u32 $0x1FFFFFF0, s31;
	s9 =	sadd.s32 s4, s30;
	s21 =	spop (v2sf)  }
0x27f: {  	[tilespmem:s5], [sflag:$0x1] =	stream.linear.gather [hbm4b:s9+s3], $0x80, $0x38;
	[tilespmem:$0x4400] =	vst v63  }
0x280: {  	s22 =	sadd.s32 s4, s20;
	s23 =	sand.u32 $0x1FFFFFF0, s21;
	s24 =	spop (v2sf)  }
0x281: {  	[tilespmem:s1], [sflag:$0x1] =	stream.linear.gather [hbm4b:s22+s3], $0x80, $0x38;
	[tilespmem:$0x4400] =	vst v63  }
0x282: {  	s25 =	sadd.s32 s4, s23;
	s26 =	sand.u32 $0x1FFFFFF0, s24;
	s28 =	spop (v2sf)  }
0x283: {  	[tilespmem:s0], [sflag:$0x1] =	stream.linear.gather [hbm4b:s25+s3], $0x80, $0x38;
	[tilespmem:$0x4400] =	vst v63  }
0x284: {  	s29 =	sadd.s32 s4, s26;
	s30 =	sand.u32 $0x1FFFFFF0, s28;
	s31 =	spop (v2sf)  }
0x285: {  	[tilespmem:s19], [sflag:$0x1] =	stream.linear.gather [hbm4b:s29+s3], $0x80, $0x38;
	[tilespmem:$0x4400] =	vst v63  }
0x286: {  	s6 =	sadd.s32 s4, s30;
	s9 =	sand.u32 $0x1FFFFFF0, s31;
	s19 =	spop (v2sf)  }
0x287: {  	[tilespmem:s18], [sflag:$0x1] =	stream.linear.gather [hbm4b:s6+s3], $0x80, $0x38;
	[tilespmem:$0x4400] =	vst v63  }
0x288: {  	s20 =	sadd.s32 s4, s9;
	s21 =	sand.u32 $0x1FFFFFF0, s19;
	s22 =	spop (v2sf)  }
0x289: {  	[tilespmem:s17], [sflag:$0x1] =	stream.linear.gather [hbm4b:s20+s3], $0x80, $0x38;
	[tilespmem:$0x4400] =	vst v63  }
0x28a: {  	s23 =	sadd.s32 s4, s21;
	s24 =	sand.u32 $0x1FFFFFF0, s22;
	s25 =	spop (v2sf)  }
0x28b: {  	[tilespmem:s16], [sflag:$0x1] =	stream.linear.gather [hbm4b:s23+s3], $0x80, $0x38;
	[tilespmem:$0x4400] =	vst v63  }
0x28c: {  	s29 =	sld [smem:$0x7CB];
	s26 =	sadd.s32 s4, s24;
	s28 =	sand.u32 $0x1FFFFFF0, s25  }
0x28d: {  	[tilespmem:s15], [sflag:$0x1] =	stream.linear.gather [hbm4b:s26+s3], $0x80, $0x38;
	[tilespmem:$0x4400] =	vst v63  }
0x28e: {  	s30 =	sadd.s32 s4, s28  }
0x28f: {  	[tilespmem:s29], [sflag:$0x1] =	stream.linear.gather [hbm4b:s30+s3], $0x80, $0x38;
	[tilespmem:$0x4400] =	vst v63  }
0x290: {  	v61 =	vld [tilespmem:s14+$0xFFFFFFF0];
	_ =	sdelay $0x4  }
0x291: {  	v0 =	vshll.u32 v61, $0x4  }
0x292: {  	(v2sf) =	vpush v0, $0x0  }
0x293: {  	(v2sf) =	vpush v0, $0x1  }
0x294: {  	s5 =	sld [smem:$0x7D2];
	(v2sf) =	vpush v0, $0x2  }
0x295: {  	s1 =	sld [smem:$0x7D3]  }
0x296: {  	s31 =	sld [smem:$0x7CC];
	(v2sf) =	vpush v0, $0x3  }
0x297: {  	s0 =	sld [smem:$0x7D4]  }
0x298: {  	s9 =	sld [smem:$0x7D0];
	(v2sf) =	vpush v0, $0x4  }
0x299: {  	s19 =	sld [smem:$0x7D6]  }
0x29a: {  	s18 =	sld [smem:$0x7D7];
	(v2sf) =	vpush v0, $0x5  }
0x29b: {  	s6 =	sld [smem:$0x7D1]  }
0x29c: {  	s21 =	sld [smem:$0x7CF];
	(v2sf) =	vpush v0, $0x6  }
0x29d: {  	s22 =	sld [smem:$0x7CE]  }
0x29e: {  	s25 =	sld [smem:$0x7CD];
	(v2sf) =	vpush v0, $0x7  }
0x29f: {  	s17 =	sld [smem:$0x7D8]  }
0x2a0: {  	s20 =	sld [smem:$0x7D5];
	(v2sf) =	vpush v0, $0x8  }
0x2a1: {  	s16 =	sld [smem:$0x7D9];
	s26 =	spop (v2sf)  }
0x2a2: {  	s15 =	sld [smem:$0x7DA];
	s24 =	sand.u32 $0x1FFFFFF0, s26;
	s28 =	spop (v2sf);
	(v2sf) =	vpush v0, $0x9  }
0x2a3: {  	s24 =	sadd.s32 s4, s24;
	s26 =	sand.u32 $0x1FFFFFF0, s28;
	s28 =	spop (v2sf)  }
0x2a4: {  	(v2sf) =	vpush v0, $0xA;
	[tilespmem:s31], [sflag:$0x1] =	stream.linear.gather [hbm4b:s24+s3], $0x80, $0x38;
	[tilespmem:$0x4400] =	vst v63  }
0x2a5: {  	s29 =	sadd.s32 s4, s26;
	s30 =	sand.u32 $0x1FFFFFF0, s28;
	s31 =	spop (v2sf)  }
0x2a6: {  	(v2sf) =	vpush v0, $0xB;
	[tilespmem:s25], [sflag:$0x1] =	stream.linear.gather [hbm4b:s29+s3], $0x80, $0x38;
	[tilespmem:$0x4400] =	vst v63  }
0x2a7: {  	s26 =	sand.u32 $0x1FFFFFF0, s31;
	s28 =	spop (v2sf);
	s25 =	sadd.s32 s4, s30  }
0x2a8: {  	(v2sf) =	vpush v0, $0xC;
	[tilespmem:s22], [sflag:$0x1] =	stream.linear.gather [hbm4b:s25+s3], $0x80, $0x38;
	[tilespmem:$0x4400] =	vst v63  }
0x2a9: {  	s29 =	sadd.s32 s4, s26;
	s30 =	sand.u32 $0x1FFFFFF0, s28;
	s31 =	spop (v2sf)  }
0x2aa: {  	(v2sf) =	vpush v0, $0xD;
	[tilespmem:s21], [sflag:$0x1] =	stream.linear.gather [hbm4b:s29+s3], $0x80, $0x38;
	[tilespmem:$0x4400] =	vst v63  }
0x2ab: {  	s23 =	sand.u32 $0x1FFFFFF0, s31;
	s24 =	spop (v2sf);
	s22 =	sadd.s32 s4, s30  }
0x2ac: {  	(v2sf) =	vpush v0, $0xE;
	[tilespmem:s9], [sflag:$0x1] =	stream.linear.gather [hbm4b:s22+s3], $0x80, $0x38;
	[tilespmem:$0x4400] =	vst v63  }
0x2ad: {  	s25 =	sadd.s32 s4, s23;
	s26 =	sand.u32 $0x1FFFFFF0, s24;
	s28 =	spop (v2sf)  }
0x2ae: {  	(v2sf) =	vpush v0, $0xF;
	[tilespmem:s6], [sflag:$0x1] =	stream.linear.gather [hbm4b:s25+s3], $0x80, $0x38;
	[tilespmem:$0x4400] =	vst v63  }
0x2af: {  	s30 =	sand.u32 $0x1FFFFFF0, s28;
	s31 =	spop (v2sf);
	s29 =	sadd.s32 s4, s26  }
0x2b0: {  	[tilespmem:s5], [sflag:$0x1] =	stream.linear.gather [hbm4b:s29+s3], $0x80, $0x38;
	[tilespmem:$0x4400] =	vst v63  }
0x2b1: {  	s9 =	sand.u32 $0x1FFFFFF0, s31;
	s6 =	sadd.s32 s4, s30;
	s21 =	spop (v2sf)  }
0x2b2: {  	[tilespmem:s1], [sflag:$0x1] =	stream.linear.gather [hbm4b:s6+s3], $0x80, $0x38;
	[tilespmem:$0x4400] =	vst v63  }
0x2b3: {  	s22 =	sadd.s32 s4, s9;
	s23 =	sand.u32 $0x1FFFFFF0, s21;
	s24 =	spop (v2sf)  }
0x2b4: {  	[tilespmem:s0], [sflag:$0x1] =	stream.linear.gather [hbm4b:s22+s3], $0x80, $0x38;
	[tilespmem:$0x4400] =	vst v63  }
0x2b5: {  	s25 =	sadd.s32 s4, s23;
	s26 =	sand.u32 $0x1FFFFFF0, s24;
	s28 =	spop (v2sf)  }
0x2b6: {  	[tilespmem:s20], [sflag:$0x1] =	stream.linear.gather [hbm4b:s25+s3], $0x80, $0x38;
	[tilespmem:$0x4400] =	vst v63  }
0x2b7: {  	s29 =	sadd.s32 s4, s26;
	s30 =	sand.u32 $0x1FFFFFF0, s28;
	s31 =	spop (v2sf)  }
0x2b8: {  	[tilespmem:s19], [sflag:$0x1] =	stream.linear.gather [hbm4b:s29+s3], $0x80, $0x38;
	[tilespmem:$0x4400] =	vst v63  }
0x2b9: {  	s1 =	sadd.s32 s4, s30;
	s6 =	sand.u32 $0x1FFFFFF0, s31;
	s9 =	spop (v2sf)  }
0x2ba: {  	[tilespmem:s18], [sflag:$0x1] =	stream.linear.gather [hbm4b:s1+s3], $0x80, $0x38;
	[tilespmem:$0x4400] =	vst v63  }
0x2bb: {  	s20 =	spop (v2sf);
	s19 =	sand.u32 $0x1FFFFFF0, s9;
	s18 =	sadd.s32 s4, s6  }
0x2bc: {  	[tilespmem:s17], [sflag:$0x1] =	stream.linear.gather [hbm4b:s18+s3], $0x80, $0x38;
	[tilespmem:$0x4400] =	vst v63  }
0x2bd: {  	s22 =	sand.u32 $0x1FFFFFF0, s20;
	s23 =	spop (v2sf);
	s21 =	sadd.s32 s4, s19  }
0x2be: {  	[tilespmem:s16], [sflag:$0x1] =	stream.linear.gather [hbm4b:s21+s3], $0x80, $0x38;
	[tilespmem:$0x4400] =	vst v63  }
0x2bf: {  	s26 =	sld [smem:$0x7DB];
	s24 =	sadd.s32 s4, s22;
	s25 =	sand.u32 $0x1FFFFFF0, s23  }
0x2c0: {  	[tilespmem:s15], [sflag:$0x1] =	stream.linear.gather [hbm4b:s24+s3], $0x80, $0x38;
	[tilespmem:$0x4400] =	vst v63  }
0x2c1: {  	s28 =	sadd.s32 s4, s25  }
0x2c2: {  	[tilespmem:s26], [sflag:$0x1] =	stream.linear.gather [hbm4b:s28+s3], $0x80, $0x38;
	[tilespmem:$0x4400] =	vst v63  }
0x2c3: {  	v62 =	vld [tilespmem:s14+$0x0];
	_ =	sdelay $0x4  }
0x2c4: {  	v0 =	vshll.u32 v62, $0x4  }
0x2c5: {  	(v2sf) =	vpush v0, $0x0  }
0x2c6: {  	(v2sf) =	vpush v0, $0x1  }
0x2c7: {  	s5 =	sld [smem:$0x7E2];
	(v2sf) =	vpush v0, $0x2  }
0x2c8: {  	s0 =	sld [smem:$0x7E4]  }
0x2c9: {  	s20 =	sld [smem:$0x7E5];
	(v2sf) =	vpush v0, $0x3  }
0x2ca: {  	s9 =	sld [smem:$0x7E0]  }
0x2cb: {  	s22 =	sld [smem:$0x7DE];
	(v2sf) =	vpush v0, $0x4  }
0x2cc: {  	s23 =	sld [smem:$0x7DC]  }
0x2cd: {  	s19 =	sld [smem:$0x7E6];
	(v2sf) =	vpush v0, $0x5  }
0x2ce: {  	s25 =	sld [smem:$0x7DD]  }
0x2cf: {  	s1 =	sld [smem:$0x7E3];
	(v2sf) =	vpush v0, $0x6  }
0x2d0: {  	s6 =	sld [smem:$0x7E1]  }
0x2d1: {  	s17 =	sld [smem:$0x7E8];
	(v2sf) =	vpush v0, $0x7  }
0x2d2: {  	s18 =	sld [smem:$0x7E7]  }
0x2d3: {  	s16 =	sld [smem:$0x7E9];
	(v2sf) =	vpush v0, $0x8  }
0x2d4: {  	s21 =	sld [smem:$0x7DF];
	s29 =	spop (v2sf)  }
0x2d5: {  	s15 =	sld [smem:$0x7EA];
	s24 =	sand.u32 $0x1FFFFFF0, s29;
	s30 =	spop (v2sf);
	(v2sf) =	vpush v0, $0x9  }
0x2d6: {  	s24 =	sadd.s32 s4, s24;
	s26 =	sand.u32 $0x1FFFFFF0, s30;
	s31 =	spop (v2sf)  }
0x2d7: {  	(v2sf) =	vpush v0, $0xA;
	[tilespmem:s23], [sflag:$0x1] =	stream.linear.gather [hbm4b:s24+s3], $0x80, $0x38;
	[tilespmem:$0x4400] =	vst v63  }
0x2d8: {  	s29 =	sadd.s32 s4, s26;
	s30 =	sand.u32 $0x1FFFFFF0, s31;
	s31 =	spop (v2sf)  }
0x2d9: {  	(v2sf) =	vpush v0, $0xB;
	[tilespmem:s25], [sflag:$0x1] =	stream.linear.gather [hbm4b:s29+s3], $0x80, $0x38;
	[tilespmem:$0x4400] =	vst v63  }
0x2da: {  	s26 =	sand.u32 $0x1FFFFFF0, s31;
	s28 =	spop (v2sf);
	s25 =	sadd.s32 s4, s30  }
0x2db: {  	(v2sf) =	vpush v0, $0xC;
	[tilespmem:s22], [sflag:$0x1] =	stream.linear.gather [hbm4b:s25+s3], $0x80, $0x38;
	[tilespmem:$0x4400] =	vst v63  }
0x2dc: {  	s29 =	sadd.s32 s4, s26;
	s30 =	sand.u32 $0x1FFFFFF0, s28;
	s31 =	spop (v2sf)  }
0x2dd: {  	(v2sf) =	vpush v0, $0xD;
	[tilespmem:s21], [sflag:$0x1] =	stream.linear.gather [hbm4b:s29+s3], $0x80, $0x38;
	[tilespmem:$0x4400] =	vst v63  }
0x2de: {  	s23 =	sand.u32 $0x1FFFFFF0, s31;
	s24 =	spop (v2sf);
	s22 =	sadd.s32 s4, s30  }
0x2df: {  	(v2sf) =	vpush v0, $0xE;
	[tilespmem:s9], [sflag:$0x1] =	stream.linear.gather [hbm4b:s22+s3], $0x80, $0x38;
	[tilespmem:$0x4400] =	vst v63  }
0x2e0: {  	s25 =	sadd.s32 s4, s23;
	s26 =	sand.u32 $0x1FFFFFF0, s24;
	s28 =	spop (v2sf)  }
0x2e1: {  	(v2sf) =	vpush v0, $0xF;
	[tilespmem:s6], [sflag:$0x1] =	stream.linear.gather [hbm4b:s25+s3], $0x80, $0x38;
	[tilespmem:$0x4400] =	vst v63  }
0x2e2: {  	s30 =	sand.u32 $0x1FFFFFF0, s28;
	s31 =	spop (v2sf);
	s29 =	sadd.s32 s4, s26  }
0x2e3: {  	[tilespmem:s5], [sflag:$0x1] =	stream.linear.gather [hbm4b:s29+s3], $0x80, $0x38;
	[tilespmem:$0x4400] =	vst v63  }
0x2e4: {  	s9 =	sand.u32 $0x1FFFFFF0, s31;
	s6 =	sadd.s32 s4, s30;
	s21 =	spop (v2sf)  }
0x2e5: {  	[tilespmem:s1], [sflag:$0x1] =	stream.linear.gather [hbm4b:s6+s3], $0x80, $0x38;
	[tilespmem:$0x4400] =	vst v63  }
0x2e6: {  	s22 =	sadd.s32 s4, s9;
	s23 =	sand.u32 $0x1FFFFFF0, s21;
	s24 =	spop (v2sf)  }
0x2e7: {  	[tilespmem:s0], [sflag:$0x1] =	stream.linear.gather [hbm4b:s22+s3], $0x80, $0x38;
	[tilespmem:$0x4400] =	vst v63  }
0x2e8: {  	s25 =	sadd.s32 s4, s23;
	s26 =	sand.u32 $0x1FFFFFF0, s24;
	s28 =	spop (v2sf)  }
0x2e9: {  	[tilespmem:s20], [sflag:$0x1] =	stream.linear.gather [hbm4b:s25+s3], $0x80, $0x38;
	[tilespmem:$0x4400] =	vst v63  }
0x2ea: {  	s29 =	sadd.s32 s4, s26;
	s30 =	sand.u32 $0x1FFFFFF0, s28;
	s31 =	spop (v2sf)  }
0x2eb: {  	[tilespmem:s19], [sflag:$0x1] =	stream.linear.gather [hbm4b:s29+s3], $0x80, $0x38;
	[tilespmem:$0x4400] =	vst v63  }
0x2ec: {  	s1 =	sadd.s32 s4, s30;
	s6 =	sand.u32 $0x1FFFFFF0, s31;
	s9 =	spop (v2sf)  }
0x2ed: {  	[tilespmem:s18], [sflag:$0x1] =	stream.linear.gather [hbm4b:s1+s3], $0x80, $0x38;
	[tilespmem:$0x4400] =	vst v63  }
0x2ee: {  	s20 =	spop (v2sf);
	s19 =	sand.u32 $0x1FFFFFF0, s9;
	s18 =	sadd.s32 s4, s6  }
0x2ef: {  	[tilespmem:s17], [sflag:$0x1] =	stream.linear.gather [hbm4b:s18+s3], $0x80, $0x38;
	[tilespmem:$0x4400] =	vst v63  }
0x2f0: {  	s22 =	sand.u32 $0x1FFFFFF0, s20;
	s23 =	spop (v2sf);
	s21 =	sadd.s32 s4, s19  }
0x2f1: {  	[tilespmem:s16], [sflag:$0x1] =	stream.linear.gather [hbm4b:s21+s3], $0x80, $0x38;
	[tilespmem:$0x4400] =	vst v63  }
0x2f2: {  	s26 =	sld [smem:$0x7EB];
	s24 =	sadd.s32 s4, s22;
	s25 =	sand.u32 $0x1FFFFFF0, s23  }
0x2f3: {  	[tilespmem:s15], [sflag:$0x1] =	stream.linear.gather [hbm4b:s24+s3], $0x80, $0x38;
	[tilespmem:$0x4400] =	vst v63  }
0x2f4: {  	s28 =	sadd.s32 s4, s25  }
0x2f5: {  	[tilespmem:s26], [sflag:$0x1] =	stream.linear.gather [hbm4b:s28+s3], $0x80, $0x38;
	[tilespmem:$0x4400] =	vst v63  }
0x2f6: {  	v63 =	vld [tilespmem:s14+$0x10];
	_ =	sdelay $0x4  }
0x2f7: {  	v0 =	vshll.u32 v63, $0x4  }
0x2f8: {  	(v2sf) =	vpush v0, $0x0  }
0x2f9: {  	(v2sf) =	vpush v0, $0x1  }
0x2fa: {  	s5 =	sld [smem:$0x7F2];
	(v2sf) =	vpush v0, $0x2  }
0x2fb: {  	s0 =	sld [smem:$0x7F5]  }
0x2fc: {  	s20 =	sld [smem:$0x7F7];
	(v2sf) =	vpush v0, $0x3  }
0x2fd: {  	s9 =	sld [smem:$0x7F0]  }
0x2fe: {  	s22 =	sld [smem:$0x7EE];
	(v2sf) =	vpush v0, $0x4  }
0x2ff: {  	s23 =	sld [smem:$0x7EC]  }
0x300: {  	s19 =	sld [smem:$0x7F8];
	(v2sf) =	vpush v0, $0x5  }
0x301: {  	s25 =	sld [smem:$0x7ED]  }
0x302: {  	s1 =	sld [smem:$0x7F3];
	(v2sf) =	vpush v0, $0x6  }
0x303: {  	s6 =	sld [smem:$0x7F1]  }
0x304: {  	s17 =	sld [smem:$0x7FA];
	(v2sf) =	vpush v0, $0x7  }
0x305: {  	s18 =	sld [smem:$0x7F9]  }
0x306: {  	s16 =	sld [smem:$0x7FB];
	(v2sf) =	vpush v0, $0x8  }
0x307: {  	s21 =	sld [smem:$0x7EF];
	s29 =	spop (v2sf)  }
0x308: {  	s15 =	sld [smem:$0x7FC];
	(v2sf) =	vpush v0, $0x9;
	s24 =	sand.u32 $0x1FFFFFF0, s29;
	s30 =	spop (v2sf)  }
0x309: {  	s24 =	sadd.s32 s4, s24;
	s26 =	sand.u32 $0x1FFFFFF0, s30;
	s31 =	spop (v2sf)  }
0x30a: {  	(v2sf) =	vpush v0, $0xA;
	[tilespmem:s23], [sflag:$0x1] =	stream.linear.gather [hbm4b:s24+s3], $0x80, $0x38;
	[tilespmem:$0x4400] =	vst v63  }
0x30b: {  	s29 =	sadd.s32 s4, s26;
	s30 =	sand.u32 $0x1FFFFFF0, s31;
	s31 =	spop (v2sf)  }
0x30c: {  	(v2sf) =	vpush v0, $0xB;
	[tilespmem:s25], [sflag:$0x1] =	stream.linear.gather [hbm4b:s29+s3], $0x80, $0x38;
	[tilespmem:$0x4400] =	vst v63  }
0x30d: {  	s26 =	sand.u32 $0x1FFFFFF0, s31;
	s28 =	spop (v2sf);
	s25 =	sadd.s32 s4, s30  }
0x30e: {  	(v2sf) =	vpush v0, $0xC;
	[tilespmem:s22], [sflag:$0x1] =	stream.linear.gather [hbm4b:s25+s3], $0x80, $0x38;
	[tilespmem:$0x4400] =	vst v63  }
0x30f: {  	s29 =	sadd.s32 s4, s26;
	s30 =	sand.u32 $0x1FFFFFF0, s28;
	s31 =	spop (v2sf)  }
0x310: {  	(v2sf) =	vpush v0, $0xD;
	[tilespmem:s21], [sflag:$0x1] =	stream.linear.gather [hbm4b:s29+s3], $0x80, $0x38;
	[tilespmem:$0x4400] =	vst v63  }
0x311: {  	s23 =	sand.u32 $0x1FFFFFF0, s31;
	s24 =	spop (v2sf);
	s22 =	sadd.s32 s4, s30  }
0x312: {  	(v2sf) =	vpush v0, $0xE;
	[tilespmem:s9], [sflag:$0x1] =	stream.linear.gather [hbm4b:s22+s3], $0x80, $0x38;
	[tilespmem:$0x4400] =	vst v63  }
0x313: {  	s25 =	sadd.s32 s4, s23;
	s26 =	sand.u32 $0x1FFFFFF0, s24;
	s28 =	spop (v2sf)  }
0x314: {  	(v2sf) =	vpush v0, $0xF;
	[tilespmem:s6], [sflag:$0x1] =	stream.linear.gather [hbm4b:s25+s3], $0x80, $0x38;
	[tilespmem:$0x4400] =	vst v63  }
0x315: {  	s30 =	sand.u32 $0x1FFFFFF0, s28;
	s31 =	spop (v2sf);
	s29 =	sadd.s32 s4, s26  }
0x316: {  	[tilespmem:s5], [sflag:$0x1] =	stream.linear.gather [hbm4b:s29+s3], $0x80, $0x38;
	[tilespmem:$0x4400] =	vst v63  }
0x317: {  	s9 =	sand.u32 $0x1FFFFFF0, s31;
	s6 =	sadd.s32 s4, s30;
	s21 =	spop (v2sf)  }
0x318: {  	[tilespmem:s1], [sflag:$0x1] =	stream.linear.gather [hbm4b:s6+s3], $0x80, $0x38;
	[tilespmem:$0x4400] =	vst v63  }
0x319: {  	s22 =	sadd.s32 s4, s9;
	s23 =	sand.u32 $0x1FFFFFF0, s21;
	s24 =	spop (v2sf)  }
0x31a: {  	[tilespmem:s0], [sflag:$0x1] =	stream.linear.gather [hbm4b:s22+s3], $0x80, $0x38;
	[tilespmem:$0x4400] =	vst v63  }
0x31b: {  	s25 =	sadd.s32 s4, s23;
	s26 =	sand.u32 $0x1FFFFFF0, s24;
	s28 =	spop (v2sf)  }
0x31c: {  	[tilespmem:s20], [sflag:$0x1] =	stream.linear.gather [hbm4b:s25+s3], $0x80, $0x38;
	[tilespmem:$0x4400] =	vst v63  }
0x31d: {  	s29 =	sadd.s32 s4, s26;
	s30 =	sand.u32 $0x1FFFFFF0, s28;
	s31 =	spop (v2sf)  }
0x31e: {  	[tilespmem:s19], [sflag:$0x1] =	stream.linear.gather [hbm4b:s29+s3], $0x80, $0x38;
	[tilespmem:$0x4400] =	vst v63  }
0x31f: {  	s6 =	sadd.s32 s4, s30;
	s9 =	sand.u32 $0x1FFFFFF0, s31;
	s19 =	spop (v2sf)  }
0x320: {  	[tilespmem:s18], [sflag:$0x1] =	stream.linear.gather [hbm4b:s6+s3], $0x80, $0x38;
	[tilespmem:$0x4400] =	vst v63  }
0x321: {  	s20 =	sadd.s32 s4, s9;
	s21 =	sand.u32 $0x1FFFFFF0, s19;
	s22 =	spop (v2sf)  }
0x322: {  	[tilespmem:s17], [sflag:$0x1] =	stream.linear.gather [hbm4b:s20+s3], $0x80, $0x38;
	[tilespmem:$0x4400] =	vst v63  }
0x323: {  	s23 =	sadd.s32 s4, s21;
	s24 =	sand.u32 $0x1FFFFFF0, s22;
	s25 =	spop (v2sf)  }
0x324: {  	[tilespmem:s16], [sflag:$0x1] =	stream.linear.gather [hbm4b:s23+s3], $0x80, $0x38;
	[tilespmem:$0x4400] =	vst v63  }
0x325: {  	s29 =	sld [smem:$0x7FD];
	s26 =	sadd.s32 s4, s24;
	s28 =	sand.u32 $0x1FFFFFF0, s25  }
0x326: {  	[tilespmem:s15], [sflag:$0x1] =	stream.linear.gather [hbm4b:s26+s3], $0x80, $0x38;
	[tilespmem:$0x4400] =	vst v63  }
0x327: {  	s30 =	sadd.s32 s4, s28  }
0x328: {  	[tilespmem:s29], [sflag:$0x1] =	stream.linear.gather [hbm4b:s30+s3], $0x80, $0x38;
	[tilespmem:$0x4400] =	vst v63  }
0x329: {  	_ =	swait.ge [sflag:s11], $0x2000  }
0x32a: {  	s31 =	sld [smem:$0x797];
	_ =	sdelay $0x1  }
0x32b: {  	[sflag:s11] =	ssyncset.done $0x0  }
0x32c: {  	[sflag:s11] =	ssyncadd.s32 $0xFFFFE000;
	s0 =	sadd.s32 $0x0, s31  }
0x32d: {  	[hbm4b:s0+s3] =	stream.linear.scatter [tilespmem:s12], [sflag:$0x2], $0x2000, $0x38;
	[tilespmem:$0x4400] =	vst v63  }
0x32e: {  	_ =	swait.ge [sflag:s8], $0x2000  }
0x32f: {  	s15 =	simm.s32 $0x400;
	[sflag:s8] =	ssyncset.done $0x0  }
.LBB2_4:
0x330: {  	p0 =	sne.s32 s15, $0x1C00;
	[sflag:s8] =	ssyncadd.s32 $0xFFFFE000;
	s14 =	sadd.s32 $0x40, s14  }
0x331: {  	s16 =	smov.u32 s15;
	s15 =	sadd.s32 $0x400, s15;
	v0 =	vld [tilespmem:s14+$0xFFFFFFE0];
	_ =	sdelay $0x4  }
0x332: {  	v0 =	vshll.u32 v0, $0x4  }
0x333: {  	(v2sf) =	vpush v0, $0x0  }
0x334: {  	(v2sf) =	vpush v0, $0x1  }
0x335: {  	(v2sf) =	vpush v0, $0x2  }
0x336: {  	s17 =	sld [smem:$0x7CA]  }
0x337: {  	s18 =	sld [smem:$0x7C9];
	(v2sf) =	vpush v0, $0x3  }
0x338: {  	s19 =	sld [smem:$0x7C8]  }
0x339: {  	s20 =	sld [smem:$0x7C7];
	(v2sf) =	vpush v0, $0x4  }
0x33a: {  	s21 =	sld [smem:$0x7C6]  }
0x33b: {  	s22 =	sld [smem:$0x7C5];
	(v2sf) =	vpush v0, $0x5  }
0x33c: {  	s23 =	sld [smem:$0x7C4]  }
0x33d: {  	s24 =	sld [smem:$0x7C3];
	(v2sf) =	vpush v0, $0x6  }
0x33e: {  	s25 =	sld [smem:$0x7C2]  }
0x33f: {  	s0 =	sld [smem:$0x7C1];
	(v2sf) =	vpush v0, $0x7  }
0x340: {  	s1 =	sld [smem:$0x7C0]  }
0x341: {  	s5 =	sld [smem:$0x7BF];
	(v2sf) =	vpush v0, $0x8  }
0x342: {  	s6 =	sld [smem:$0x7BE];
	s9 =	spop (v2sf)  }
0x343: {  	s9 =	sand.u32 $0x1FFFFFF0, s9;
	s26 =	sld [smem:$0x7BD];
	s28 =	spop (v2sf);
	(v2sf) =	vpush v0, $0x9  }
0x344: {  	s9 =	sadd.s32 s4, s9;
	s28 =	sand.u32 $0x1FFFFFF0, s28;
	s29 =	spop (v2sf)  }
0x345: {  	[tilespmem:s12], [sflag:$0x1] =	stream.linear.gather [hbm4b:s9+s3], $0x80, $0x38;
	(v2sf) =	vpush v0, $0xA;
	[tilespmem:$0x4400] =	vst v63  }
0x346: {  	s9 =	sadd.s32 s4, s28;
	s28 =	sand.u32 $0x1FFFFFF0, s29;
	s29 =	spop (v2sf)  }
0x347: {  	[tilespmem:s26], [sflag:$0x1] =	stream.linear.gather [hbm4b:s9+s3], $0x80, $0x38;
	(v2sf) =	vpush v0, $0xB;
	[tilespmem:$0x4400] =	vst v63  }
0x348: {  	s9 =	sadd.s32 s4, s28;
	s26 =	sand.u32 $0x1FFFFFF0, s29;
	s28 =	spop (v2sf)  }
0x349: {  	[tilespmem:s6], [sflag:$0x1] =	stream.linear.gather [hbm4b:s9+s3], $0x80, $0x38;
	(v2sf) =	vpush v0, $0xC;
	[tilespmem:$0x4400] =	vst v63  }
0x34a: {  	s6 =	sadd.s32 s4, s26;
	s9 =	sand.u32 $0x1FFFFFF0, s28;
	s26 =	spop (v2sf)  }
0x34b: {  	[tilespmem:s5], [sflag:$0x1] =	stream.linear.gather [hbm4b:s6+s3], $0x80, $0x38;
	(v2sf) =	vpush v0, $0xD;
	[tilespmem:$0x4400] =	vst v63  }
0x34c: {  	s5 =	sadd.s32 s4, s9;
	s6 =	sand.u32 $0x1FFFFFF0, s26;
	s9 =	spop (v2sf)  }
0x34d: {  	[tilespmem:s1], [sflag:$0x1] =	stream.linear.gather [hbm4b:s5+s3], $0x80, $0x38;
	(v2sf) =	vpush v0, $0xE;
	[tilespmem:$0x4400] =	vst v63  }
0x34e: {  	s1 =	sadd.s32 s4, s6;
	s5 =	sand.u32 $0x1FFFFFF0, s9;
	s6 =	spop (v2sf)  }
0x34f: {  	[tilespmem:s0], [sflag:$0x1] =	stream.linear.gather [hbm4b:s1+s3], $0x80, $0x38;
	(v2sf) =	vpush v0, $0xF;
	[tilespmem:$0x4400] =	vst v63  }
0x350: {  	s0 =	sadd.s32 s4, s5;
	s1 =	sand.u32 $0x1FFFFFF0, s6;
	s5 =	spop (v2sf)  }
0x351: {  	[tilespmem:s25], [sflag:$0x1] =	stream.linear.gather [hbm4b:s0+s3], $0x80, $0x38;
	[tilespmem:$0x4400] =	vst v63  }
0x352: {  	s0 =	sadd.s32 s4, s1;
	s1 =	sand.u32 $0x1FFFFFF0, s5;
	s5 =	spop (v2sf)  }
0x353: {  	[tilespmem:s24], [sflag:$0x1] =	stream.linear.gather [hbm4b:s0+s3], $0x80, $0x38;
	[tilespmem:$0x4400] =	vst v63  }
0x354: {  	s0 =	sadd.s32 s4, s1;
	s1 =	sand.u32 $0x1FFFFFF0, s5;
	s5 =	spop (v2sf)  }
0x355: {  	[tilespmem:s23], [sflag:$0x1] =	stream.linear.gather [hbm4b:s0+s3], $0x80, $0x38;
	[tilespmem:$0x4400] =	vst v63  }
0x356: {  	s0 =	sadd.s32 s4, s1;
	s1 =	sand.u32 $0x1FFFFFF0, s5;
	s5 =	spop (v2sf)  }
0x357: {  	[tilespmem:s22], [sflag:$0x1] =	stream.linear.gather [hbm4b:s0+s3], $0x80, $0x38;
	[tilespmem:$0x4400] =	vst v63  }
0x358: {  	s0 =	sadd.s32 s4, s1;
	s1 =	sand.u32 $0x1FFFFFF0, s5;
	s5 =	spop (v2sf)  }
0x359: {  	[tilespmem:s21], [sflag:$0x1] =	stream.linear.gather [hbm4b:s0+s3], $0x80, $0x38;
	[tilespmem:$0x4400] =	vst v63  }
0x35a: {  	s0 =	sadd.s32 s4, s1;
	s1 =	sand.u32 $0x1FFFFFF0, s5;
	s5 =	spop (v2sf)  }
0x35b: {  	[tilespmem:s20], [sflag:$0x1] =	stream.linear.gather [hbm4b:s0+s3], $0x80, $0x38;
	[tilespmem:$0x4400] =	vst v63  }
0x35c: {  	s0 =	sadd.s32 s4, s1;
	s1 =	sand.u32 $0x1FFFFFF0, s5;
	s5 =	spop (v2sf)  }
0x35d: {  	[tilespmem:s19], [sflag:$0x1] =	stream.linear.gather [hbm4b:s0+s3], $0x80, $0x38;
	[tilespmem:$0x4400] =	vst v63  }
0x35e: {  	s0 =	sadd.s32 s4, s1;
	s1 =	sand.u32 $0x1FFFFFF0, s5;
	s5 =	spop (v2sf)  }
0x35f: {  	[tilespmem:s18], [sflag:$0x1] =	stream.linear.gather [hbm4b:s0+s3], $0x80, $0x38;
	[tilespmem:$0x4400] =	vst v63  }
0x360: {  	s0 =	sadd.s32 s4, s1;
	s1 =	sand.u32 $0x1FFFFFF0, s5;
	s5 =	sld [smem:$0x7CB]  }
0x361: {  	[tilespmem:s17], [sflag:$0x1] =	stream.linear.gather [hbm4b:s0+s3], $0x80, $0x38;
	[tilespmem:$0x4400] =	vst v63  }
0x362: {  	s0 =	sadd.s32 s4, s1  }
0x363: {  	[tilespmem:s5], [sflag:$0x1] =	stream.linear.gather [hbm4b:s0+s3], $0x80, $0x38;
	[tilespmem:$0x4400] =	vst v63  }
0x364: {  	v0 =	vld [tilespmem:s14+$0xFFFFFFF0];
	_ =	sdelay $0x4  }
0x365: {  	v0 =	vshll.u32 v0, $0x4  }
0x366: {  	(v2sf) =	vpush v0, $0x0  }
0x367: {  	(v2sf) =	vpush v0, $0x1  }
0x368: {  	s17 =	sld [smem:$0x7DA];
	(v2sf) =	vpush v0, $0x2  }
0x369: {  	s18 =	sld [smem:$0x7D9]  }
0x36a: {  	s19 =	sld [smem:$0x7D8];
	(v2sf) =	vpush v0, $0x3  }
0x36b: {  	s20 =	sld [smem:$0x7D7]  }
0x36c: {  	s21 =	sld [smem:$0x7D6];
	(v2sf) =	vpush v0, $0x4  }
0x36d: {  	s22 =	sld [smem:$0x7D5]  }
0x36e: {  	s23 =	sld [smem:$0x7D4];
	(v2sf) =	vpush v0, $0x5  }
0x36f: {  	s24 =	sld [smem:$0x7D3]  }
0x370: {  	s25 =	sld [smem:$0x7D2];
	(v2sf) =	vpush v0, $0x6  }
0x371: {  	s0 =	sld [smem:$0x7D1]  }
0x372: {  	s1 =	sld [smem:$0x7D0];
	(v2sf) =	vpush v0, $0x7  }
0x373: {  	s5 =	sld [smem:$0x7CF]  }
0x374: {  	s6 =	sld [smem:$0x7CE];
	(v2sf) =	vpush v0, $0x8  }
0x375: {  	s9 =	sld [smem:$0x7CC];
	s26 =	spop (v2sf)  }
0x376: {  	s26 =	sand.u32 $0x1FFFFFF0, s26;
	s28 =	sld [smem:$0x7CD];
	s29 =	spop (v2sf);
	(v2sf) =	vpush v0, $0x9  }
0x377: {  	s26 =	sadd.s32 s4, s26;
	s29 =	sand.u32 $0x1FFFFFF0, s29;
	s30 =	spop (v2sf)  }
0x378: {  	[tilespmem:s9], [sflag:$0x1] =	stream.linear.gather [hbm4b:s26+s3], $0x80, $0x38;
	(v2sf) =	vpush v0, $0xA;
	[tilespmem:$0x4400] =	vst v63  }
0x379: {  	s9 =	sadd.s32 s4, s29;
	s26 =	sand.u32 $0x1FFFFFF0, s30;
	s29 =	spop (v2sf)  }
0x37a: {  	[tilespmem:s28], [sflag:$0x1] =	stream.linear.gather [hbm4b:s9+s3], $0x80, $0x38;
	(v2sf) =	vpush v0, $0xB;
	[tilespmem:$0x4400] =	vst v63  }
0x37b: {  	s9 =	sadd.s32 s4, s26;
	s26 =	sand.u32 $0x1FFFFFF0, s29;
	s28 =	spop (v2sf)  }
0x37c: {  	[tilespmem:s6], [sflag:$0x1] =	stream.linear.gather [hbm4b:s9+s3], $0x80, $0x38;
	(v2sf) =	vpush v0, $0xC;
	[tilespmem:$0x4400] =	vst v63  }
0x37d: {  	s6 =	sadd.s32 s4, s26;
	s9 =	sand.u32 $0x1FFFFFF0, s28;
	s26 =	spop (v2sf)  }
0x37e: {  	[tilespmem:s5], [sflag:$0x1] =	stream.linear.gather [hbm4b:s6+s3], $0x80, $0x38;
	(v2sf) =	vpush v0, $0xD;
	[tilespmem:$0x4400] =	vst v63  }
0x37f: {  	s5 =	sadd.s32 s4, s9;
	s6 =	sand.u32 $0x1FFFFFF0, s26;
	s9 =	spop (v2sf)  }
0x380: {  	[tilespmem:s1], [sflag:$0x1] =	stream.linear.gather [hbm4b:s5+s3], $0x80, $0x38;
	(v2sf) =	vpush v0, $0xE;
	[tilespmem:$0x4400] =	vst v63  }
0x381: {  	s1 =	sadd.s32 s4, s6;
	s5 =	sand.u32 $0x1FFFFFF0, s9;
	s6 =	spop (v2sf)  }
0x382: {  	[tilespmem:s0], [sflag:$0x1] =	stream.linear.gather [hbm4b:s1+s3], $0x80, $0x38;
	(v2sf) =	vpush v0, $0xF;
	[tilespmem:$0x4400] =	vst v63  }
0x383: {  	s0 =	sadd.s32 s4, s5;
	s1 =	sand.u32 $0x1FFFFFF0, s6;
	s5 =	spop (v2sf)  }
0x384: {  	[tilespmem:s25], [sflag:$0x1] =	stream.linear.gather [hbm4b:s0+s3], $0x80, $0x38;
	[tilespmem:$0x4400] =	vst v63  }
0x385: {  	s0 =	sadd.s32 s4, s1;
	s1 =	sand.u32 $0x1FFFFFF0, s5;
	s5 =	spop (v2sf)  }
0x386: {  	[tilespmem:s24], [sflag:$0x1] =	stream.linear.gather [hbm4b:s0+s3], $0x80, $0x38;
	[tilespmem:$0x4400] =	vst v63  }
0x387: {  	s0 =	sadd.s32 s4, s1;
	s1 =	sand.u32 $0x1FFFFFF0, s5;
	s5 =	spop (v2sf)  }
0x388: {  	[tilespmem:s23], [sflag:$0x1] =	stream.linear.gather [hbm4b:s0+s3], $0x80, $0x38;
	[tilespmem:$0x4400] =	vst v63  }
0x389: {  	s0 =	sadd.s32 s4, s1;
	s1 =	sand.u32 $0x1FFFFFF0, s5;
	s5 =	spop (v2sf)  }
0x38a: {  	[tilespmem:s22], [sflag:$0x1] =	stream.linear.gather [hbm4b:s0+s3], $0x80, $0x38;
	[tilespmem:$0x4400] =	vst v63  }
0x38b: {  	s0 =	sadd.s32 s4, s1;
	s1 =	sand.u32 $0x1FFFFFF0, s5;
	s5 =	spop (v2sf)  }
0x38c: {  	[tilespmem:s21], [sflag:$0x1] =	stream.linear.gather [hbm4b:s0+s3], $0x80, $0x38;
	[tilespmem:$0x4400] =	vst v63  }
0x38d: {  	s0 =	sadd.s32 s4, s1;
	s1 =	sand.u32 $0x1FFFFFF0, s5;
	s5 =	spop (v2sf)  }
0x38e: {  	[tilespmem:s20], [sflag:$0x1] =	stream.linear.gather [hbm4b:s0+s3], $0x80, $0x38;
	[tilespmem:$0x4400] =	vst v63  }
0x38f: {  	s0 =	sadd.s32 s4, s1;
	s1 =	sand.u32 $0x1FFFFFF0, s5;
	s5 =	spop (v2sf)  }
0x390: {  	[tilespmem:s19], [sflag:$0x1] =	stream.linear.gather [hbm4b:s0+s3], $0x80, $0x38;
	[tilespmem:$0x4400] =	vst v63  }
0x391: {  	s0 =	sadd.s32 s4, s1;
	s1 =	sand.u32 $0x1FFFFFF0, s5;
	s5 =	spop (v2sf)  }
0x392: {  	[tilespmem:s18], [sflag:$0x1] =	stream.linear.gather [hbm4b:s0+s3], $0x80, $0x38;
	[tilespmem:$0x4400] =	vst v63  }
0x393: {  	s0 =	sadd.s32 s4, s1;
	s1 =	sand.u32 $0x1FFFFFF0, s5;
	s5 =	sld [smem:$0x7DB]  }
0x394: {  	[tilespmem:s17], [sflag:$0x1] =	stream.linear.gather [hbm4b:s0+s3], $0x80, $0x38;
	[tilespmem:$0x4400] =	vst v63  }
0x395: {  	s0 =	sadd.s32 s4, s1  }
0x396: {  	[tilespmem:s5], [sflag:$0x1] =	stream.linear.gather [hbm4b:s0+s3], $0x80, $0x38;
	[tilespmem:$0x4400] =	vst v63  }
0x397: {  	v0 =	vld [tilespmem:s14+$0x0];
	_ =	sdelay $0x4  }
0x398: {  	v0 =	vshll.u32 v0, $0x4  }
0x399: {  	(v2sf) =	vpush v0, $0x0  }
0x39a: {  	(v2sf) =	vpush v0, $0x1  }
0x39b: {  	s17 =	sld [smem:$0x7EA];
	(v2sf) =	vpush v0, $0x2  }
0x39c: {  	s18 =	sld [smem:$0x7E9]  }
0x39d: {  	s19 =	sld [smem:$0x7E8];
	(v2sf) =	vpush v0, $0x3  }
0x39e: {  	s20 =	sld [smem:$0x7E7]  }
0x39f: {  	s21 =	sld [smem:$0x7E6];
	(v2sf) =	vpush v0, $0x4  }
0x3a0: {  	s22 =	sld [smem:$0x7E5]  }
0x3a1: {  	s23 =	sld [smem:$0x7E4];
	(v2sf) =	vpush v0, $0x5  }
0x3a2: {  	s24 =	sld [smem:$0x7E3]  }
0x3a3: {  	s25 =	sld [smem:$0x7E2];
	(v2sf) =	vpush v0, $0x6  }
0x3a4: {  	s0 =	sld [smem:$0x7E1]  }
0x3a5: {  	s1 =	sld [smem:$0x7E0];
	(v2sf) =	vpush v0, $0x7  }
0x3a6: {  	s5 =	sld [smem:$0x7DF]  }
0x3a7: {  	s6 =	sld [smem:$0x7DE];
	(v2sf) =	vpush v0, $0x8  }
0x3a8: {  	s9 =	sld [smem:$0x7DC];
	s26 =	spop (v2sf)  }
0x3a9: {  	s26 =	sand.u32 $0x1FFFFFF0, s26;
	s28 =	sld [smem:$0x7DD];
	s29 =	spop (v2sf);
	(v2sf) =	vpush v0, $0x9  }
0x3aa: {  	s26 =	sadd.s32 s4, s26;
	s29 =	sand.u32 $0x1FFFFFF0, s29;
	s30 =	spop (v2sf)  }
0x3ab: {  	[tilespmem:s9], [sflag:$0x1] =	stream.linear.gather [hbm4b:s26+s3], $0x80, $0x38;
	(v2sf) =	vpush v0, $0xA;
	[tilespmem:$0x4400] =	vst v63  }
0x3ac: {  	s9 =	sadd.s32 s4, s29;
	s26 =	sand.u32 $0x1FFFFFF0, s30;
	s29 =	spop (v2sf)  }
0x3ad: {  	[tilespmem:s28], [sflag:$0x1] =	stream.linear.gather [hbm4b:s9+s3], $0x80, $0x38;
	(v2sf) =	vpush v0, $0xB;
	[tilespmem:$0x4400] =	vst v63  }
0x3ae: {  	s9 =	sadd.s32 s4, s26;
	s26 =	sand.u32 $0x1FFFFFF0, s29;
	s28 =	spop (v2sf)  }
0x3af: {  	[tilespmem:s6], [sflag:$0x1] =	stream.linear.gather [hbm4b:s9+s3], $0x80, $0x38;
	(v2sf) =	vpush v0, $0xC;
	[tilespmem:$0x4400] =	vst v63  }
0x3b0: {  	s6 =	sadd.s32 s4, s26;
	s9 =	sand.u32 $0x1FFFFFF0, s28;
	s26 =	spop (v2sf)  }
0x3b1: {  	[tilespmem:s5], [sflag:$0x1] =	stream.linear.gather [hbm4b:s6+s3], $0x80, $0x38;
	(v2sf) =	vpush v0, $0xD;
	[tilespmem:$0x4400] =	vst v63  }
0x3b2: {  	s5 =	sadd.s32 s4, s9;
	s6 =	sand.u32 $0x1FFFFFF0, s26;
	s9 =	spop (v2sf)  }
0x3b3: {  	[tilespmem:s1], [sflag:$0x1] =	stream.linear.gather [hbm4b:s5+s3], $0x80, $0x38;
	(v2sf) =	vpush v0, $0xE;
	[tilespmem:$0x4400] =	vst v63  }
0x3b4: {  	s1 =	sadd.s32 s4, s6;
	s5 =	sand.u32 $0x1FFFFFF0, s9;
	s6 =	spop (v2sf)  }
0x3b5: {  	[tilespmem:s0], [sflag:$0x1] =	stream.linear.gather [hbm4b:s1+s3], $0x80, $0x38;
	(v2sf) =	vpush v0, $0xF;
	[tilespmem:$0x4400] =	vst v63  }
0x3b6: {  	s0 =	sadd.s32 s4, s5;
	s1 =	sand.u32 $0x1FFFFFF0, s6;
	s5 =	spop (v2sf)  }
0x3b7: {  	[tilespmem:s25], [sflag:$0x1] =	stream.linear.gather [hbm4b:s0+s3], $0x80, $0x38;
	[tilespmem:$0x4400] =	vst v63  }
0x3b8: {  	s0 =	sadd.s32 s4, s1;
	s1 =	sand.u32 $0x1FFFFFF0, s5;
	s5 =	spop (v2sf)  }
0x3b9: {  	[tilespmem:s24], [sflag:$0x1] =	stream.linear.gather [hbm4b:s0+s3], $0x80, $0x38;
	[tilespmem:$0x4400] =	vst v63  }
0x3ba: {  	s0 =	sadd.s32 s4, s1;
	s1 =	sand.u32 $0x1FFFFFF0, s5;
	s5 =	spop (v2sf)  }
0x3bb: {  	[tilespmem:s23], [sflag:$0x1] =	stream.linear.gather [hbm4b:s0+s3], $0x80, $0x38;
	[tilespmem:$0x4400] =	vst v63  }
0x3bc: {  	s0 =	sadd.s32 s4, s1;
	s1 =	sand.u32 $0x1FFFFFF0, s5;
	s5 =	spop (v2sf)  }
0x3bd: {  	[tilespmem:s22], [sflag:$0x1] =	stream.linear.gather [hbm4b:s0+s3], $0x80, $0x38;
	[tilespmem:$0x4400] =	vst v63  }
0x3be: {  	s0 =	sadd.s32 s4, s1;
	s1 =	sand.u32 $0x1FFFFFF0, s5;
	s5 =	spop (v2sf)  }
0x3bf: {  	[tilespmem:s21], [sflag:$0x1] =	stream.linear.gather [hbm4b:s0+s3], $0x80, $0x38;
	[tilespmem:$0x4400] =	vst v63  }
0x3c0: {  	s0 =	sadd.s32 s4, s1;
	s1 =	sand.u32 $0x1FFFFFF0, s5;
	s5 =	spop (v2sf)  }
0x3c1: {  	[tilespmem:s20], [sflag:$0x1] =	stream.linear.gather [hbm4b:s0+s3], $0x80, $0x38;
	[tilespmem:$0x4400] =	vst v63  }
0x3c2: {  	s0 =	sadd.s32 s4, s1;
	s1 =	sand.u32 $0x1FFFFFF0, s5;
	s5 =	spop (v2sf)  }
0x3c3: {  	[tilespmem:s19], [sflag:$0x1] =	stream.linear.gather [hbm4b:s0+s3], $0x80, $0x38;
	[tilespmem:$0x4400] =	vst v63  }
0x3c4: {  	s0 =	sadd.s32 s4, s1;
	s1 =	sand.u32 $0x1FFFFFF0, s5;
	s5 =	spop (v2sf)  }
0x3c5: {  	[tilespmem:s18], [sflag:$0x1] =	stream.linear.gather [hbm4b:s0+s3], $0x80, $0x38;
	[tilespmem:$0x4400] =	vst v63  }
0x3c6: {  	s0 =	sadd.s32 s4, s1;
	s1 =	sand.u32 $0x1FFFFFF0, s5;
	s5 =	sld [smem:$0x7EB]  }
0x3c7: {  	[tilespmem:s17], [sflag:$0x1] =	stream.linear.gather [hbm4b:s0+s3], $0x80, $0x38;
	[tilespmem:$0x4400] =	vst v63  }
0x3c8: {  	s0 =	sadd.s32 s4, s1  }
0x3c9: {  	[tilespmem:s5], [sflag:$0x1] =	stream.linear.gather [hbm4b:s0+s3], $0x80, $0x38;
	[tilespmem:$0x4400] =	vst v63  }
0x3ca: {  	v0 =	vld [tilespmem:s14+$0x10];
	_ =	sdelay $0x4  }
0x3cb: {  	v0 =	vshll.u32 v0, $0x4  }
0x3cc: {  	(v2sf) =	vpush v0, $0x0  }
0x3cd: {  	(v2sf) =	vpush v0, $0x1  }
0x3ce: {  	s17 =	sld [smem:$0x7FC];
	(v2sf) =	vpush v0, $0x2  }
0x3cf: {  	s18 =	sld [smem:$0x7FB]  }
0x3d0: {  	s19 =	sld [smem:$0x7FA];
	(v2sf) =	vpush v0, $0x3  }
0x3d1: {  	s20 =	sld [smem:$0x7F9]  }
0x3d2: {  	s21 =	sld [smem:$0x7F8];
	(v2sf) =	vpush v0, $0x4  }
0x3d3: {  	s22 =	sld [smem:$0x7F7]  }
0x3d4: {  	s23 =	sld [smem:$0x7F5];
	(v2sf) =	vpush v0, $0x5  }
0x3d5: {  	s24 =	sld [smem:$0x7F3]  }
0x3d6: {  	s25 =	sld [smem:$0x7F2];
	(v2sf) =	vpush v0, $0x6  }
0x3d7: {  	s0 =	sld [smem:$0x7F1]  }
0x3d8: {  	s1 =	sld [smem:$0x7F0];
	(v2sf) =	vpush v0, $0x7  }
0x3d9: {  	s5 =	sld [smem:$0x7EF]  }
0x3da: {  	s6 =	sld [smem:$0x7EE];
	(v2sf) =	vpush v0, $0x8  }
0x3db: {  	s9 =	sld [smem:$0x7EC];
	s26 =	spop (v2sf)  }
0x3dc: {  	s26 =	sand.u32 $0x1FFFFFF0, s26;
	s28 =	sld [smem:$0x7ED];
	s29 =	spop (v2sf);
	(v2sf) =	vpush v0, $0x9  }
0x3dd: {  	s26 =	sadd.s32 s4, s26;
	s29 =	sand.u32 $0x1FFFFFF0, s29;
	s30 =	spop (v2sf)  }
0x3de: {  	[tilespmem:s9], [sflag:$0x1] =	stream.linear.gather [hbm4b:s26+s3], $0x80, $0x38;
	(v2sf) =	vpush v0, $0xA;
	[tilespmem:$0x4400] =	vst v63  }
0x3df: {  	s9 =	sadd.s32 s4, s29;
	s26 =	sand.u32 $0x1FFFFFF0, s30;
	s29 =	spop (v2sf)  }
0x3e0: {  	[tilespmem:s28], [sflag:$0x1] =	stream.linear.gather [hbm4b:s9+s3], $0x80, $0x38;
	(v2sf) =	vpush v0, $0xB;
	[tilespmem:$0x4400] =	vst v63  }
0x3e1: {  	s9 =	sadd.s32 s4, s26;
	s26 =	sand.u32 $0x1FFFFFF0, s29;
	s28 =	spop (v2sf)  }
0x3e2: {  	[tilespmem:s6], [sflag:$0x1] =	stream.linear.gather [hbm4b:s9+s3], $0x80, $0x38;
	(v2sf) =	vpush v0, $0xC;
	[tilespmem:$0x4400] =	vst v63  }
0x3e3: {  	s6 =	sadd.s32 s4, s26;
	s9 =	sand.u32 $0x1FFFFFF0, s28;
	s26 =	spop (v2sf)  }
0x3e4: {  	[tilespmem:s5], [sflag:$0x1] =	stream.linear.gather [hbm4b:s6+s3], $0x80, $0x38;
	(v2sf) =	vpush v0, $0xD;
	[tilespmem:$0x4400] =	vst v63  }
0x3e5: {  	s5 =	sadd.s32 s4, s9;
	s6 =	sand.u32 $0x1FFFFFF0, s26;
	s9 =	spop (v2sf)  }
0x3e6: {  	[tilespmem:s1], [sflag:$0x1] =	stream.linear.gather [hbm4b:s5+s3], $0x80, $0x38;
	(v2sf) =	vpush v0, $0xE;
	[tilespmem:$0x4400] =	vst v63  }
0x3e7: {  	s1 =	sadd.s32 s4, s6;
	s5 =	sand.u32 $0x1FFFFFF0, s9;
	s6 =	spop (v2sf)  }
0x3e8: {  	[tilespmem:s0], [sflag:$0x1] =	stream.linear.gather [hbm4b:s1+s3], $0x80, $0x38;
	(v2sf) =	vpush v0, $0xF;
	[tilespmem:$0x4400] =	vst v63  }
0x3e9: {  	s0 =	sadd.s32 s4, s5;
	s1 =	sand.u32 $0x1FFFFFF0, s6;
	s5 =	spop (v2sf)  }
0x3ea: {  	[tilespmem:s25], [sflag:$0x1] =	stream.linear.gather [hbm4b:s0+s3], $0x80, $0x38;
	[tilespmem:$0x4400] =	vst v63  }
0x3eb: {  	s0 =	sadd.s32 s4, s1;
	s1 =	sand.u32 $0x1FFFFFF0, s5;
	s5 =	spop (v2sf)  }
0x3ec: {  	[tilespmem:s24], [sflag:$0x1] =	stream.linear.gather [hbm4b:s0+s3], $0x80, $0x38;
	[tilespmem:$0x4400] =	vst v63  }
0x3ed: {  	s0 =	sadd.s32 s4, s1;
	s1 =	sand.u32 $0x1FFFFFF0, s5;
	s5 =	spop (v2sf)  }
0x3ee: {  	[tilespmem:s23], [sflag:$0x1] =	stream.linear.gather [hbm4b:s0+s3], $0x80, $0x38;
	[tilespmem:$0x4400] =	vst v63  }
0x3ef: {  	s0 =	sadd.s32 s4, s1;
	s1 =	sand.u32 $0x1FFFFFF0, s5;
	s5 =	spop (v2sf)  }
0x3f0: {  	[tilespmem:s22], [sflag:$0x1] =	stream.linear.gather [hbm4b:s0+s3], $0x80, $0x38;
	[tilespmem:$0x4400] =	vst v63  }
0x3f1: {  	s0 =	sadd.s32 s4, s1;
	s1 =	sand.u32 $0x1FFFFFF0, s5;
	s5 =	spop (v2sf)  }
0x3f2: {  	[tilespmem:s21], [sflag:$0x1] =	stream.linear.gather [hbm4b:s0+s3], $0x80, $0x38;
	[tilespmem:$0x4400] =	vst v63  }
0x3f3: {  	s0 =	sadd.s32 s4, s1;
	s1 =	sand.u32 $0x1FFFFFF0, s5;
	s5 =	spop (v2sf)  }
0x3f4: {  	[tilespmem:s20], [sflag:$0x1] =	stream.linear.gather [hbm4b:s0+s3], $0x80, $0x38;
	[tilespmem:$0x4400] =	vst v63  }
0x3f5: {  	s0 =	sadd.s32 s4, s1;
	s1 =	sand.u32 $0x1FFFFFF0, s5;
	s5 =	spop (v2sf)  }
0x3f6: {  	[tilespmem:s19], [sflag:$0x1] =	stream.linear.gather [hbm4b:s0+s3], $0x80, $0x38;
	[tilespmem:$0x4400] =	vst v63  }
0x3f7: {  	s0 =	sadd.s32 s4, s1;
	s1 =	sand.u32 $0x1FFFFFF0, s5;
	s5 =	spop (v2sf)  }
0x3f8: {  	[tilespmem:s18], [sflag:$0x1] =	stream.linear.gather [hbm4b:s0+s3], $0x80, $0x38;
	[tilespmem:$0x4400] =	vst v63  }
0x3f9: {  	s0 =	sadd.s32 s4, s1;
	s1 =	sand.u32 $0x1FFFFFF0, s5;
	s5 =	sld [smem:$0x7FD]  }
0x3fa: {  	[tilespmem:s17], [sflag:$0x1] =	stream.linear.gather [hbm4b:s0+s3], $0x80, $0x38;
	[tilespmem:$0x4400] =	vst v63  }
0x3fb: {  	s0 =	sadd.s32 s4, s1  }
0x3fc: {  	[tilespmem:s5], [sflag:$0x1] =	stream.linear.gather [hbm4b:s0+s3], $0x80, $0x38;
	[tilespmem:$0x4400] =	vst v63  }
0x3fd: {  	_ =	swait.ge [sflag:s11], $0x2000  }
0x3fe: {  	s0 =	sld [smem:$0x797];
	_ =	sdelay $0x1  }
.Ltmp1:
0x3ff: {  	[sflag:s11] =	ssyncset.done $0x0;
	(pc) =	sbr.rel @p0 .LBB2_4-.Ltmp1, $4  }
0x400: {  	[sflag:s11] =	ssyncadd.s32 $0xFFFFE000;
	s0 =	sadd.s32 s16, s0  }
0x401: {  	[hbm4b:s0+s3] =	stream.linear.scatter [tilespmem:s12], [sflag:$0x2], $0x2000, $0x38;
	[tilespmem:$0x4400] =	vst v63  }
0x402: {  	_ =	swait.ge [sflag:s8], $0x2000  }
0x403: {  	[sflag:s8] =	ssyncset.done $0x0  }
0x404: {  	s13 =	sadd.s32 $0x1, s13  }
0x405: {  	p0 =	sne.s32 s13, s7  }
.Ltmp2:
0x406: {  	_ = 	snop;
	(pc) =	sbr.rel @p0 .LBB2_1-.Ltmp2, $2  }
0x407: {  	_ =	sdelay $0x2  }
0x408: {  	[sflag:s8] =	ssyncadd.s32 $0xFFFFE000  }
0x409: {  	_ =	sfence.sel $0x180000  }
0x40a: {  	[bflag:$0x0] =	sbarrier.arrive $0xFFFF  }
0x40b: {  	_ =	strace $0x90000047  }
0x40c: {  	s0 =	stileid.u32;
	[bflag:$0x2] =	sbarrier.arrive $0xFFFF  }
0x40d: {  	p0 =	sne.s32 s0, $0x0;
	s0 =	rddreg [dreg:$0x4]  }
0x40e: {  	s0 =	sadd.s32 @!p0 $0x100000, s0  }
0x40f: {  	[sflag:s0] =	ssyncadd.tile.s32 @!p0 $0x1;
	_ =	shalt  }
.Lfunc_end2:
_tile_overlayer_lowered:
.L_overlay_start_2:
0x410: {  	(tag) =	ssettag $0x2  }
0x411: {  	s0 =	rddreg [dreg:$0x0];
	s2 =	stileid.u32  }
0x412: {  	s1 =	rddreg [dreg:$0x1];
	p0 =	sne.s32 s2, $0x0  }
0x413: {  	s3 =	rddreg [dreg:$0x2];
	[bflag:$0x3] =	sbarrier.arrive $0xFFFF;
	s2 =	simm.s32 @!p0 $0x1C02  }
0x414: {  	[timem:s3], [sflag:s2] =	dma.local @!p0 [hbm:s0], s1  }
0x415: {  	s0 =	simm.s32 @!p0 $0x2  }
0x416: {  	_ =	swait.ge @!p0 [sflag:s0], s1  }
0x417: {  	s1 =	ssub.s32 @!p0 $0x0, s1;
	[sflag:s0] =	ssyncset.done @!p0 $0x0  }
0x418: {  	[sflag:s0] =	ssyncadd.s32 @!p0 s1  }
0x419: {  	[bflag:$0x3] =	sbarrier.arrive $0xFFFF  }
0x41a: {  	_ =	shalt  }

</sc_bundles>
